<compile_context>
chip_gen: v7x
topology: tpu7x:2x2x1
jax: 0.10.2.dev20260603
libtpu: 0.0.44.dev20260713+nightly
codegen_flags: <defaults>
</compile_context>

<pallas_src>
import functools

import jax
import jax.numpy as jnp
from jax import lax
from jax.experimental import pallas as pl
from jax.experimental.pallas import tpu as pltpu
from jax.experimental.pallas import tpu_sc as plsc

NC = 2
NS = 16
CHB = 176
CHD = 256
DEG_W = 16
ROWCH = 128
KB = 4
KD = 4


def _cdiv(a, b):
    return (a + b - 1) // b


def kernel(x, edge_index, W, b, gamma, beta):
    n, d = x.shape
    e = edge_index.shape[1]
    dh = d // NC
    cpb = _cdiv(e, CHB * NS)
    cpb = _cdiv(cpb, KB) * KB
    e_pad = cpb * CHB * NS
    n_acc = _cdiv(n + 1, NS * ROWCH) * NS * ROWCH
    rpt = n_acc // NS
    wch = rpt // ROWCH
    n_grp_b = cpb // KB
    nw = NC * NS
    cpd = _cdiv(e, CHD * nw)
    cpd = _cdiv(cpd, KD) * KD
    e_pad_d = cpd * CHD * nw
    n_grp_d = cpd // KD
    tab_rows = n_acc

    row = edge_index[0]
    col = edge_index[1]
    padv = jnp.full((e_pad - e,), n, jnp.int32)
    padd = jnp.full((e_pad_d - e,), n, jnp.int32)
    rowb = jnp.concatenate([row, padv]).reshape(NS, cpb, CHB)
    colb = jnp.concatenate([col, padv]).reshape(NS, cpb, CHB)
    row3 = jnp.concatenate([rowb, rowb + tab_rows], axis=0)
    cold = jnp.concatenate([col, padd]).reshape(nw, cpd, CHD)

    zrows = jnp.zeros((CHB, dh), jnp.float32)
    onesw = jnp.ones((CHD, DEG_W), jnp.float32)
    zerosw = jnp.zeros((CHD, DEG_W), jnp.float32)

    mesh = plsc.VectorSubcoreMesh(core_axis_name="c", subcore_axis_name="s")

    @functools.partial(
        pl.kernel,
        out_type=jax.ShapeDtypeStruct((NC, n_acc, dh), jnp.float32),
        mesh=mesh,
        scratch_types=[
            pltpu.VMEM((cpb, CHB), jnp.int32),
            pltpu.VMEM((cpb, CHB), jnp.int32),
        ] + [pltpu.VMEM((CHB, dh), jnp.float32)] * KB + [
            pltpu.VMEM_SHARED((n_acc, dh), jnp.float32),
        ] + [pltpu.SemaphoreType.DMA] * (2 * KB),
        compiler_params=pltpu.CompilerParams(use_tc_tiling_on_sc=False),
    )
    def agg_kernel(tab_hbm, gidx_hbm, sidx_hbm, z_hbm, out_hbm,
                   ridx2, cidx2, *rest):
        bufs = rest[:KB]
        acc = rest[KB]
        gsem = rest[KB + 1:KB + 1 + KB]
        ssem = rest[KB + 1 + KB:]
        cid = lax.axis_index("c")
        sid = lax.axis_index("s")
        wid = cid * NS + sid
        r0 = sid * rpt
        pltpu.sync_copy(gidx_hbm.at[wid], ridx2)
        pltpu.sync_copy(sidx_hbm.at[sid], cidx2)
        pltpu.sync_copy(z_hbm, bufs[0])
        for k in range(wch):
            pltpu.sync_copy(bufs[0].at[pl.ds(0, ROWCH)],
                            acc.at[pl.ds(r0 + k * ROWCH, ROWCH)])
        plsc.subcore_barrier()

        def body(g, carry):
            gd = []
            for k in range(KB):
                c = g * KB + k
                gd.append(pltpu.async_copy(
                    tab_hbm.at[ridx2.at[c]], bufs[k], gsem[k]))
            sd = []
            for k in range(KB):
                c = g * KB + k
                gd[k].wait()
                sd.append(pltpu.async_copy(
                    bufs[k], acc.at[cidx2.at[c]], ssem[k], add=True))
            for dsc in sd:
                dsc.wait()
            return carry

        lax.fori_loop(0, n_grp_b, body, 0)
        plsc.subcore_barrier()
        for k in range(wch):
            pltpu.sync_copy(acc.at[pl.ds(r0 + k * ROWCH, ROWCH)],
                            bufs[0].at[pl.ds(0, ROWCH)])
            pltpu.sync_copy(bufs[0].at[pl.ds(0, ROWCH)],
                            out_hbm.at[cid, pl.ds(r0 + k * ROWCH, ROWCH)])


    @functools.partial(
        pl.kernel,
        out_type=jax.ShapeDtypeStruct((NC, n_acc, DEG_W), jnp.float32),
        mesh=mesh,
        scratch_types=[
            pltpu.VMEM((cpd, CHD), jnp.int32),
            pltpu.VMEM((CHD, DEG_W), jnp.float32),
            pltpu.VMEM((CHD, DEG_W), jnp.float32),
            pltpu.VMEM_SHARED((n_acc, DEG_W), jnp.float32),
        ] + [pltpu.SemaphoreType.DMA] * KD,
        compiler_params=pltpu.CompilerParams(use_tc_tiling_on_sc=False),
    )
    def deg_kernel(cold_hbm, ones_hbm, zeros_hbm, out_hbm,
                   cidx2, vone, vzero, acc, *sems):
        cid = lax.axis_index("c")
        sid = lax.axis_index("s")
        wid = cid * NS + sid
        r0 = sid * rpt
        pltpu.sync_copy(cold_hbm.at[wid], cidx2)
        pltpu.sync_copy(zeros_hbm, vzero)
        pltpu.sync_copy(ones_hbm, vone)
        for k in range(wch):
            pltpu.sync_copy(vzero.at[pl.ds(0, ROWCH)],
                            acc.at[pl.ds(r0 + k * ROWCH, ROWCH)])
        plsc.subcore_barrier()

        def body(g, carry):
            descs = []
            for k in range(KD):
                c = g * KD + k
                descs.append(pltpu.async_copy(
                    vone, acc.at[cidx2.at[c]], sems[k], add=True))
            for dsc in descs:
                dsc.wait()
            return carry

        lax.fori_loop(0, n_grp_d, body, 0)
        plsc.subcore_barrier()
        for k in range(wch):
            pltpu.sync_copy(acc.at[pl.ds(r0 + k * ROWCH, ROWCH)],
                            vzero.at[pl.ds(0, ROWCH)])
            pltpu.sync_copy(vzero.at[pl.ds(0, ROWCH)],
                            out_hbm.at[cid, pl.ds(r0 + k * ROWCH, ROWCH)])

    degp = deg_kernel(cold, onesw, zerosw)

    BM = 2000

    dp0 = degp[0, :n, 0:1]
    dp1 = degp[1, :n, 0:1]
    BM2 = n_acc // 5

    def s_body(x_ref, w_ref, d0_ref, d1_ref, yt_ref, dv_ref):
        i = pl.program_id(0)
        ridx = lax.broadcasted_iota(jnp.int32, (BM2, 1), 0) + i * BM2
        valid = ridx < n
        deg = d0_ref[...] + d1_ref[...]
        dinv = jnp.where(jnp.logical_and(valid, deg > 0.0),
                         lax.rsqrt(jnp.maximum(deg, 1e-12)), 0.0)
        xw = jnp.dot(x_ref[...], w_ref[...], preferred_element_type=jnp.float32)
        y = jnp.where(valid, xw * dinv, 0.0)
        yt_ref[0] = y[:, :dh]
        yt_ref[1] = y[:, dh:]
        dv_ref[...] = dinv

    yt, dinv = pl.pallas_call(
        s_body,
        grid=(5,),
        in_specs=[pl.BlockSpec((BM2, d), lambda i: (i, 0)),
                  pl.BlockSpec((d, d), lambda i: (0, 0)),
                  pl.BlockSpec((BM2, 1), lambda i: (i, 0)),
                  pl.BlockSpec((BM2, 1), lambda i: (i, 0))],
        out_specs=[pl.BlockSpec((NC, BM2, dh), lambda i: (0, i, 0)),
                   pl.BlockSpec((BM2, 1), lambda i: (i, 0))],
        out_shape=[jax.ShapeDtypeStruct((NC, n_acc, dh), jnp.float32),
                   jax.ShapeDtypeStruct((n_acc, 1), jnp.float32)],
    )(x, W, dp0, dp1)

    y_tab = yt.reshape(NC * n_acc, dh)
    dinv = dinv[:n]

    aggp = agg_kernel(y_tab, row3, colb, zrows)

    a0 = aggp[0, :n]
    a1 = aggp[1, :n]
    b2 = b.reshape(1, d)
    g2 = gamma.reshape(1, d)
    be2 = beta.reshape(1, d)

    def f1_body(a0_ref, a1_ref, dv_ref, b_ref, q_ref, st_ref):
        i = pl.program_id(0)
        dv = dv_ref[...]
        bb = b_ref[...]
        q = jnp.concatenate([a0_ref[...] * dv + bb[:, :dh],
                             a1_ref[...] * dv + bb[:, dh:]], axis=1)
        q_ref[...] = q

        @pl.when(i == 0)
        def _():
            st_ref[...] = jnp.zeros_like(st_ref)

        st_ref[0:1, :] += jnp.sum(q, axis=0, keepdims=True)
        st_ref[1:2, :] += jnp.sum(q * q, axis=0, keepdims=True)

    q, stats = pl.pallas_call(
        f1_body,
        grid=(n // BM,),
        in_specs=[pl.BlockSpec((BM, dh), lambda i: (i, 0)),
                  pl.BlockSpec((BM, dh), lambda i: (i, 0)),
                  pl.BlockSpec((BM, 1), lambda i: (i, 0)),
                  pl.BlockSpec((1, d), lambda i: (0, 0))],
        out_specs=[pl.BlockSpec((BM, d), lambda i: (i, 0)),
                   pl.BlockSpec((2, d), lambda i: (0, 0))],
        out_shape=[jax.ShapeDtypeStruct((n, d), jnp.float32),
                   jax.ShapeDtypeStruct((2, d), jnp.float32)],
    )(a0, a1, dinv, b2)

    def f2_body(q_ref, st_ref, g_ref, be_ref, x_ref, o_ref):
        mean = st_ref[0:1, :] * (1.0 / n)
        var = st_ref[1:2, :] * (1.0 / n) - mean * mean
        hh = (g_ref[...] * (q_ref[...] - mean) * lax.rsqrt(var + 1e-5)
              + be_ref[...])
        o_ref[...] = jnp.maximum(hh, 0.0) + x_ref[...]

    h = pl.pallas_call(
        f2_body,
        grid=(n // BM,),
        in_specs=[pl.BlockSpec((BM, d), lambda i: (i, 0)),
                  pl.BlockSpec((2, d), lambda i: (0, 0)),
                  pl.BlockSpec((1, d), lambda i: (0, 0)),
                  pl.BlockSpec((1, d), lambda i: (0, 0)),
                  pl.BlockSpec((BM, d), lambda i: (i, 0))],
        out_specs=pl.BlockSpec((BM, d), lambda i: (i, 0)),
        out_shape=jax.ShapeDtypeStruct((n, d), jnp.float32),
    )(q, stats, g2, be2, x)

    return h

# --- scband reference (transcript-rebuilt; emitter-appended) ---
"""Pipeline reference for scband-gcnlayer-8589934618 (READ-ONLY COPY).

The authoritative reference and input builder live on the scoring server;
editing this copy changes nothing except your own understanding.
"""

import jax, jax.numpy as jnp
import numpy as np

N = 10000
E = 320000
D = 128


def setup_inputs(seed: int = 0) -> dict:
    key = jax.random.key(seed)
    k1, k2, k3 = jax.random.split(key, 3)
    x = jax.random.normal(k1, (N, D), dtype=jnp.float32)
    edge_index = jax.random.randint(k2, (2, E), 0, N, dtype=jnp.int32)
    # GCNConv learned params: weight [in, out], bias [out]
    W = jax.random.normal(k3, (D, D), dtype=jnp.float32) * (1.0 / np.sqrt(D))
    b = jnp.zeros((D,), dtype=jnp.float32)
    # BatchNorm1d affine params
    gamma = jnp.ones((D,), dtype=jnp.float32)
    beta = jnp.zeros((D,), dtype=jnp.float32)
    return {"x": x, "edge_index": edge_index, "W": W, "b": b, "gamma": gamma, "beta": beta}


def reference(x, edge_index, W, b, gamma, beta):
    # GCNConv (normalize=True, add_self_loops=False):
    #   h = D^{-1/2} A D^{-1/2} (x W) + b, aggregated at target (col)
    row = edge_index[0]
    col = edge_index[1]
    n = x.shape[0]
    xw = x @ W
    ones = jnp.ones(row.shape[0], dtype=x.dtype)
    deg = jax.ops.segment_sum(ones, col, num_segments=n)
    dinv = jnp.where(deg > 0, 1.0 / jnp.sqrt(jnp.maximum(deg, 1e-12)), 0.0)
    norm = dinv[row] * dinv[col]
    msgs = xw[row] * norm[:, None]
    h = jax.ops.segment_sum(msgs, col, num_segments=n) + b
    # BatchNorm1d (training mode: batch statistics, biased variance)
    mean = jnp.mean(h, axis=0)
    var = jnp.mean((h - mean) ** 2, axis=0)
    h = gamma * (h - mean) / jnp.sqrt(var + 1e-5) + beta
    # activation = relu
    h = jax.nn.relu(h)
    # residual
    h = h + x
    return h

if __name__ == "__main__":
    import jax
    _d = setup_inputs()
    print(jax.jit(kernel)(*tuple(_d.values())))

</pallas_src>

<mosaic_0001>
#map = affine_map<(d0, d1) -> (0, 0, 0)>
#map1 = affine_map<(d0, d1) -> (0, 0)>
module attributes {stable_mosaic.version = 14 : i64} {
  func.func @deg_kernel(%arg0: i32, %arg1: i32, %arg2: memref<32x40x256xi32, #tpu.memory_space<hbm>>, %arg3: memref<256x16xf32, #tpu.memory_space<hbm>>, %arg4: memref<256x16xf32, #tpu.memory_space<hbm>>, %arg5: memref<2x10240x16xf32, #tpu.memory_space<hbm>>, %arg6: memref<40x256xi32, #tpu.memory_space<vmem>>, %arg7: memref<256x16xf32, #tpu.memory_space<vmem>>, %arg8: memref<256x16xf32, #tpu.memory_space<vmem>>, %arg9: memref<10240x16xf32, #tpu.memory_space<vmem_shared>>, %arg10: memref<!tpu.dma_semaphore, #tpu.memory_space<semaphore_mem>>, %arg11: memref<!tpu.dma_semaphore, #tpu.memory_space<semaphore_mem>>, %arg12: memref<!tpu.dma_semaphore, #tpu.memory_space<semaphore_mem>>, %arg13: memref<!tpu.dma_semaphore, #tpu.memory_space<semaphore_mem>>) attributes {dimension_semantics = [#tpu.dimension_semantics<core_parallel>, #tpu.dimension_semantics<subcore_parallel>], iteration_bounds = array<i64: 2, 16>, scalar_prefetch = 0 : i64, scratch_operands = 8 : i64, tpu.core_type = #tpu.core_type<sc_vector_subcore>, window_params = [{transform_indices = #map}, {transform_indices = #map1}, {transform_indices = #map1}, {transform_indices = #map}]} {
    %mul3A = arith.constant 16 : i32
    %mul3A_0 = arith.muli %arg0, %mul3A : i32
    %add3A = arith.addi %mul3A_0, %arg1 : i32
    %mul3A_1 = arith.constant 640 : i32
    %mul3A_2 = arith.muli %arg1, %mul3A_1 : i32
    "tpu.region"() ({
      %run_scoped3A = tpu.sem_alloc : memref<!tpu.dma_semaphore, #tpu.memory_space<semaphore_mem>>
      %dma_start3A = arith.constant 0 : i32
      %dma_start3A_39 = arith.constant 0 : i32
      %dma_start3A_40 = tpu.memref_slice %arg2[%add3A, %dma_start3A, %dma_start3A_39] : memref<32x40x256xi32, #tpu.memory_space<hbm>> -> memref<1x40x256xi32, #tpu.memory_space<hbm>>
      %dma_start3A_41 = tpu.memref_squeeze %dma_start3A_40 : memref<1x40x256xi32, #tpu.memory_space<hbm>> -> memref<40x256xi32, #tpu.memory_space<hbm>>
      %dma_start3A_42 = arith.constant 0 : i32
      %dma_start3A_43 = arith.constant 0 : i32
      %dma_start3A_44 = tpu.memref_slice %arg2[%add3A, %dma_start3A_42, %dma_start3A_43] : memref<32x40x256xi32, #tpu.memory_space<hbm>> -> memref<1x40x256xi32, #tpu.memory_space<hbm>>
      %dma_start3A_45 = tpu.memref_squeeze %dma_start3A_44 : memref<1x40x256xi32, #tpu.memory_space<hbm>> -> memref<40x256xi32, #tpu.memory_space<hbm>>
      tpu.enqueue_dma source(%dma_start3A_45 : memref<40x256xi32, #tpu.memory_space<hbm>>) target(%arg6 : memref<40x256xi32, #tpu.memory_space<vmem>>) target_semaphore(%run_scoped3A : memref<!tpu.dma_semaphore, #tpu.memory_space<semaphore_mem>>)
      %dma_wait3A = arith.constant 0 : i32
      %dma_wait3A_46 = arith.constant 0 : i32
      %dma_wait3A_47 = tpu.memref_slice %arg2[%add3A, %dma_wait3A, %dma_wait3A_46] : memref<32x40x256xi32, #tpu.memory_space<hbm>> -> memref<1x40x256xi32, #tpu.memory_space<hbm>>
      %dma_wait3A_48 = tpu.memref_squeeze %dma_wait3A_47 : memref<1x40x256xi32, #tpu.memory_space<hbm>> -> memref<40x256xi32, #tpu.memory_space<hbm>>
      %dma_wait3A_49 = arith.constant 0 : i32
      %dma_wait3A_50 = arith.constant 0 : i32
      %dma_wait3A_51 = tpu.memref_slice %arg2[%add3A, %dma_wait3A_49, %dma_wait3A_50] : memref<32x40x256xi32, #tpu.memory_space<hbm>> -> memref<1x40x256xi32, #tpu.memory_space<hbm>>
      %dma_wait3A_52 = tpu.memref_squeeze %dma_wait3A_51 : memref<1x40x256xi32, #tpu.memory_space<hbm>> -> memref<40x256xi32, #tpu.memory_space<hbm>>
      tpu.wait_dma2 semaphore(%run_scoped3A : memref<!tpu.dma_semaphore, #tpu.memory_space<semaphore_mem>>) src(%dma_wait3A_52 : memref<40x256xi32, #tpu.memory_space<hbm>>) dst(%arg6 : memref<40x256xi32, #tpu.memory_space<vmem>>)
      tpu.yield
    }) : () -> ()
    "tpu.region"() ({
      %run_scoped3A = tpu.sem_alloc : memref<!tpu.dma_semaphore, #tpu.memory_space<semaphore_mem>>
      tpu.enqueue_dma source(%arg4 : memref<256x16xf32, #tpu.memory_space<hbm>>) target(%arg8 : memref<256x16xf32, #tpu.memory_space<vmem>>) target_semaphore(%run_scoped3A : memref<!tpu.dma_semaphore, #tpu.memory_space<semaphore_mem>>)
      tpu.wait_dma2 semaphore(%run_scoped3A : memref<!tpu.dma_semaphore, #tpu.memory_space<semaphore_mem>>) src(%arg4 : memref<256x16xf32, #tpu.memory_space<hbm>>) dst(%arg8 : memref<256x16xf32, #tpu.memory_space<vmem>>)
      tpu.yield
    }) : () -> ()
    "tpu.region"() ({
      %run_scoped3A = tpu.sem_alloc : memref<!tpu.dma_semaphore, #tpu.memory_space<semaphore_mem>>
      tpu.enqueue_dma source(%arg3 : memref<256x16xf32, #tpu.memory_space<hbm>>) target(%arg7 : memref<256x16xf32, #tpu.memory_space<vmem>>) target_semaphore(%run_scoped3A : memref<!tpu.dma_semaphore, #tpu.memory_space<semaphore_mem>>)
      tpu.wait_dma2 semaphore(%run_scoped3A : memref<!tpu.dma_semaphore, #tpu.memory_space<semaphore_mem>>) src(%arg3 : memref<256x16xf32, #tpu.memory_space<hbm>>) dst(%arg7 : memref<256x16xf32, #tpu.memory_space<vmem>>)
      tpu.yield
    }) : () -> ()
    %add3A_3 = arith.constant 0 : i32
    %add3A_4 = arith.addi %mul3A_2, %add3A_3 : i32
    "tpu.region"() ({
      %run_scoped3A = tpu.sem_alloc : memref<!tpu.dma_semaphore, #tpu.memory_space<semaphore_mem>>
      %dma_start3A = arith.constant 0 : i32
      %dma_start3A_39 = arith.constant 0 : i32
      %dma_start3A_40 = tpu.memref_slice %arg8[%dma_start3A, %dma_start3A_39] : memref<256x16xf32, #tpu.memory_space<vmem>> -> memref<128x16xf32, #tpu.memory_space<vmem>>
      %dma_start3A_41 = arith.constant 0 : i32
      %dma_start3A_42 = tpu.memref_slice %arg9[%add3A_4, %dma_start3A_41] : memref<10240x16xf32, #tpu.memory_space<vmem_shared>> -> memref<128x16xf32, #tpu.memory_space<vmem_shared>>
      %dma_start3A_43 = arith.constant 0 : i32
      %dma_start3A_44 = tpu.memref_slice %arg9[%add3A_4, %dma_start3A_43] : memref<10240x16xf32, #tpu.memory_space<vmem_shared>> -> memref<128x16xf32, #tpu.memory_space<vmem_shared>>
      %dma_start3A_45 = arith.constant 0 : i32
      %dma_start3A_46 = arith.constant 0 : i32
      %dma_start3A_47 = tpu.memref_slice %arg8[%dma_start3A_45, %dma_start3A_46] : memref<256x16xf32, #tpu.memory_space<vmem>> -> memref<128x16xf32, #tpu.memory_space<vmem>>
      tpu.enqueue_dma source(%dma_start3A_47 : memref<128x16xf32, #tpu.memory_space<vmem>>) target(%dma_start3A_44 : memref<128x16xf32, #tpu.memory_space<vmem_shared>>) target_semaphore(%run_scoped3A : memref<!tpu.dma_semaphore, #tpu.memory_space<semaphore_mem>>)
      %dma_wait3A = arith.constant 0 : i32
      %dma_wait3A_48 = arith.constant 0 : i32
      %dma_wait3A_49 = tpu.memref_slice %arg8[%dma_wait3A, %dma_wait3A_48] : memref<256x16xf32, #tpu.memory_space<vmem>> -> memref<128x16xf32, #tpu.memory_space<vmem>>
      %dma_wait3A_50 = arith.constant 0 : i32
      %dma_wait3A_51 = tpu.memref_slice %arg9[%add3A_4, %dma_wait3A_50] : memref<10240x16xf32, #tpu.memory_space<vmem_shared>> -> memref<128x16xf32, #tpu.memory_space<vmem_shared>>
      %dma_wait3A_52 = arith.constant 0 : i32
      %dma_wait3A_53 = tpu.memref_slice %arg9[%add3A_4, %dma_wait3A_52] : memref<10240x16xf32, #tpu.memory_space<vmem_shared>> -> memref<128x16xf32, #tpu.memory_space<vmem_shared>>
      %dma_wait3A_54 = arith.constant 0 : i32
      %dma_wait3A_55 = arith.constant 0 : i32
      %dma_wait3A_56 = tpu.memref_slice %arg8[%dma_wait3A_54, %dma_wait3A_55] : memref<256x16xf32, #tpu.memory_space<vmem>> -> memref<128x16xf32, #tpu.memory_space<vmem>>
      tpu.wait_dma2 semaphore(%run_scoped3A : memref<!tpu.dma_semaphore, #tpu.memory_space<semaphore_mem>>) src(%dma_wait3A_56 : memref<128x16xf32, #tpu.memory_space<vmem>>) dst(%dma_wait3A_53 : memref<128x16xf32, #tpu.memory_space<vmem_shared>>)
      tpu.yield
    }) : () -> ()
    %add3A_5 = arith.constant 128 : i32
    %add3A_6 = arith.addi %mul3A_2, %add3A_5 : i32
    "tpu.region"() ({
      %run_scoped3A = tpu.sem_alloc : memref<!tpu.dma_semaphore, #tpu.memory_space<semaphore_mem>>
      %dma_start3A = arith.constant 0 : i32
      %dma_start3A_39 = arith.constant 0 : i32
      %dma_start3A_40 = tpu.memref_slice %arg8[%dma_start3A, %dma_start3A_39] : memref<256x16xf32, #tpu.memory_space<vmem>> -> memref<128x16xf32, #tpu.memory_space<vmem>>
      %dma_start3A_41 = arith.constant 0 : i32
      %dma_start3A_42 = tpu.memref_slice %arg9[%add3A_6, %dma_start3A_41] : memref<10240x16xf32, #tpu.memory_space<vmem_shared>> -> memref<128x16xf32, #tpu.memory_space<vmem_shared>>
      %dma_start3A_43 = arith.constant 0 : i32
      %dma_start3A_44 = tpu.memref_slice %arg9[%add3A_6, %dma_start3A_43] : memref<10240x16xf32, #tpu.memory_space<vmem_shared>> -> memref<128x16xf32, #tpu.memory_space<vmem_shared>>
      %dma_start3A_45 = arith.constant 0 : i32
      %dma_start3A_46 = arith.constant 0 : i32
      %dma_start3A_47 = tpu.memref_slice %arg8[%dma_start3A_45, %dma_start3A_46] : memref<256x16xf32, #tpu.memory_space<vmem>> -> memref<128x16xf32, #tpu.memory_space<vmem>>
      tpu.enqueue_dma source(%dma_start3A_47 : memref<128x16xf32, #tpu.memory_space<vmem>>) target(%dma_start3A_44 : memref<128x16xf32, #tpu.memory_space<vmem_shared>>) target_semaphore(%run_scoped3A : memref<!tpu.dma_semaphore, #tpu.memory_space<semaphore_mem>>)
      %dma_wait3A = arith.constant 0 : i32
      %dma_wait3A_48 = arith.constant 0 : i32
      %dma_wait3A_49 = tpu.memref_slice %arg8[%dma_wait3A, %dma_wait3A_48] : memref<256x16xf32, #tpu.memory_space<vmem>> -> memref<128x16xf32, #tpu.memory_space<vmem>>
      %dma_wait3A_50 = arith.constant 0 : i32
      %dma_wait3A_51 = tpu.memref_slice %arg9[%add3A_6, %dma_wait3A_50] : memref<10240x16xf32, #tpu.memory_space<vmem_shared>> -> memref<128x16xf32, #tpu.memory_space<vmem_shared>>
      %dma_wait3A_52 = arith.constant 0 : i32
      %dma_wait3A_53 = tpu.memref_slice %arg9[%add3A_6, %dma_wait3A_52] : memref<10240x16xf32, #tpu.memory_space<vmem_shared>> -> memref<128x16xf32, #tpu.memory_space<vmem_shared>>
      %dma_wait3A_54 = arith.constant 0 : i32
      %dma_wait3A_55 = arith.constant 0 : i32
      %dma_wait3A_56 = tpu.memref_slice %arg8[%dma_wait3A_54, %dma_wait3A_55] : memref<256x16xf32, #tpu.memory_space<vmem>> -> memref<128x16xf32, #tpu.memory_space<vmem>>
      tpu.wait_dma2 semaphore(%run_scoped3A : memref<!tpu.dma_semaphore, #tpu.memory_space<semaphore_mem>>) src(%dma_wait3A_56 : memref<128x16xf32, #tpu.memory_space<vmem>>) dst(%dma_wait3A_53 : memref<128x16xf32, #tpu.memory_space<vmem_shared>>)
      tpu.yield
    }) : () -> ()
    %add3A_7 = arith.constant 256 : i32
    %add3A_8 = arith.addi %mul3A_2, %add3A_7 : i32
    "tpu.region"() ({
      %run_scoped3A = tpu.sem_alloc : memref<!tpu.dma_semaphore, #tpu.memory_space<semaphore_mem>>
      %dma_start3A = arith.constant 0 : i32
      %dma_start3A_39 = arith.constant 0 : i32
      %dma_start3A_40 = tpu.memref_slice %arg8[%dma_start3A, %dma_start3A_39] : memref<256x16xf32, #tpu.memory_space<vmem>> -> memref<128x16xf32, #tpu.memory_space<vmem>>
      %dma_start3A_41 = arith.constant 0 : i32
      %dma_start3A_42 = tpu.memref_slice %arg9[%add3A_8, %dma_start3A_41] : memref<10240x16xf32, #tpu.memory_space<vmem_shared>> -> memref<128x16xf32, #tpu.memory_space<vmem_shared>>
      %dma_start3A_43 = arith.constant 0 : i32
      %dma_start3A_44 = tpu.memref_slice %arg9[%add3A_8, %dma_start3A_43] : memref<10240x16xf32, #tpu.memory_space<vmem_shared>> -> memref<128x16xf32, #tpu.memory_space<vmem_shared>>
      %dma_start3A_45 = arith.constant 0 : i32
      %dma_start3A_46 = arith.constant 0 : i32
      %dma_start3A_47 = tpu.memref_slice %arg8[%dma_start3A_45, %dma_start3A_46] : memref<256x16xf32, #tpu.memory_space<vmem>> -> memref<128x16xf32, #tpu.memory_space<vmem>>
      tpu.enqueue_dma source(%dma_start3A_47 : memref<128x16xf32, #tpu.memory_space<vmem>>) target(%dma_start3A_44 : memref<128x16xf32, #tpu.memory_space<vmem_shared>>) target_semaphore(%run_scoped3A : memref<!tpu.dma_semaphore, #tpu.memory_space<semaphore_mem>>)
      %dma_wait3A = arith.constant 0 : i32
      %dma_wait3A_48 = arith.constant 0 : i32
      %dma_wait3A_49 = tpu.memref_slice %arg8[%dma_wait3A, %dma_wait3A_48] : memref<256x16xf32, #tpu.memory_space<vmem>> -> memref<128x16xf32, #tpu.memory_space<vmem>>
      %dma_wait3A_50 = arith.constant 0 : i32
      %dma_wait3A_51 = tpu.memref_slice %arg9[%add3A_8, %dma_wait3A_50] : memref<10240x16xf32, #tpu.memory_space<vmem_shared>> -> memref<128x16xf32, #tpu.memory_space<vmem_shared>>
      %dma_wait3A_52 = arith.constant 0 : i32
      %dma_wait3A_53 = tpu.memref_slice %arg9[%add3A_8, %dma_wait3A_52] : memref<10240x16xf32, #tpu.memory_space<vmem_shared>> -> memref<128x16xf32, #tpu.memory_space<vmem_shared>>
      %dma_wait3A_54 = arith.constant 0 : i32
      %dma_wait3A_55 = arith.constant 0 : i32
      %dma_wait3A_56 = tpu.memref_slice %arg8[%dma_wait3A_54, %dma_wait3A_55] : memref<256x16xf32, #tpu.memory_space<vmem>> -> memref<128x16xf32, #tpu.memory_space<vmem>>
      tpu.wait_dma2 semaphore(%run_scoped3A : memref<!tpu.dma_semaphore, #tpu.memory_space<semaphore_mem>>) src(%dma_wait3A_56 : memref<128x16xf32, #tpu.memory_space<vmem>>) dst(%dma_wait3A_53 : memref<128x16xf32, #tpu.memory_space<vmem_shared>>)
      tpu.yield
    }) : () -> ()
    %add3A_9 = arith.constant 384 : i32
    %add3A_10 = arith.addi %mul3A_2, %add3A_9 : i32
    "tpu.region"() ({
      %run_scoped3A = tpu.sem_alloc : memref<!tpu.dma_semaphore, #tpu.memory_space<semaphore_mem>>
      %dma_start3A = arith.constant 0 : i32
      %dma_start3A_39 = arith.constant 0 : i32
      %dma_start3A_40 = tpu.memref_slice %arg8[%dma_start3A, %dma_start3A_39] : memref<256x16xf32, #tpu.memory_space<vmem>> -> memref<128x16xf32, #tpu.memory_space<vmem>>
      %dma_start3A_41 = arith.constant 0 : i32
      %dma_start3A_42 = tpu.memref_slice %arg9[%add3A_10, %dma_start3A_41] : memref<10240x16xf32, #tpu.memory_space<vmem_shared>> -> memref<128x16xf32, #tpu.memory_space<vmem_shared>>
      %dma_start3A_43 = arith.constant 0 : i32
      %dma_start3A_44 = tpu.memref_slice %arg9[%add3A_10, %dma_start3A_43] : memref<10240x16xf32, #tpu.memory_space<vmem_shared>> -> memref<128x16xf32, #tpu.memory_space<vmem_shared>>
      %dma_start3A_45 = arith.constant 0 : i32
      %dma_start3A_46 = arith.constant 0 : i32
      %dma_start3A_47 = tpu.memref_slice %arg8[%dma_start3A_45, %dma_start3A_46] : memref<256x16xf32, #tpu.memory_space<vmem>> -> memref<128x16xf32, #tpu.memory_space<vmem>>
      tpu.enqueue_dma source(%dma_start3A_47 : memref<128x16xf32, #tpu.memory_space<vmem>>) target(%dma_start3A_44 : memref<128x16xf32, #tpu.memory_space<vmem_shared>>) target_semaphore(%run_scoped3A : memref<!tpu.dma_semaphore, #tpu.memory_space<semaphore_mem>>)
      %dma_wait3A = arith.constant 0 : i32
      %dma_wait3A_48 = arith.constant 0 : i32
      %dma_wait3A_49 = tpu.memref_slice %arg8[%dma_wait3A, %dma_wait3A_48] : memref<256x16xf32, #tpu.memory_space<vmem>> -> memref<128x16xf32, #tpu.memory_space<vmem>>
      %dma_wait3A_50 = arith.constant 0 : i32
      %dma_wait3A_51 = tpu.memref_slice %arg9[%add3A_10, %dma_wait3A_50] : memref<10240x16xf32, #tpu.memory_space<vmem_shared>> -> memref<128x16xf32, #tpu.memory_space<vmem_shared>>
      %dma_wait3A_52 = arith.constant 0 : i32
      %dma_wait3A_53 = tpu.memref_slice %arg9[%add3A_10, %dma_wait3A_52] : memref<10240x16xf32, #tpu.memory_space<vmem_shared>> -> memref<128x16xf32, #tpu.memory_space<vmem_shared>>
      %dma_wait3A_54 = arith.constant 0 : i32
      %dma_wait3A_55 = arith.constant 0 : i32
      %dma_wait3A_56 = tpu.memref_slice %arg8[%dma_wait3A_54, %dma_wait3A_55] : memref<256x16xf32, #tpu.memory_space<vmem>> -> memref<128x16xf32, #tpu.memory_space<vmem>>
      tpu.wait_dma2 semaphore(%run_scoped3A : memref<!tpu.dma_semaphore, #tpu.memory_space<semaphore_mem>>) src(%dma_wait3A_56 : memref<128x16xf32, #tpu.memory_space<vmem>>) dst(%dma_wait3A_53 : memref<128x16xf32, #tpu.memory_space<vmem_shared>>)
      tpu.yield
    }) : () -> ()
    %add3A_11 = arith.constant 512 : i32
    %add3A_12 = arith.addi %mul3A_2, %add3A_11 : i32
    "tpu.region"() ({
      %run_scoped3A = tpu.sem_alloc : memref<!tpu.dma_semaphore, #tpu.memory_space<semaphore_mem>>
      %dma_start3A = arith.constant 0 : i32
      %dma_start3A_39 = arith.constant 0 : i32
      %dma_start3A_40 = tpu.memref_slice %arg8[%dma_start3A, %dma_start3A_39] : memref<256x16xf32, #tpu.memory_space<vmem>> -> memref<128x16xf32, #tpu.memory_space<vmem>>
      %dma_start3A_41 = arith.constant 0 : i32
      %dma_start3A_42 = tpu.memref_slice %arg9[%add3A_12, %dma_start3A_41] : memref<10240x16xf32, #tpu.memory_space<vmem_shared>> -> memref<128x16xf32, #tpu.memory_space<vmem_shared>>
      %dma_start3A_43 = arith.constant 0 : i32
      %dma_start3A_44 = tpu.memref_slice %arg9[%add3A_12, %dma_start3A_43] : memref<10240x16xf32, #tpu.memory_space<vmem_shared>> -> memref<128x16xf32, #tpu.memory_space<vmem_shared>>
      %dma_start3A_45 = arith.constant 0 : i32
      %dma_start3A_46 = arith.constant 0 : i32
      %dma_start3A_47 = tpu.memref_slice %arg8[%dma_start3A_45, %dma_start3A_46] : memref<256x16xf32, #tpu.memory_space<vmem>> -> memref<128x16xf32, #tpu.memory_space<vmem>>
      tpu.enqueue_dma source(%dma_start3A_47 : memref<128x16xf32, #tpu.memory_space<vmem>>) target(%dma_start3A_44 : memref<128x16xf32, #tpu.memory_space<vmem_shared>>) target_semaphore(%run_scoped3A : memref<!tpu.dma_semaphore, #tpu.memory_space<semaphore_mem>>)
      %dma_wait3A = arith.constant 0 : i32
      %dma_wait3A_48 = arith.constant 0 : i32
      %dma_wait3A_49 = tpu.memref_slice %arg8[%dma_wait3A, %dma_wait3A_48] : memref<256x16xf32, #tpu.memory_space<vmem>> -> memref<128x16xf32, #tpu.memory_space<vmem>>
      %dma_wait3A_50 = arith.constant 0 : i32
      %dma_wait3A_51 = tpu.memref_slice %arg9[%add3A_12, %dma_wait3A_50] : memref<10240x16xf32, #tpu.memory_space<vmem_shared>> -> memref<128x16xf32, #tpu.memory_space<vmem_shared>>
      %dma_wait3A_52 = arith.constant 0 : i32
      %dma_wait3A_53 = tpu.memref_slice %arg9[%add3A_12, %dma_wait3A_52] : memref<10240x16xf32, #tpu.memory_space<vmem_shared>> -> memref<128x16xf32, #tpu.memory_space<vmem_shared>>
      %dma_wait3A_54 = arith.constant 0 : i32
      %dma_wait3A_55 = arith.constant 0 : i32
      %dma_wait3A_56 = tpu.memref_slice %arg8[%dma_wait3A_54, %dma_wait3A_55] : memref<256x16xf32, #tpu.memory_space<vmem>> -> memref<128x16xf32, #tpu.memory_space<vmem>>
      tpu.wait_dma2 semaphore(%run_scoped3A : memref<!tpu.dma_semaphore, #tpu.memory_space<semaphore_mem>>) src(%dma_wait3A_56 : memref<128x16xf32, #tpu.memory_space<vmem>>) dst(%dma_wait3A_53 : memref<128x16xf32, #tpu.memory_space<vmem_shared>>)
      tpu.yield
    }) : () -> ()
    %barrier3A = arith.constant 0 : index
    tpu.barrier barrier_id(%barrier3A)
    %scan3A = arith.constant 0 : i32
    %scan3A_13 = arith.constant 0 : i32
    %scan3A_14 = arith.constant 10 : i32
    %scan3A_15 = arith.addi %scan3A_13, %scan3A_14 : i32
    %scan3A_16 = arith.constant 1 : i32
    scf.for %scan3A_39 = %scan3A_13 to %scan3A_15 step %scan3A_16  : i32 {
      %mul3A_40 = arith.constant 4 : i32
      %mul3A_41 = arith.muli %scan3A_39, %mul3A_40 : i32
      %add3A_42 = arith.constant 0 : i32
      %add3A_43 = arith.addi %mul3A_41, %add3A_42 : i32
      %dma_start3A = arith.constant 0 : i32
      %dma_start3A_44 = tpu.memref_slice %arg6[%add3A_43, %dma_start3A] : memref<40x256xi32, #tpu.memory_space<vmem>> -> memref<1x256xi32, #tpu.memory_space<vmem>>
      %dma_start3A_45 = tpu.memref_squeeze %dma_start3A_44 : memref<1x256xi32, #tpu.memory_space<vmem>> -> memref<256xi32, #tpu.memory_space<vmem>>
      %dma_start3A_46 = arith.constant 0 : i32
      %dma_start3A_47 = arith.constant 0 : i32
      %dma_start3A_48 = tpu.memref_slice %arg9[%dma_start3A_46, %dma_start3A_47] : memref<10240x16xf32, #tpu.memory_space<vmem_shared>> -> memref<10240x16xf32, #tpu.memory_space<vmem_shared>>
      tpu.enqueue_indirect_dma source(%arg7 : memref<256x16xf32, #tpu.memory_space<vmem>>) target(%dma_start3A_48 : memref<10240x16xf32, #tpu.memory_space<vmem_shared>>) offsets(%dma_start3A_45 : memref<256xi32, #tpu.memory_space<vmem>>) semaphore(%arg10 : memref<!tpu.dma_semaphore, #tpu.memory_space<semaphore_mem>>) {add = true}
      %mul3A_49 = arith.constant 4 : i32
      %mul3A_50 = arith.muli %scan3A_39, %mul3A_49 : i32
      %add3A_51 = arith.constant 1 : i32
      %add3A_52 = arith.addi %mul3A_50, %add3A_51 : i32
      %dma_start3A_53 = arith.constant 0 : i32
      %dma_start3A_54 = tpu.memref_slice %arg6[%add3A_52, %dma_start3A_53] : memref<40x256xi32, #tpu.memory_space<vmem>> -> memref<1x256xi32, #tpu.memory_space<vmem>>
      %dma_start3A_55 = tpu.memref_squeeze %dma_start3A_54 : memref<1x256xi32, #tpu.memory_space<vmem>> -> memref<256xi32, #tpu.memory_space<vmem>>
      %dma_start3A_56 = arith.constant 0 : i32
      %dma_start3A_57 = arith.constant 0 : i32
      %dma_start3A_58 = tpu.memref_slice %arg9[%dma_start3A_56, %dma_start3A_57] : memref<10240x16xf32, #tpu.memory_space<vmem_shared>> -> memref<10240x16xf32, #tpu.memory_space<vmem_shared>>
      tpu.enqueue_indirect_dma source(%arg7 : memref<256x16xf32, #tpu.memory_space<vmem>>) target(%dma_start3A_58 : memref<10240x16xf32, #tpu.memory_space<vmem_shared>>) offsets(%dma_start3A_55 : memref<256xi32, #tpu.memory_space<vmem>>) semaphore(%arg11 : memref<!tpu.dma_semaphore, #tpu.memory_space<semaphore_mem>>) {add = true}
      %mul3A_59 = arith.constant 4 : i32
      %mul3A_60 = arith.muli %scan3A_39, %mul3A_59 : i32
      %add3A_61 = arith.constant 2 : i32
      %add3A_62 = arith.addi %mul3A_60, %add3A_61 : i32
      %dma_start3A_63 = arith.constant 0 : i32
      %dma_start3A_64 = tpu.memref_slice %arg6[%add3A_62, %dma_start3A_63] : memref<40x256xi32, #tpu.memory_space<vmem>> -> memref<1x256xi32, #tpu.memory_space<vmem>>
      %dma_start3A_65 = tpu.memref_squeeze %dma_start3A_64 : memref<1x256xi32, #tpu.memory_space<vmem>> -> memref<256xi32, #tpu.memory_space<vmem>>
      %dma_start3A_66 = arith.constant 0 : i32
      %dma_start3A_67 = arith.constant 0 : i32
      %dma_start3A_68 = tpu.memref_slice %arg9[%dma_start3A_66, %dma_start3A_67] : memref<10240x16xf32, #tpu.memory_space<vmem_shared>> -> memref<10240x16xf32, #tpu.memory_space<vmem_shared>>
      tpu.enqueue_indirect_dma source(%arg7 : memref<256x16xf32, #tpu.memory_space<vmem>>) target(%dma_start3A_68 : memref<10240x16xf32, #tpu.memory_space<vmem_shared>>) offsets(%dma_start3A_65 : memref<256xi32, #tpu.memory_space<vmem>>) semaphore(%arg12 : memref<!tpu.dma_semaphore, #tpu.memory_space<semaphore_mem>>) {add = true}
      %mul3A_69 = arith.constant 4 : i32
      %mul3A_70 = arith.muli %scan3A_39, %mul3A_69 : i32
      %add3A_71 = arith.constant 3 : i32
      %add3A_72 = arith.addi %mul3A_70, %add3A_71 : i32
      %dma_start3A_73 = arith.constant 0 : i32
      %dma_start3A_74 = tpu.memref_slice %arg6[%add3A_72, %dma_start3A_73] : memref<40x256xi32, #tpu.memory_space<vmem>> -> memref<1x256xi32, #tpu.memory_space<vmem>>
      %dma_start3A_75 = tpu.memref_squeeze %dma_start3A_74 : memref<1x256xi32, #tpu.memory_space<vmem>> -> memref<256xi32, #tpu.memory_space<vmem>>
      %dma_start3A_76 = arith.constant 0 : i32
      %dma_start3A_77 = arith.constant 0 : i32
      %dma_start3A_78 = tpu.memref_slice %arg9[%dma_start3A_76, %dma_start3A_77] : memref<10240x16xf32, #tpu.memory_space<vmem_shared>> -> memref<10240x16xf32, #tpu.memory_space<vmem_shared>>
      tpu.enqueue_indirect_dma source(%arg7 : memref<256x16xf32, #tpu.memory_space<vmem>>) target(%dma_start3A_78 : memref<10240x16xf32, #tpu.memory_space<vmem_shared>>) offsets(%dma_start3A_75 : memref<256xi32, #tpu.memory_space<vmem>>) semaphore(%arg13 : memref<!tpu.dma_semaphore, #tpu.memory_space<semaphore_mem>>) {add = true}
      %dma_wait3A = arith.constant 0 : i32
      %dma_wait3A_79 = tpu.memref_slice %arg6[%add3A_43, %dma_wait3A] : memref<40x256xi32, #tpu.memory_space<vmem>> -> memref<1x256xi32, #tpu.memory_space<vmem>>
      %dma_wait3A_80 = tpu.memref_squeeze %dma_wait3A_79 : memref<1x256xi32, #tpu.memory_space<vmem>> -> memref<256xi32, #tpu.memory_space<vmem>>
      %dma_wait3A_81 = arith.constant 0 : i32
      %dma_wait3A_82 = arith.constant 0 : i32
      %dma_wait3A_83 = tpu.memref_slice %arg9[%dma_wait3A_81, %dma_wait3A_82] : memref<10240x16xf32, #tpu.memory_space<vmem_shared>> -> memref<10240x16xf32, #tpu.memory_space<vmem_shared>>
      tpu.wait_indirect_dma semaphore(%arg10 : memref<!tpu.dma_semaphore, #tpu.memory_space<semaphore_mem>>) src(%arg7 : memref<256x16xf32, #tpu.memory_space<vmem>>) dst(%dma_wait3A_83 : memref<10240x16xf32, #tpu.memory_space<vmem_shared>>)
      %dma_wait3A_84 = arith.constant 0 : i32
      %dma_wait3A_85 = tpu.memref_slice %arg6[%add3A_52, %dma_wait3A_84] : memref<40x256xi32, #tpu.memory_space<vmem>> -> memref<1x256xi32, #tpu.memory_space<vmem>>
      %dma_wait3A_86 = tpu.memref_squeeze %dma_wait3A_85 : memref<1x256xi32, #tpu.memory_space<vmem>> -> memref<256xi32, #tpu.memory_space<vmem>>
      %dma_wait3A_87 = arith.constant 0 : i32
      %dma_wait3A_88 = arith.constant 0 : i32
      %dma_wait3A_89 = tpu.memref_slice %arg9[%dma_wait3A_87, %dma_wait3A_88] : memref<10240x16xf32, #tpu.memory_space<vmem_shared>> -> memref<10240x16xf32, #tpu.memory_space<vmem_shared>>
      tpu.wait_indirect_dma semaphore(%arg11 : memref<!tpu.dma_semaphore, #tpu.memory_space<semaphore_mem>>) src(%arg7 : memref<256x16xf32, #tpu.memory_space<vmem>>) dst(%dma_wait3A_89 : memref<10240x16xf32, #tpu.memory_space<vmem_shared>>)
      %dma_wait3A_90 = arith.constant 0 : i32
      %dma_wait3A_91 = tpu.memref_slice %arg6[%add3A_62, %dma_wait3A_90] : memref<40x256xi32, #tpu.memory_space<vmem>> -> memref<1x256xi32, #tpu.memory_space<vmem>>
      %dma_wait3A_92 = tpu.memref_squeeze %dma_wait3A_91 : memref<1x256xi32, #tpu.memory_space<vmem>> -> memref<256xi32, #tpu.memory_space<vmem>>
      %dma_wait3A_93 = arith.constant 0 : i32
      %dma_wait3A_94 = arith.constant 0 : i32
      %dma_wait3A_95 = tpu.memref_slice %arg9[%dma_wait3A_93, %dma_wait3A_94] : memref<10240x16xf32, #tpu.memory_space<vmem_shared>> -> memref<10240x16xf32, #tpu.memory_space<vmem_shared>>
      tpu.wait_indirect_dma semaphore(%arg12 : memref<!tpu.dma_semaphore, #tpu.memory_space<semaphore_mem>>) src(%arg7 : memref<256x16xf32, #tpu.memory_space<vmem>>) dst(%dma_wait3A_95 : memref<10240x16xf32, #tpu.memory_space<vmem_shared>>)
      %dma_wait3A_96 = arith.constant 0 : i32
      %dma_wait3A_97 = tpu.memref_slice %arg6[%add3A_72, %dma_wait3A_96] : memref<40x256xi32, #tpu.memory_space<vmem>> -> memref<1x256xi32, #tpu.memory_space<vmem>>
      %dma_wait3A_98 = tpu.memref_squeeze %dma_wait3A_97 : memref<1x256xi32, #tpu.memory_space<vmem>> -> memref<256xi32, #tpu.memory_space<vmem>>
      %dma_wait3A_99 = arith.constant 0 : i32
      %dma_wait3A_100 = arith.constant 0 : i32
      %dma_wait3A_101 = tpu.memref_slice %arg9[%dma_wait3A_99, %dma_wait3A_100] : memref<10240x16xf32, #tpu.memory_space<vmem_shared>> -> memref<10240x16xf32, #tpu.memory_space<vmem_shared>>
      tpu.wait_indirect_dma semaphore(%arg13 : memref<!tpu.dma_semaphore, #tpu.memory_space<semaphore_mem>>) src(%arg7 : memref<256x16xf32, #tpu.memory_space<vmem>>) dst(%dma_wait3A_101 : memref<10240x16xf32, #tpu.memory_space<vmem_shared>>)
    }
    %scan3A_17 = arith.constant 10 : i32
    %barrier3A_18 = arith.constant 0 : index
    tpu.barrier barrier_id(%barrier3A_18)
    %add3A_19 = arith.constant 0 : i32
    %add3A_20 = arith.addi %mul3A_2, %add3A_19 : i32
    "tpu.region"() ({
      %run_scoped3A = tpu.sem_alloc : memref<!tpu.dma_semaphore, #tpu.memory_space<semaphore_mem>>
      %dma_start3A = arith.constant 0 : i32
      %dma_start3A_39 = arith.constant 0 : i32
      %dma_start3A_40 = tpu.memref_slice %arg8[%dma_start3A, %dma_start3A_39] : memref<256x16xf32, #tpu.memory_space<vmem>> -> memref<128x16xf32, #tpu.memory_space<vmem>>
      %dma_start3A_41 = arith.constant 0 : i32
      %dma_start3A_42 = tpu.memref_slice %arg9[%add3A_20, %dma_start3A_41] : memref<10240x16xf32, #tpu.memory_space<vmem_shared>> -> memref<128x16xf32, #tpu.memory_space<vmem_shared>>
      %dma_start3A_43 = arith.constant 0 : i32
      %dma_start3A_44 = arith.constant 0 : i32
      %dma_start3A_45 = tpu.memref_slice %arg8[%dma_start3A_43, %dma_start3A_44] : memref<256x16xf32, #tpu.memory_space<vmem>> -> memref<128x16xf32, #tpu.memory_space<vmem>>
      %dma_start3A_46 = arith.constant 0 : i32
      %dma_start3A_47 = tpu.memref_slice %arg9[%add3A_20, %dma_start3A_46] : memref<10240x16xf32, #tpu.memory_space<vmem_shared>> -> memref<128x16xf32, #tpu.memory_space<vmem_shared>>
      tpu.enqueue_dma source(%dma_start3A_47 : memref<128x16xf32, #tpu.memory_space<vmem_shared>>) target(%dma_start3A_45 : memref<128x16xf32, #tpu.memory_space<vmem>>) target_semaphore(%run_scoped3A : memref<!tpu.dma_semaphore, #tpu.memory_space<semaphore_mem>>)
      %dma_wait3A = arith.constant 0 : i32
      %dma_wait3A_48 = arith.constant 0 : i32
      %dma_wait3A_49 = tpu.memref_slice %arg8[%dma_wait3A, %dma_wait3A_48] : memref<256x16xf32, #tpu.memory_space<vmem>> -> memref<128x16xf32, #tpu.memory_space<vmem>>
      %dma_wait3A_50 = arith.constant 0 : i32
      %dma_wait3A_51 = tpu.memref_slice %arg9[%add3A_20, %dma_wait3A_50] : memref<10240x16xf32, #tpu.memory_space<vmem_shared>> -> memref<128x16xf32, #tpu.memory_space<vmem_shared>>
      %dma_wait3A_52 = arith.constant 0 : i32
      %dma_wait3A_53 = arith.constant 0 : i32
      %dma_wait3A_54 = tpu.memref_slice %arg8[%dma_wait3A_52, %dma_wait3A_53] : memref<256x16xf32, #tpu.memory_space<vmem>> -> memref<128x16xf32, #tpu.memory_space<vmem>>
      %dma_wait3A_55 = arith.constant 0 : i32
      %dma_wait3A_56 = tpu.memref_slice %arg9[%add3A_20, %dma_wait3A_55] : memref<10240x16xf32, #tpu.memory_space<vmem_shared>> -> memref<128x16xf32, #tpu.memory_space<vmem_shared>>
      tpu.wait_dma2 semaphore(%run_scoped3A : memref<!tpu.dma_semaphore, #tpu.memory_space<semaphore_mem>>) src(%dma_wait3A_56 : memref<128x16xf32, #tpu.memory_space<vmem_shared>>) dst(%dma_wait3A_54 : memref<128x16xf32, #tpu.memory_space<vmem>>)
      tpu.yield
    }) : () -> ()
    %add3A_21 = arith.constant 0 : i32
    %add3A_22 = arith.addi %mul3A_2, %add3A_21 : i32
    "tpu.region"() ({
      %run_scoped3A = tpu.sem_alloc : memref<!tpu.dma_semaphore, #tpu.memory_space<semaphore_mem>>
      %dma_start3A = arith.constant 0 : i32
      %dma_start3A_39 = arith.constant 0 : i32
      %dma_start3A_40 = tpu.memref_slice %arg8[%dma_start3A, %dma_start3A_39] : memref<256x16xf32, #tpu.memory_space<vmem>> -> memref<128x16xf32, #tpu.memory_space<vmem>>
      %dma_start3A_41 = arith.constant 0 : i32
      %dma_start3A_42 = tpu.memref_slice %arg5[%arg0, %add3A_22, %dma_start3A_41] : memref<2x10240x16xf32, #tpu.memory_space<hbm>> -> memref<1x128x16xf32, #tpu.memory_space<hbm>>
      %dma_start3A_43 = tpu.memref_squeeze %dma_start3A_42 : memref<1x128x16xf32, #tpu.memory_space<hbm>> -> memref<128x16xf32, #tpu.memory_space<hbm>>
      %dma_start3A_44 = arith.constant 0 : i32
      %dma_start3A_45 = tpu.memref_slice %arg5[%arg0, %add3A_22, %dma_start3A_44] : memref<2x10240x16xf32, #tpu.memory_space<hbm>> -> memref<1x128x16xf32, #tpu.memory_space<hbm>>
      %dma_start3A_46 = tpu.memref_squeeze %dma_start3A_45 : memref<1x128x16xf32, #tpu.memory_space<hbm>> -> memref<128x16xf32, #tpu.memory_space<hbm>>
      %dma_start3A_47 = arith.constant 0 : i32
      %dma_start3A_48 = arith.constant 0 : i32
      %dma_start3A_49 = tpu.memref_slice %arg8[%dma_start3A_47, %dma_start3A_48] : memref<256x16xf32, #tpu.memory_space<vmem>> -> memref<128x16xf32, #tpu.memory_space<vmem>>
      tpu.enqueue_dma source(%dma_start3A_49 : memref<128x16xf32, #tpu.memory_space<vmem>>) target(%dma_start3A_46 : memref<128x16xf32, #tpu.memory_space<hbm>>) target_semaphore(%run_scoped3A : memref<!tpu.dma_semaphore, #tpu.memory_space<semaphore_mem>>)
      %dma_wait3A = arith.constant 0 : i32
      %dma_wait3A_50 = arith.constant 0 : i32
      %dma_wait3A_51 = tpu.memref_slice %arg8[%dma_wait3A, %dma_wait3A_50] : memref<256x16xf32, #tpu.memory_space<vmem>> -> memref<128x16xf32, #tpu.memory_space<vmem>>
      %dma_wait3A_52 = arith.constant 0 : i32
      %dma_wait3A_53 = tpu.memref_slice %arg5[%arg0, %add3A_22, %dma_wait3A_52] : memref<2x10240x16xf32, #tpu.memory_space<hbm>> -> memref<1x128x16xf32, #tpu.memory_space<hbm>>
      %dma_wait3A_54 = tpu.memref_squeeze %dma_wait3A_53 : memref<1x128x16xf32, #tpu.memory_space<hbm>> -> memref<128x16xf32, #tpu.memory_space<hbm>>
      %dma_wait3A_55 = arith.constant 0 : i32
      %dma_wait3A_56 = tpu.memref_slice %arg5[%arg0, %add3A_22, %dma_wait3A_55] : memref<2x10240x16xf32, #tpu.memory_space<hbm>> -> memref<1x128x16xf32, #tpu.memory_space<hbm>>
      %dma_wait3A_57 = tpu.memref_squeeze %dma_wait3A_56 : memref<1x128x16xf32, #tpu.memory_space<hbm>> -> memref<128x16xf32, #tpu.memory_space<hbm>>
      %dma_wait3A_58 = arith.constant 0 : i32
      %dma_wait3A_59 = arith.constant 0 : i32
      %dma_wait3A_60 = tpu.memref_slice %arg8[%dma_wait3A_58, %dma_wait3A_59] : memref<256x16xf32, #tpu.memory_space<vmem>> -> memref<128x16xf32, #tpu.memory_space<vmem>>
      tpu.wait_dma2 semaphore(%run_scoped3A : memref<!tpu.dma_semaphore, #tpu.memory_space<semaphore_mem>>) src(%dma_wait3A_60 : memref<128x16xf32, #tpu.memory_space<vmem>>) dst(%dma_wait3A_57 : memref<128x16xf32, #tpu.memory_space<hbm>>)
      tpu.yield
    }) : () -> ()
    %add3A_23 = arith.constant 128 : i32
    %add3A_24 = arith.addi %mul3A_2, %add3A_23 : i32
    "tpu.region"() ({
      %run_scoped3A = tpu.sem_alloc : memref<!tpu.dma_semaphore, #tpu.memory_space<semaphore_mem>>
      %dma_start3A = arith.constant 0 : i32
      %dma_start3A_39 = arith.constant 0 : i32
      %dma_start3A_40 = tpu.memref_slice %arg8[%dma_start3A, %dma_start3A_39] : memref<256x16xf32, #tpu.memory_space<vmem>> -> memref<128x16xf32, #tpu.memory_space<vmem>>
      %dma_start3A_41 = arith.constant 0 : i32
      %dma_start3A_42 = tpu.memref_slice %arg9[%add3A_24, %dma_start3A_41] : memref<10240x16xf32, #tpu.memory_space<vmem_shared>> -> memref<128x16xf32, #tpu.memory_space<vmem_shared>>
      %dma_start3A_43 = arith.constant 0 : i32
      %dma_start3A_44 = arith.constant 0 : i32
      %dma_start3A_45 = tpu.memref_slice %arg8[%dma_start3A_43, %dma_start3A_44] : memref<256x16xf32, #tpu.memory_space<vmem>> -> memref<128x16xf32, #tpu.memory_space<vmem>>
      %dma_start3A_46 = arith.constant 0 : i32
      %dma_start3A_47 = tpu.memref_slice %arg9[%add3A_24, %dma_start3A_46] : memref<10240x16xf32, #tpu.memory_space<vmem_shared>> -> memref<128x16xf32, #tpu.memory_space<vmem_shared>>
      tpu.enqueue_dma source(%dma_start3A_47 : memref<128x16xf32, #tpu.memory_space<vmem_shared>>) target(%dma_start3A_45 : memref<128x16xf32, #tpu.memory_space<vmem>>) target_semaphore(%run_scoped3A : memref<!tpu.dma_semaphore, #tpu.memory_space<semaphore_mem>>)
      %dma_wait3A = arith.constant 0 : i32
      %dma_wait3A_48 = arith.constant 0 : i32
      %dma_wait3A_49 = tpu.memref_slice %arg8[%dma_wait3A, %dma_wait3A_48] : memref<256x16xf32, #tpu.memory_space<vmem>> -> memref<128x16xf32, #tpu.memory_space<vmem>>
      %dma_wait3A_50 = arith.constant 0 : i32
      %dma_wait3A_51 = tpu.memref_slice %arg9[%add3A_24, %dma_wait3A_50] : memref<10240x16xf32, #tpu.memory_space<vmem_shared>> -> memref<128x16xf32, #tpu.memory_space<vmem_shared>>
      %dma_wait3A_52 = arith.constant 0 : i32
      %dma_wait3A_53 = arith.constant 0 : i32
      %dma_wait3A_54 = tpu.memref_slice %arg8[%dma_wait3A_52, %dma_wait3A_53] : memref<256x16xf32, #tpu.memory_space<vmem>> -> memref<128x16xf32, #tpu.memory_space<vmem>>
      %dma_wait3A_55 = arith.constant 0 : i32
      %dma_wait3A_56 = tpu.memref_slice %arg9[%add3A_24, %dma_wait3A_55] : memref<10240x16xf32, #tpu.memory_space<vmem_shared>> -> memref<128x16xf32, #tpu.memory_space<vmem_shared>>
      tpu.wait_dma2 semaphore(%run_scoped3A : memref<!tpu.dma_semaphore, #tpu.memory_space<semaphore_mem>>) src(%dma_wait3A_56 : memref<128x16xf32, #tpu.memory_space<vmem_shared>>) dst(%dma_wait3A_54 : memref<128x16xf32, #tpu.memory_space<vmem>>)
      tpu.yield
    }) : () -> ()
    %add3A_25 = arith.constant 128 : i32
    %add3A_26 = arith.addi %mul3A_2, %add3A_25 : i32
    "tpu.region"() ({
      %run_scoped3A = tpu.sem_alloc : memref<!tpu.dma_semaphore, #tpu.memory_space<semaphore_mem>>
      %dma_start3A = arith.constant 0 : i32
      %dma_start3A_39 = arith.constant 0 : i32
      %dma_start3A_40 = tpu.memref_slice %arg8[%dma_start3A, %dma_start3A_39] : memref<256x16xf32, #tpu.memory_space<vmem>> -> memref<128x16xf32, #tpu.memory_space<vmem>>
      %dma_start3A_41 = arith.constant 0 : i32
      %dma_start3A_42 = tpu.memref_slice %arg5[%arg0, %add3A_26, %dma_start3A_41] : memref<2x10240x16xf32, #tpu.memory_space<hbm>> -> memref<1x128x16xf32, #tpu.memory_space<hbm>>
      %dma_start3A_43 = tpu.memref_squeeze %dma_start3A_42 : memref<1x128x16xf32, #tpu.memory_space<hbm>> -> memref<128x16xf32, #tpu.memory_space<hbm>>
      %dma_start3A_44 = arith.constant 0 : i32
      %dma_start3A_45 = tpu.memref_slice %arg5[%arg0, %add3A_26, %dma_start3A_44] : memref<2x10240x16xf32, #tpu.memory_space<hbm>> -> memref<1x128x16xf32, #tpu.memory_space<hbm>>
      %dma_start3A_46 = tpu.memref_squeeze %dma_start3A_45 : memref<1x128x16xf32, #tpu.memory_space<hbm>> -> memref<128x16xf32, #tpu.memory_space<hbm>>
      %dma_start3A_47 = arith.constant 0 : i32
      %dma_start3A_48 = arith.constant 0 : i32
      %dma_start3A_49 = tpu.memref_slice %arg8[%dma_start3A_47, %dma_start3A_48] : memref<256x16xf32, #tpu.memory_space<vmem>> -> memref<128x16xf32, #tpu.memory_space<vmem>>
      tpu.enqueue_dma source(%dma_start3A_49 : memref<128x16xf32, #tpu.memory_space<vmem>>) target(%dma_start3A_46 : memref<128x16xf32, #tpu.memory_space<hbm>>) target_semaphore(%run_scoped3A : memref<!tpu.dma_semaphore, #tpu.memory_space<semaphore_mem>>)
      %dma_wait3A = arith.constant 0 : i32
      %dma_wait3A_50 = arith.constant 0 : i32
      %dma_wait3A_51 = tpu.memref_slice %arg8[%dma_wait3A, %dma_wait3A_50] : memref<256x16xf32, #tpu.memory_space<vmem>> -> memref<128x16xf32, #tpu.memory_space<vmem>>
      %dma_wait3A_52 = arith.constant 0 : i32
      %dma_wait3A_53 = tpu.memref_slice %arg5[%arg0, %add3A_26, %dma_wait3A_52] : memref<2x10240x16xf32, #tpu.memory_space<hbm>> -> memref<1x128x16xf32, #tpu.memory_space<hbm>>
      %dma_wait3A_54 = tpu.memref_squeeze %dma_wait3A_53 : memref<1x128x16xf32, #tpu.memory_space<hbm>> -> memref<128x16xf32, #tpu.memory_space<hbm>>
      %dma_wait3A_55 = arith.constant 0 : i32
      %dma_wait3A_56 = tpu.memref_slice %arg5[%arg0, %add3A_26, %dma_wait3A_55] : memref<2x10240x16xf32, #tpu.memory_space<hbm>> -> memref<1x128x16xf32, #tpu.memory_space<hbm>>
      %dma_wait3A_57 = tpu.memref_squeeze %dma_wait3A_56 : memref<1x128x16xf32, #tpu.memory_space<hbm>> -> memref<128x16xf32, #tpu.memory_space<hbm>>
      %dma_wait3A_58 = arith.constant 0 : i32
      %dma_wait3A_59 = arith.constant 0 : i32
      %dma_wait3A_60 = tpu.memref_slice %arg8[%dma_wait3A_58, %dma_wait3A_59] : memref<256x16xf32, #tpu.memory_space<vmem>> -> memref<128x16xf32, #tpu.memory_space<vmem>>
      tpu.wait_dma2 semaphore(%run_scoped3A : memref<!tpu.dma_semaphore, #tpu.memory_space<semaphore_mem>>) src(%dma_wait3A_60 : memref<128x16xf32, #tpu.memory_space<vmem>>) dst(%dma_wait3A_57 : memref<128x16xf32, #tpu.memory_space<hbm>>)
      tpu.yield
    }) : () -> ()
    %add3A_27 = arith.constant 256 : i32
    %add3A_28 = arith.addi %mul3A_2, %add3A_27 : i32
    "tpu.region"() ({
      %run_scoped3A = tpu.sem_alloc : memref<!tpu.dma_semaphore, #tpu.memory_space<semaphore_mem>>
      %dma_start3A = arith.constant 0 : i32
      %dma_start3A_39 = arith.constant 0 : i32
      %dma_start3A_40 = tpu.memref_slice %arg8[%dma_start3A, %dma_start3A_39] : memref<256x16xf32, #tpu.memory_space<vmem>> -> memref<128x16xf32, #tpu.memory_space<vmem>>
      %dma_start3A_41 = arith.constant 0 : i32
      %dma_start3A_42 = tpu.memref_slice %arg9[%add3A_28, %dma_start3A_41] : memref<10240x16xf32, #tpu.memory_space<vmem_shared>> -> memref<128x16xf32, #tpu.memory_space<vmem_shared>>
      %dma_start3A_43 = arith.constant 0 : i32
      %dma_start3A_44 = arith.constant 0 : i32
      %dma_start3A_45 = tpu.memref_slice %arg8[%dma_start3A_43, %dma_start3A_44] : memref<256x16xf32, #tpu.memory_space<vmem>> -> memref<128x16xf32, #tpu.memory_space<vmem>>
      %dma_start3A_46 = arith.constant 0 : i32
      %dma_start3A_47 = tpu.memref_slice %arg9[%add3A_28, %dma_start3A_46] : memref<10240x16xf32, #tpu.memory_space<vmem_shared>> -> memref<128x16xf32, #tpu.memory_space<vmem_shared>>
      tpu.enqueue_dma source(%dma_start3A_47 : memref<128x16xf32, #tpu.memory_space<vmem_shared>>) target(%dma_start3A_45 : memref<128x16xf32, #tpu.memory_space<vmem>>) target_semaphore(%run_scoped3A : memref<!tpu.dma_semaphore, #tpu.memory_space<semaphore_mem>>)
      %dma_wait3A = arith.constant 0 : i32
      %dma_wait3A_48 = arith.constant 0 : i32
      %dma_wait3A_49 = tpu.memref_slice %arg8[%dma_wait3A, %dma_wait3A_48] : memref<256x16xf32, #tpu.memory_space<vmem>> -> memref<128x16xf32, #tpu.memory_space<vmem>>
      %dma_wait3A_50 = arith.constant 0 : i32
      %dma_wait3A_51 = tpu.memref_slice %arg9[%add3A_28, %dma_wait3A_50] : memref<10240x16xf32, #tpu.memory_space<vmem_shared>> -> memref<128x16xf32, #tpu.memory_space<vmem_shared>>
      %dma_wait3A_52 = arith.constant 0 : i32
      %dma_wait3A_53 = arith.constant 0 : i32
      %dma_wait3A_54 = tpu.memref_slice %arg8[%dma_wait3A_52, %dma_wait3A_53] : memref<256x16xf32, #tpu.memory_space<vmem>> -> memref<128x16xf32, #tpu.memory_space<vmem>>
      %dma_wait3A_55 = arith.constant 0 : i32
      %dma_wait3A_56 = tpu.memref_slice %arg9[%add3A_28, %dma_wait3A_55] : memref<10240x16xf32, #tpu.memory_space<vmem_shared>> -> memref<128x16xf32, #tpu.memory_space<vmem_shared>>
      tpu.wait_dma2 semaphore(%run_scoped3A : memref<!tpu.dma_semaphore, #tpu.memory_space<semaphore_mem>>) src(%dma_wait3A_56 : memref<128x16xf32, #tpu.memory_space<vmem_shared>>) dst(%dma_wait3A_54 : memref<128x16xf32, #tpu.memory_space<vmem>>)
      tpu.yield
    }) : () -> ()
    %add3A_29 = arith.constant 256 : i32
    %add3A_30 = arith.addi %mul3A_2, %add3A_29 : i32
    "tpu.region"() ({
      %run_scoped3A = tpu.sem_alloc : memref<!tpu.dma_semaphore, #tpu.memory_space<semaphore_mem>>
      %dma_start3A = arith.constant 0 : i32
      %dma_start3A_39 = arith.constant 0 : i32
      %dma_start3A_40 = tpu.memref_slice %arg8[%dma_start3A, %dma_start3A_39] : memref<256x16xf32, #tpu.memory_space<vmem>> -> memref<128x16xf32, #tpu.memory_space<vmem>>
      %dma_start3A_41 = arith.constant 0 : i32
      %dma_start3A_42 = tpu.memref_slice %arg5[%arg0, %add3A_30, %dma_start3A_41] : memref<2x10240x16xf32, #tpu.memory_space<hbm>> -> memref<1x128x16xf32, #tpu.memory_space<hbm>>
      %dma_start3A_43 = tpu.memref_squeeze %dma_start3A_42 : memref<1x128x16xf32, #tpu.memory_space<hbm>> -> memref<128x16xf32, #tpu.memory_space<hbm>>
      %dma_start3A_44 = arith.constant 0 : i32
      %dma_start3A_45 = tpu.memref_slice %arg5[%arg0, %add3A_30, %dma_start3A_44] : memref<2x10240x16xf32, #tpu.memory_space<hbm>> -> memref<1x128x16xf32, #tpu.memory_space<hbm>>
      %dma_start3A_46 = tpu.memref_squeeze %dma_start3A_45 : memref<1x128x16xf32, #tpu.memory_space<hbm>> -> memref<128x16xf32, #tpu.memory_space<hbm>>
      %dma_start3A_47 = arith.constant 0 : i32
      %dma_start3A_48 = arith.constant 0 : i32
      %dma_start3A_49 = tpu.memref_slice %arg8[%dma_start3A_47, %dma_start3A_48] : memref<256x16xf32, #tpu.memory_space<vmem>> -> memref<128x16xf32, #tpu.memory_space<vmem>>
      tpu.enqueue_dma source(%dma_start3A_49 : memref<128x16xf32, #tpu.memory_space<vmem>>) target(%dma_start3A_46 : memref<128x16xf32, #tpu.memory_space<hbm>>) target_semaphore(%run_scoped3A : memref<!tpu.dma_semaphore, #tpu.memory_space<semaphore_mem>>)
      %dma_wait3A = arith.constant 0 : i32
      %dma_wait3A_50 = arith.constant 0 : i32
      %dma_wait3A_51 = tpu.memref_slice %arg8[%dma_wait3A, %dma_wait3A_50] : memref<256x16xf32, #tpu.memory_space<vmem>> -> memref<128x16xf32, #tpu.memory_space<vmem>>
      %dma_wait3A_52 = arith.constant 0 : i32
      %dma_wait3A_53 = tpu.memref_slice %arg5[%arg0, %add3A_30, %dma_wait3A_52] : memref<2x10240x16xf32, #tpu.memory_space<hbm>> -> memref<1x128x16xf32, #tpu.memory_space<hbm>>
      %dma_wait3A_54 = tpu.memref_squeeze %dma_wait3A_53 : memref<1x128x16xf32, #tpu.memory_space<hbm>> -> memref<128x16xf32, #tpu.memory_space<hbm>>
      %dma_wait3A_55 = arith.constant 0 : i32
      %dma_wait3A_56 = tpu.memref_slice %arg5[%arg0, %add3A_30, %dma_wait3A_55] : memref<2x10240x16xf32, #tpu.memory_space<hbm>> -> memref<1x128x16xf32, #tpu.memory_space<hbm>>
      %dma_wait3A_57 = tpu.memref_squeeze %dma_wait3A_56 : memref<1x128x16xf32, #tpu.memory_space<hbm>> -> memref<128x16xf32, #tpu.memory_space<hbm>>
      %dma_wait3A_58 = arith.constant 0 : i32
      %dma_wait3A_59 = arith.constant 0 : i32
      %dma_wait3A_60 = tpu.memref_slice %arg8[%dma_wait3A_58, %dma_wait3A_59] : memref<256x16xf32, #tpu.memory_space<vmem>> -> memref<128x16xf32, #tpu.memory_space<vmem>>
      tpu.wait_dma2 semaphore(%run_scoped3A : memref<!tpu.dma_semaphore, #tpu.memory_space<semaphore_mem>>) src(%dma_wait3A_60 : memref<128x16xf32, #tpu.memory_space<vmem>>) dst(%dma_wait3A_57 : memref<128x16xf32, #tpu.memory_space<hbm>>)
      tpu.yield
    }) : () -> ()
    %add3A_31 = arith.constant 384 : i32
    %add3A_32 = arith.addi %mul3A_2, %add3A_31 : i32
    "tpu.region"() ({
      %run_scoped3A = tpu.sem_alloc : memref<!tpu.dma_semaphore, #tpu.memory_space<semaphore_mem>>
      %dma_start3A = arith.constant 0 : i32
      %dma_start3A_39 = arith.constant 0 : i32
      %dma_start3A_40 = tpu.memref_slice %arg8[%dma_start3A, %dma_start3A_39] : memref<256x16xf32, #tpu.memory_space<vmem>> -> memref<128x16xf32, #tpu.memory_space<vmem>>
      %dma_start3A_41 = arith.constant 0 : i32
      %dma_start3A_42 = tpu.memref_slice %arg9[%add3A_32, %dma_start3A_41] : memref<10240x16xf32, #tpu.memory_space<vmem_shared>> -> memref<128x16xf32, #tpu.memory_space<vmem_shared>>
      %dma_start3A_43 = arith.constant 0 : i32
      %dma_start3A_44 = arith.constant 0 : i32
      %dma_start3A_45 = tpu.memref_slice %arg8[%dma_start3A_43, %dma_start3A_44] : memref<256x16xf32, #tpu.memory_space<vmem>> -> memref<128x16xf32, #tpu.memory_space<vmem>>
      %dma_start3A_46 = arith.constant 0 : i32
      %dma_start3A_47 = tpu.memref_slice %arg9[%add3A_32, %dma_start3A_46] : memref<10240x16xf32, #tpu.memory_space<vmem_shared>> -> memref<128x16xf32, #tpu.memory_space<vmem_shared>>
      tpu.enqueue_dma source(%dma_start3A_47 : memref<128x16xf32, #tpu.memory_space<vmem_shared>>) target(%dma_start3A_45 : memref<128x16xf32, #tpu.memory_space<vmem>>) target_semaphore(%run_scoped3A : memref<!tpu.dma_semaphore, #tpu.memory_space<semaphore_mem>>)
      %dma_wait3A = arith.constant 0 : i32
      %dma_wait3A_48 = arith.constant 0 : i32
      %dma_wait3A_49 = tpu.memref_slice %arg8[%dma_wait3A, %dma_wait3A_48] : memref<256x16xf32, #tpu.memory_space<vmem>> -> memref<128x16xf32, #tpu.memory_space<vmem>>
      %dma_wait3A_50 = arith.constant 0 : i32
      %dma_wait3A_51 = tpu.memref_slice %arg9[%add3A_32, %dma_wait3A_50] : memref<10240x16xf32, #tpu.memory_space<vmem_shared>> -> memref<128x16xf32, #tpu.memory_space<vmem_shared>>
      %dma_wait3A_52 = arith.constant 0 : i32
      %dma_wait3A_53 = arith.constant 0 : i32
      %dma_wait3A_54 = tpu.memref_slice %arg8[%dma_wait3A_52, %dma_wait3A_53] : memref<256x16xf32, #tpu.memory_space<vmem>> -> memref<128x16xf32, #tpu.memory_space<vmem>>
      %dma_wait3A_55 = arith.constant 0 : i32
      %dma_wait3A_56 = tpu.memref_slice %arg9[%add3A_32, %dma_wait3A_55] : memref<10240x16xf32, #tpu.memory_space<vmem_shared>> -> memref<128x16xf32, #tpu.memory_space<vmem_shared>>
      tpu.wait_dma2 semaphore(%run_scoped3A : memref<!tpu.dma_semaphore, #tpu.memory_space<semaphore_mem>>) src(%dma_wait3A_56 : memref<128x16xf32, #tpu.memory_space<vmem_shared>>) dst(%dma_wait3A_54 : memref<128x16xf32, #tpu.memory_space<vmem>>)
      tpu.yield
    }) : () -> ()
    %add3A_33 = arith.constant 384 : i32
    %add3A_34 = arith.addi %mul3A_2, %add3A_33 : i32
    "tpu.region"() ({
      %run_scoped3A = tpu.sem_alloc : memref<!tpu.dma_semaphore, #tpu.memory_space<semaphore_mem>>
      %dma_start3A = arith.constant 0 : i32
      %dma_start3A_39 = arith.constant 0 : i32
      %dma_start3A_40 = tpu.memref_slice %arg8[%dma_start3A, %dma_start3A_39] : memref<256x16xf32, #tpu.memory_space<vmem>> -> memref<128x16xf32, #tpu.memory_space<vmem>>
      %dma_start3A_41 = arith.constant 0 : i32
      %dma_start3A_42 = tpu.memref_slice %arg5[%arg0, %add3A_34, %dma_start3A_41] : memref<2x10240x16xf32, #tpu.memory_space<hbm>> -> memref<1x128x16xf32, #tpu.memory_space<hbm>>
      %dma_start3A_43 = tpu.memref_squeeze %dma_start3A_42 : memref<1x128x16xf32, #tpu.memory_space<hbm>> -> memref<128x16xf32, #tpu.memory_space<hbm>>
      %dma_start3A_44 = arith.constant 0 : i32
      %dma_start3A_45 = tpu.memref_slice %arg5[%arg0, %add3A_34, %dma_start3A_44] : memref<2x10240x16xf32, #tpu.memory_space<hbm>> -> memref<1x128x16xf32, #tpu.memory_space<hbm>>
      %dma_start3A_46 = tpu.memref_squeeze %dma_start3A_45 : memref<1x128x16xf32, #tpu.memory_space<hbm>> -> memref<128x16xf32, #tpu.memory_space<hbm>>
      %dma_start3A_47 = arith.constant 0 : i32
      %dma_start3A_48 = arith.constant 0 : i32
      %dma_start3A_49 = tpu.memref_slice %arg8[%dma_start3A_47, %dma_start3A_48] : memref<256x16xf32, #tpu.memory_space<vmem>> -> memref<128x16xf32, #tpu.memory_space<vmem>>
      tpu.enqueue_dma source(%dma_start3A_49 : memref<128x16xf32, #tpu.memory_space<vmem>>) target(%dma_start3A_46 : memref<128x16xf32, #tpu.memory_space<hbm>>) target_semaphore(%run_scoped3A : memref<!tpu.dma_semaphore, #tpu.memory_space<semaphore_mem>>)
      %dma_wait3A = arith.constant 0 : i32
      %dma_wait3A_50 = arith.constant 0 : i32
      %dma_wait3A_51 = tpu.memref_slice %arg8[%dma_wait3A, %dma_wait3A_50] : memref<256x16xf32, #tpu.memory_space<vmem>> -> memref<128x16xf32, #tpu.memory_space<vmem>>
      %dma_wait3A_52 = arith.constant 0 : i32
      %dma_wait3A_53 = tpu.memref_slice %arg5[%arg0, %add3A_34, %dma_wait3A_52] : memref<2x10240x16xf32, #tpu.memory_space<hbm>> -> memref<1x128x16xf32, #tpu.memory_space<hbm>>
      %dma_wait3A_54 = tpu.memref_squeeze %dma_wait3A_53 : memref<1x128x16xf32, #tpu.memory_space<hbm>> -> memref<128x16xf32, #tpu.memory_space<hbm>>
      %dma_wait3A_55 = arith.constant 0 : i32
      %dma_wait3A_56 = tpu.memref_slice %arg5[%arg0, %add3A_34, %dma_wait3A_55] : memref<2x10240x16xf32, #tpu.memory_space<hbm>> -> memref<1x128x16xf32, #tpu.memory_space<hbm>>
      %dma_wait3A_57 = tpu.memref_squeeze %dma_wait3A_56 : memref<1x128x16xf32, #tpu.memory_space<hbm>> -> memref<128x16xf32, #tpu.memory_space<hbm>>
      %dma_wait3A_58 = arith.constant 0 : i32
      %dma_wait3A_59 = arith.constant 0 : i32
      %dma_wait3A_60 = tpu.memref_slice %arg8[%dma_wait3A_58, %dma_wait3A_59] : memref<256x16xf32, #tpu.memory_space<vmem>> -> memref<128x16xf32, #tpu.memory_space<vmem>>
      tpu.wait_dma2 semaphore(%run_scoped3A : memref<!tpu.dma_semaphore, #tpu.memory_space<semaphore_mem>>) src(%dma_wait3A_60 : memref<128x16xf32, #tpu.memory_space<vmem>>) dst(%dma_wait3A_57 : memref<128x16xf32, #tpu.memory_space<hbm>>)
      tpu.yield
    }) : () -> ()
    %add3A_35 = arith.constant 512 : i32
    %add3A_36 = arith.addi %mul3A_2, %add3A_35 : i32
    "tpu.region"() ({
      %run_scoped3A = tpu.sem_alloc : memref<!tpu.dma_semaphore, #tpu.memory_space<semaphore_mem>>
      %dma_start3A = arith.constant 0 : i32
      %dma_start3A_39 = arith.constant 0 : i32
      %dma_start3A_40 = tpu.memref_slice %arg8[%dma_start3A, %dma_start3A_39] : memref<256x16xf32, #tpu.memory_space<vmem>> -> memref<128x16xf32, #tpu.memory_space<vmem>>
      %dma_start3A_41 = arith.constant 0 : i32
      %dma_start3A_42 = tpu.memref_slice %arg9[%add3A_36, %dma_start3A_41] : memref<10240x16xf32, #tpu.memory_space<vmem_shared>> -> memref<128x16xf32, #tpu.memory_space<vmem_shared>>
      %dma_start3A_43 = arith.constant 0 : i32
      %dma_start3A_44 = arith.constant 0 : i32
      %dma_start3A_45 = tpu.memref_slice %arg8[%dma_start3A_43, %dma_start3A_44] : memref<256x16xf32, #tpu.memory_space<vmem>> -> memref<128x16xf32, #tpu.memory_space<vmem>>
      %dma_start3A_46 = arith.constant 0 : i32
      %dma_start3A_47 = tpu.memref_slice %arg9[%add3A_36, %dma_start3A_46] : memref<10240x16xf32, #tpu.memory_space<vmem_shared>> -> memref<128x16xf32, #tpu.memory_space<vmem_shared>>
      tpu.enqueue_dma source(%dma_start3A_47 : memref<128x16xf32, #tpu.memory_space<vmem_shared>>) target(%dma_start3A_45 : memref<128x16xf32, #tpu.memory_space<vmem>>) target_semaphore(%run_scoped3A : memref<!tpu.dma_semaphore, #tpu.memory_space<semaphore_mem>>)
      %dma_wait3A = arith.constant 0 : i32
      %dma_wait3A_48 = arith.constant 0 : i32
      %dma_wait3A_49 = tpu.memref_slice %arg8[%dma_wait3A, %dma_wait3A_48] : memref<256x16xf32, #tpu.memory_space<vmem>> -> memref<128x16xf32, #tpu.memory_space<vmem>>
      %dma_wait3A_50 = arith.constant 0 : i32
      %dma_wait3A_51 = tpu.memref_slice %arg9[%add3A_36, %dma_wait3A_50] : memref<10240x16xf32, #tpu.memory_space<vmem_shared>> -> memref<128x16xf32, #tpu.memory_space<vmem_shared>>
      %dma_wait3A_52 = arith.constant 0 : i32
      %dma_wait3A_53 = arith.constant 0 : i32
      %dma_wait3A_54 = tpu.memref_slice %arg8[%dma_wait3A_52, %dma_wait3A_53] : memref<256x16xf32, #tpu.memory_space<vmem>> -> memref<128x16xf32, #tpu.memory_space<vmem>>
      %dma_wait3A_55 = arith.constant 0 : i32
      %dma_wait3A_56 = tpu.memref_slice %arg9[%add3A_36, %dma_wait3A_55] : memref<10240x16xf32, #tpu.memory_space<vmem_shared>> -> memref<128x16xf32, #tpu.memory_space<vmem_shared>>
      tpu.wait_dma2 semaphore(%run_scoped3A : memref<!tpu.dma_semaphore, #tpu.memory_space<semaphore_mem>>) src(%dma_wait3A_56 : memref<128x16xf32, #tpu.memory_space<vmem_shared>>) dst(%dma_wait3A_54 : memref<128x16xf32, #tpu.memory_space<vmem>>)
      tpu.yield
    }) : () -> ()
    %add3A_37 = arith.constant 512 : i32
    %add3A_38 = arith.addi %mul3A_2, %add3A_37 : i32
    "tpu.region"() ({
      %run_scoped3A = tpu.sem_alloc : memref<!tpu.dma_semaphore, #tpu.memory_space<semaphore_mem>>
      %dma_start3A = arith.constant 0 : i32
      %dma_start3A_39 = arith.constant 0 : i32
      %dma_start3A_40 = tpu.memref_slice %arg8[%dma_start3A, %dma_start3A_39] : memref<256x16xf32, #tpu.memory_space<vmem>> -> memref<128x16xf32, #tpu.memory_space<vmem>>
      %dma_start3A_41 = arith.constant 0 : i32
      %dma_start3A_42 = tpu.memref_slice %arg5[%arg0, %add3A_38, %dma_start3A_41] : memref<2x10240x16xf32, #tpu.memory_space<hbm>> -> memref<1x128x16xf32, #tpu.memory_space<hbm>>
      %dma_start3A_43 = tpu.memref_squeeze %dma_start3A_42 : memref<1x128x16xf32, #tpu.memory_space<hbm>> -> memref<128x16xf32, #tpu.memory_space<hbm>>
      %dma_start3A_44 = arith.constant 0 : i32
      %dma_start3A_45 = tpu.memref_slice %arg5[%arg0, %add3A_38, %dma_start3A_44] : memref<2x10240x16xf32, #tpu.memory_space<hbm>> -> memref<1x128x16xf32, #tpu.memory_space<hbm>>
      %dma_start3A_46 = tpu.memref_squeeze %dma_start3A_45 : memref<1x128x16xf32, #tpu.memory_space<hbm>> -> memref<128x16xf32, #tpu.memory_space<hbm>>
      %dma_start3A_47 = arith.constant 0 : i32
      %dma_start3A_48 = arith.constant 0 : i32
      %dma_start3A_49 = tpu.memref_slice %arg8[%dma_start3A_47, %dma_start3A_48] : memref<256x16xf32, #tpu.memory_space<vmem>> -> memref<128x16xf32, #tpu.memory_space<vmem>>
      tpu.enqueue_dma source(%dma_start3A_49 : memref<128x16xf32, #tpu.memory_space<vmem>>) target(%dma_start3A_46 : memref<128x16xf32, #tpu.memory_space<hbm>>) target_semaphore(%run_scoped3A : memref<!tpu.dma_semaphore, #tpu.memory_space<semaphore_mem>>)
      %dma_wait3A = arith.constant 0 : i32
      %dma_wait3A_50 = arith.constant 0 : i32
      %dma_wait3A_51 = tpu.memref_slice %arg8[%dma_wait3A, %dma_wait3A_50] : memref<256x16xf32, #tpu.memory_space<vmem>> -> memref<128x16xf32, #tpu.memory_space<vmem>>
      %dma_wait3A_52 = arith.constant 0 : i32
      %dma_wait3A_53 = tpu.memref_slice %arg5[%arg0, %add3A_38, %dma_wait3A_52] : memref<2x10240x16xf32, #tpu.memory_space<hbm>> -> memref<1x128x16xf32, #tpu.memory_space<hbm>>
      %dma_wait3A_54 = tpu.memref_squeeze %dma_wait3A_53 : memref<1x128x16xf32, #tpu.memory_space<hbm>> -> memref<128x16xf32, #tpu.memory_space<hbm>>
      %dma_wait3A_55 = arith.constant 0 : i32
      %dma_wait3A_56 = tpu.memref_slice %arg5[%arg0, %add3A_38, %dma_wait3A_55] : memref<2x10240x16xf32, #tpu.memory_space<hbm>> -> memref<1x128x16xf32, #tpu.memory_space<hbm>>
      %dma_wait3A_57 = tpu.memref_squeeze %dma_wait3A_56 : memref<1x128x16xf32, #tpu.memory_space<hbm>> -> memref<128x16xf32, #tpu.memory_space<hbm>>
      %dma_wait3A_58 = arith.constant 0 : i32
      %dma_wait3A_59 = arith.constant 0 : i32
      %dma_wait3A_60 = tpu.memref_slice %arg8[%dma_wait3A_58, %dma_wait3A_59] : memref<256x16xf32, #tpu.memory_space<vmem>> -> memref<128x16xf32, #tpu.memory_space<vmem>>
      tpu.wait_dma2 semaphore(%run_scoped3A : memref<!tpu.dma_semaphore, #tpu.memory_space<semaphore_mem>>) src(%dma_wait3A_60 : memref<128x16xf32, #tpu.memory_space<vmem>>) dst(%dma_wait3A_57 : memref<128x16xf32, #tpu.memory_space<hbm>>)
      tpu.yield
    }) : () -> ()
    return
  }
}

#map = affine_map<(d0, d1) -> (0, 0)>
#map1 = affine_map<(d0, d1) -> (0, 0, 0)>
module attributes {stable_mosaic.version = 14 : i64} {
  func.func @agg_kernel(%arg0: i32, %arg1: i32, %arg2: memref<20480x64xf32, #tpu.memory_space<hbm>>, %arg3: memref<32x116x176xi32, #tpu.memory_space<hbm>>, %arg4: memref<16x116x176xi32, #tpu.memory_space<hbm>>, %arg5: memref<176x64xf32, #tpu.memory_space<hbm>>, %arg6: memref<2x10240x64xf32, #tpu.memory_space<hbm>>, %arg7: memref<116x176xi32, #tpu.memory_space<vmem>>, %arg8: memref<116x176xi32, #tpu.memory_space<vmem>>, %arg9: memref<176x64xf32, #tpu.memory_space<vmem>>, %arg10: memref<176x64xf32, #tpu.memory_space<vmem>>, %arg11: memref<176x64xf32, #tpu.memory_space<vmem>>, %arg12: memref<176x64xf32, #tpu.memory_space<vmem>>, %arg13: memref<10240x64xf32, #tpu.memory_space<vmem_shared>>, %arg14: memref<!tpu.dma_semaphore, #tpu.memory_space<semaphore_mem>>, %arg15: memref<!tpu.dma_semaphore, #tpu.memory_space<semaphore_mem>>, %arg16: memref<!tpu.dma_semaphore, #tpu.memory_space<semaphore_mem>>, %arg17: memref<!tpu.dma_semaphore, #tpu.memory_space<semaphore_mem>>, %arg18: memref<!tpu.dma_semaphore, #tpu.memory_space<semaphore_mem>>, %arg19: memref<!tpu.dma_semaphore, #tpu.memory_space<semaphore_mem>>, %arg20: memref<!tpu.dma_semaphore, #tpu.memory_space<semaphore_mem>>, %arg21: memref<!tpu.dma_semaphore, #tpu.memory_space<semaphore_mem>>) attributes {dimension_semantics = [#tpu.dimension_semantics<core_parallel>, #tpu.dimension_semantics<subcore_parallel>], iteration_bounds = array<i64: 2, 16>, scalar_prefetch = 0 : i64, scratch_operands = 15 : i64, tpu.core_type = #tpu.core_type<sc_vector_subcore>, window_params = [{transform_indices = #map}, {transform_indices = #map1}, {transform_indices = #map1}, {transform_indices = #map}, {transform_indices = #map1}]} {
    %mul3A = arith.constant 16 : i32
    %mul3A_0 = arith.muli %arg0, %mul3A : i32
    %add3A = arith.addi %mul3A_0, %arg1 : i32
    %mul3A_1 = arith.constant 640 : i32
    %mul3A_2 = arith.muli %arg1, %mul3A_1 : i32
    "tpu.region"() ({
      %run_scoped3A = tpu.sem_alloc : memref<!tpu.dma_semaphore, #tpu.memory_space<semaphore_mem>>
      %dma_start3A = arith.constant 0 : i32
      %dma_start3A_39 = arith.constant 0 : i32
      %dma_start3A_40 = tpu.memref_slice %arg3[%add3A, %dma_start3A, %dma_start3A_39] : memref<32x116x176xi32, #tpu.memory_space<hbm>> -> memref<1x116x176xi32, #tpu.memory_space<hbm>>
      %dma_start3A_41 = tpu.memref_squeeze %dma_start3A_40 : memref<1x116x176xi32, #tpu.memory_space<hbm>> -> memref<116x176xi32, #tpu.memory_space<hbm>>
      %dma_start3A_42 = arith.constant 0 : i32
      %dma_start3A_43 = arith.constant 0 : i32
      %dma_start3A_44 = tpu.memref_slice %arg3[%add3A, %dma_start3A_42, %dma_start3A_43] : memref<32x116x176xi32, #tpu.memory_space<hbm>> -> memref<1x116x176xi32, #tpu.memory_space<hbm>>
      %dma_start3A_45 = tpu.memref_squeeze %dma_start3A_44 : memref<1x116x176xi32, #tpu.memory_space<hbm>> -> memref<116x176xi32, #tpu.memory_space<hbm>>
      tpu.enqueue_dma source(%dma_start3A_45 : memref<116x176xi32, #tpu.memory_space<hbm>>) target(%arg7 : memref<116x176xi32, #tpu.memory_space<vmem>>) target_semaphore(%run_scoped3A : memref<!tpu.dma_semaphore, #tpu.memory_space<semaphore_mem>>)
      %dma_wait3A = arith.constant 0 : i32
      %dma_wait3A_46 = arith.constant 0 : i32
      %dma_wait3A_47 = tpu.memref_slice %arg3[%add3A, %dma_wait3A, %dma_wait3A_46] : memref<32x116x176xi32, #tpu.memory_space<hbm>> -> memref<1x116x176xi32, #tpu.memory_space<hbm>>
      %dma_wait3A_48 = tpu.memref_squeeze %dma_wait3A_47 : memref<1x116x176xi32, #tpu.memory_space<hbm>> -> memref<116x176xi32, #tpu.memory_space<hbm>>
      %dma_wait3A_49 = arith.constant 0 : i32
      %dma_wait3A_50 = arith.constant 0 : i32
      %dma_wait3A_51 = tpu.memref_slice %arg3[%add3A, %dma_wait3A_49, %dma_wait3A_50] : memref<32x116x176xi32, #tpu.memory_space<hbm>> -> memref<1x116x176xi32, #tpu.memory_space<hbm>>
      %dma_wait3A_52 = tpu.memref_squeeze %dma_wait3A_51 : memref<1x116x176xi32, #tpu.memory_space<hbm>> -> memref<116x176xi32, #tpu.memory_space<hbm>>
      tpu.wait_dma2 semaphore(%run_scoped3A : memref<!tpu.dma_semaphore, #tpu.memory_space<semaphore_mem>>) src(%dma_wait3A_52 : memref<116x176xi32, #tpu.memory_space<hbm>>) dst(%arg7 : memref<116x176xi32, #tpu.memory_space<vmem>>)
      tpu.yield
    }) : () -> ()
    "tpu.region"() ({
      %run_scoped3A = tpu.sem_alloc : memref<!tpu.dma_semaphore, #tpu.memory_space<semaphore_mem>>
      %dma_start3A = arith.constant 0 : i32
      %dma_start3A_39 = arith.constant 0 : i32
      %dma_start3A_40 = tpu.memref_slice %arg4[%arg1, %dma_start3A, %dma_start3A_39] : memref<16x116x176xi32, #tpu.memory_space<hbm>> -> memref<1x116x176xi32, #tpu.memory_space<hbm>>
      %dma_start3A_41 = tpu.memref_squeeze %dma_start3A_40 : memref<1x116x176xi32, #tpu.memory_space<hbm>> -> memref<116x176xi32, #tpu.memory_space<hbm>>
      %dma_start3A_42 = arith.constant 0 : i32
      %dma_start3A_43 = arith.constant 0 : i32
      %dma_start3A_44 = tpu.memref_slice %arg4[%arg1, %dma_start3A_42, %dma_start3A_43] : memref<16x116x176xi32, #tpu.memory_space<hbm>> -> memref<1x116x176xi32, #tpu.memory_space<hbm>>
      %dma_start3A_45 = tpu.memref_squeeze %dma_start3A_44 : memref<1x116x176xi32, #tpu.memory_space<hbm>> -> memref<116x176xi32, #tpu.memory_space<hbm>>
      tpu.enqueue_dma source(%dma_start3A_45 : memref<116x176xi32, #tpu.memory_space<hbm>>) target(%arg8 : memref<116x176xi32, #tpu.memory_space<vmem>>) target_semaphore(%run_scoped3A : memref<!tpu.dma_semaphore, #tpu.memory_space<semaphore_mem>>)
      %dma_wait3A = arith.constant 0 : i32
      %dma_wait3A_46 = arith.constant 0 : i32
      %dma_wait3A_47 = tpu.memref_slice %arg4[%arg1, %dma_wait3A, %dma_wait3A_46] : memref<16x116x176xi32, #tpu.memory_space<hbm>> -> memref<1x116x176xi32, #tpu.memory_space<hbm>>
      %dma_wait3A_48 = tpu.memref_squeeze %dma_wait3A_47 : memref<1x116x176xi32, #tpu.memory_space<hbm>> -> memref<116x176xi32, #tpu.memory_space<hbm>>
      %dma_wait3A_49 = arith.constant 0 : i32
      %dma_wait3A_50 = arith.constant 0 : i32
      %dma_wait3A_51 = tpu.memref_slice %arg4[%arg1, %dma_wait3A_49, %dma_wait3A_50] : memref<16x116x176xi32, #tpu.memory_space<hbm>> -> memref<1x116x176xi32, #tpu.memory_space<hbm>>
      %dma_wait3A_52 = tpu.memref_squeeze %dma_wait3A_51 : memref<1x116x176xi32, #tpu.memory_space<hbm>> -> memref<116x176xi32, #tpu.memory_space<hbm>>
      tpu.wait_dma2 semaphore(%run_scoped3A : memref<!tpu.dma_semaphore, #tpu.memory_space<semaphore_mem>>) src(%dma_wait3A_52 : memref<116x176xi32, #tpu.memory_space<hbm>>) dst(%arg8 : memref<116x176xi32, #tpu.memory_space<vmem>>)
      tpu.yield
    }) : () -> ()
    "tpu.region"() ({
      %run_scoped3A = tpu.sem_alloc : memref<!tpu.dma_semaphore, #tpu.memory_space<semaphore_mem>>
      tpu.enqueue_dma source(%arg5 : memref<176x64xf32, #tpu.memory_space<hbm>>) target(%arg9 : memref<176x64xf32, #tpu.memory_space<vmem>>) target_semaphore(%run_scoped3A : memref<!tpu.dma_semaphore, #tpu.memory_space<semaphore_mem>>)
      tpu.wait_dma2 semaphore(%run_scoped3A : memref<!tpu.dma_semaphore, #tpu.memory_space<semaphore_mem>>) src(%arg5 : memref<176x64xf32, #tpu.memory_space<hbm>>) dst(%arg9 : memref<176x64xf32, #tpu.memory_space<vmem>>)
      tpu.yield
    }) : () -> ()
    %add3A_3 = arith.constant 0 : i32
    %add3A_4 = arith.addi %mul3A_2, %add3A_3 : i32
    "tpu.region"() ({
      %run_scoped3A = tpu.sem_alloc : memref<!tpu.dma_semaphore, #tpu.memory_space<semaphore_mem>>
      %dma_start3A = arith.constant 0 : i32
      %dma_start3A_39 = arith.constant 0 : i32
      %dma_start3A_40 = tpu.memref_slice %arg9[%dma_start3A, %dma_start3A_39] : memref<176x64xf32, #tpu.memory_space<vmem>> -> memref<128x64xf32, #tpu.memory_space<vmem>>
      %dma_start3A_41 = arith.constant 0 : i32
      %dma_start3A_42 = tpu.memref_slice %arg13[%add3A_4, %dma_start3A_41] : memref<10240x64xf32, #tpu.memory_space<vmem_shared>> -> memref<128x64xf32, #tpu.memory_space<vmem_shared>>
      %dma_start3A_43 = arith.constant 0 : i32
      %dma_start3A_44 = tpu.memref_slice %arg13[%add3A_4, %dma_start3A_43] : memref<10240x64xf32, #tpu.memory_space<vmem_shared>> -> memref<128x64xf32, #tpu.memory_space<vmem_shared>>
      %dma_start3A_45 = arith.constant 0 : i32
      %dma_start3A_46 = arith.constant 0 : i32
      %dma_start3A_47 = tpu.memref_slice %arg9[%dma_start3A_45, %dma_start3A_46] : memref<176x64xf32, #tpu.memory_space<vmem>> -> memref<128x64xf32, #tpu.memory_space<vmem>>
      tpu.enqueue_dma source(%dma_start3A_47 : memref<128x64xf32, #tpu.memory_space<vmem>>) target(%dma_start3A_44 : memref<128x64xf32, #tpu.memory_space<vmem_shared>>) target_semaphore(%run_scoped3A : memref<!tpu.dma_semaphore, #tpu.memory_space<semaphore_mem>>)
      %dma_wait3A = arith.constant 0 : i32
      %dma_wait3A_48 = arith.constant 0 : i32
      %dma_wait3A_49 = tpu.memref_slice %arg9[%dma_wait3A, %dma_wait3A_48] : memref<176x64xf32, #tpu.memory_space<vmem>> -> memref<128x64xf32, #tpu.memory_space<vmem>>
      %dma_wait3A_50 = arith.constant 0 : i32
      %dma_wait3A_51 = tpu.memref_slice %arg13[%add3A_4, %dma_wait3A_50] : memref<10240x64xf32, #tpu.memory_space<vmem_shared>> -> memref<128x64xf32, #tpu.memory_space<vmem_shared>>
      %dma_wait3A_52 = arith.constant 0 : i32
      %dma_wait3A_53 = tpu.memref_slice %arg13[%add3A_4, %dma_wait3A_52] : memref<10240x64xf32, #tpu.memory_space<vmem_shared>> -> memref<128x64xf32, #tpu.memory_space<vmem_shared>>
      %dma_wait3A_54 = arith.constant 0 : i32
      %dma_wait3A_55 = arith.constant 0 : i32
      %dma_wait3A_56 = tpu.memref_slice %arg9[%dma_wait3A_54, %dma_wait3A_55] : memref<176x64xf32, #tpu.memory_space<vmem>> -> memref<128x64xf32, #tpu.memory_space<vmem>>
      tpu.wait_dma2 semaphore(%run_scoped3A : memref<!tpu.dma_semaphore, #tpu.memory_space<semaphore_mem>>) src(%dma_wait3A_56 : memref<128x64xf32, #tpu.memory_space<vmem>>) dst(%dma_wait3A_53 : memref<128x64xf32, #tpu.memory_space<vmem_shared>>)
      tpu.yield
    }) : () -> ()
    %add3A_5 = arith.constant 128 : i32
    %add3A_6 = arith.addi %mul3A_2, %add3A_5 : i32
    "tpu.region"() ({
      %run_scoped3A = tpu.sem_alloc : memref<!tpu.dma_semaphore, #tpu.memory_space<semaphore_mem>>
      %dma_start3A = arith.constant 0 : i32
      %dma_start3A_39 = arith.constant 0 : i32
      %dma_start3A_40 = tpu.memref_slice %arg9[%dma_start3A, %dma_start3A_39] : memref<176x64xf32, #tpu.memory_space<vmem>> -> memref<128x64xf32, #tpu.memory_space<vmem>>
      %dma_start3A_41 = arith.constant 0 : i32
      %dma_start3A_42 = tpu.memref_slice %arg13[%add3A_6, %dma_start3A_41] : memref<10240x64xf32, #tpu.memory_space<vmem_shared>> -> memref<128x64xf32, #tpu.memory_space<vmem_shared>>
      %dma_start3A_43 = arith.constant 0 : i32
      %dma_start3A_44 = tpu.memref_slice %arg13[%add3A_6, %dma_start3A_43] : memref<10240x64xf32, #tpu.memory_space<vmem_shared>> -> memref<128x64xf32, #tpu.memory_space<vmem_shared>>
      %dma_start3A_45 = arith.constant 0 : i32
      %dma_start3A_46 = arith.constant 0 : i32
      %dma_start3A_47 = tpu.memref_slice %arg9[%dma_start3A_45, %dma_start3A_46] : memref<176x64xf32, #tpu.memory_space<vmem>> -> memref<128x64xf32, #tpu.memory_space<vmem>>
      tpu.enqueue_dma source(%dma_start3A_47 : memref<128x64xf32, #tpu.memory_space<vmem>>) target(%dma_start3A_44 : memref<128x64xf32, #tpu.memory_space<vmem_shared>>) target_semaphore(%run_scoped3A : memref<!tpu.dma_semaphore, #tpu.memory_space<semaphore_mem>>)
      %dma_wait3A = arith.constant 0 : i32
      %dma_wait3A_48 = arith.constant 0 : i32
      %dma_wait3A_49 = tpu.memref_slice %arg9[%dma_wait3A, %dma_wait3A_48] : memref<176x64xf32, #tpu.memory_space<vmem>> -> memref<128x64xf32, #tpu.memory_space<vmem>>
      %dma_wait3A_50 = arith.constant 0 : i32
      %dma_wait3A_51 = tpu.memref_slice %arg13[%add3A_6, %dma_wait3A_50] : memref<10240x64xf32, #tpu.memory_space<vmem_shared>> -> memref<128x64xf32, #tpu.memory_space<vmem_shared>>
      %dma_wait3A_52 = arith.constant 0 : i32
      %dma_wait3A_53 = tpu.memref_slice %arg13[%add3A_6, %dma_wait3A_52] : memref<10240x64xf32, #tpu.memory_space<vmem_shared>> -> memref<128x64xf32, #tpu.memory_space<vmem_shared>>
      %dma_wait3A_54 = arith.constant 0 : i32
      %dma_wait3A_55 = arith.constant 0 : i32
      %dma_wait3A_56 = tpu.memref_slice %arg9[%dma_wait3A_54, %dma_wait3A_55] : memref<176x64xf32, #tpu.memory_space<vmem>> -> memref<128x64xf32, #tpu.memory_space<vmem>>
      tpu.wait_dma2 semaphore(%run_scoped3A : memref<!tpu.dma_semaphore, #tpu.memory_space<semaphore_mem>>) src(%dma_wait3A_56 : memref<128x64xf32, #tpu.memory_space<vmem>>) dst(%dma_wait3A_53 : memref<128x64xf32, #tpu.memory_space<vmem_shared>>)
      tpu.yield
    }) : () -> ()
    %add3A_7 = arith.constant 256 : i32
    %add3A_8 = arith.addi %mul3A_2, %add3A_7 : i32
    "tpu.region"() ({
      %run_scoped3A = tpu.sem_alloc : memref<!tpu.dma_semaphore, #tpu.memory_space<semaphore_mem>>
      %dma_start3A = arith.constant 0 : i32
      %dma_start3A_39 = arith.constant 0 : i32
      %dma_start3A_40 = tpu.memref_slice %arg9[%dma_start3A, %dma_start3A_39] : memref<176x64xf32, #tpu.memory_space<vmem>> -> memref<128x64xf32, #tpu.memory_space<vmem>>
      %dma_start3A_41 = arith.constant 0 : i32
      %dma_start3A_42 = tpu.memref_slice %arg13[%add3A_8, %dma_start3A_41] : memref<10240x64xf32, #tpu.memory_space<vmem_shared>> -> memref<128x64xf32, #tpu.memory_space<vmem_shared>>
      %dma_start3A_43 = arith.constant 0 : i32
      %dma_start3A_44 = tpu.memref_slice %arg13[%add3A_8, %dma_start3A_43] : memref<10240x64xf32, #tpu.memory_space<vmem_shared>> -> memref<128x64xf32, #tpu.memory_space<vmem_shared>>
      %dma_start3A_45 = arith.constant 0 : i32
      %dma_start3A_46 = arith.constant 0 : i32
      %dma_start3A_47 = tpu.memref_slice %arg9[%dma_start3A_45, %dma_start3A_46] : memref<176x64xf32, #tpu.memory_space<vmem>> -> memref<128x64xf32, #tpu.memory_space<vmem>>
      tpu.enqueue_dma source(%dma_start3A_47 : memref<128x64xf32, #tpu.memory_space<vmem>>) target(%dma_start3A_44 : memref<128x64xf32, #tpu.memory_space<vmem_shared>>) target_semaphore(%run_scoped3A : memref<!tpu.dma_semaphore, #tpu.memory_space<semaphore_mem>>)
      %dma_wait3A = arith.constant 0 : i32
      %dma_wait3A_48 = arith.constant 0 : i32
      %dma_wait3A_49 = tpu.memref_slice %arg9[%dma_wait3A, %dma_wait3A_48] : memref<176x64xf32, #tpu.memory_space<vmem>> -> memref<128x64xf32, #tpu.memory_space<vmem>>
      %dma_wait3A_50 = arith.constant 0 : i32
      %dma_wait3A_51 = tpu.memref_slice %arg13[%add3A_8, %dma_wait3A_50] : memref<10240x64xf32, #tpu.memory_space<vmem_shared>> -> memref<128x64xf32, #tpu.memory_space<vmem_shared>>
      %dma_wait3A_52 = arith.constant 0 : i32
      %dma_wait3A_53 = tpu.memref_slice %arg13[%add3A_8, %dma_wait3A_52] : memref<10240x64xf32, #tpu.memory_space<vmem_shared>> -> memref<128x64xf32, #tpu.memory_space<vmem_shared>>
      %dma_wait3A_54 = arith.constant 0 : i32
      %dma_wait3A_55 = arith.constant 0 : i32
      %dma_wait3A_56 = tpu.memref_slice %arg9[%dma_wait3A_54, %dma_wait3A_55] : memref<176x64xf32, #tpu.memory_space<vmem>> -> memref<128x64xf32, #tpu.memory_space<vmem>>
      tpu.wait_dma2 semaphore(%run_scoped3A : memref<!tpu.dma_semaphore, #tpu.memory_space<semaphore_mem>>) src(%dma_wait3A_56 : memref<128x64xf32, #tpu.memory_space<vmem>>) dst(%dma_wait3A_53 : memref<128x64xf32, #tpu.memory_space<vmem_shared>>)
      tpu.yield
    }) : () -> ()
    %add3A_9 = arith.constant 384 : i32
    %add3A_10 = arith.addi %mul3A_2, %add3A_9 : i32
    "tpu.region"() ({
      %run_scoped3A = tpu.sem_alloc : memref<!tpu.dma_semaphore, #tpu.memory_space<semaphore_mem>>
      %dma_start3A = arith.constant 0 : i32
      %dma_start3A_39 = arith.constant 0 : i32
      %dma_start3A_40 = tpu.memref_slice %arg9[%dma_start3A, %dma_start3A_39] : memref<176x64xf32, #tpu.memory_space<vmem>> -> memref<128x64xf32, #tpu.memory_space<vmem>>
      %dma_start3A_41 = arith.constant 0 : i32
      %dma_start3A_42 = tpu.memref_slice %arg13[%add3A_10, %dma_start3A_41] : memref<10240x64xf32, #tpu.memory_space<vmem_shared>> -> memref<128x64xf32, #tpu.memory_space<vmem_shared>>
      %dma_start3A_43 = arith.constant 0 : i32
      %dma_start3A_44 = tpu.memref_slice %arg13[%add3A_10, %dma_start3A_43] : memref<10240x64xf32, #tpu.memory_space<vmem_shared>> -> memref<128x64xf32, #tpu.memory_space<vmem_shared>>
      %dma_start3A_45 = arith.constant 0 : i32
      %dma_start3A_46 = arith.constant 0 : i32
      %dma_start3A_47 = tpu.memref_slice %arg9[%dma_start3A_45, %dma_start3A_46] : memref<176x64xf32, #tpu.memory_space<vmem>> -> memref<128x64xf32, #tpu.memory_space<vmem>>
      tpu.enqueue_dma source(%dma_start3A_47 : memref<128x64xf32, #tpu.memory_space<vmem>>) target(%dma_start3A_44 : memref<128x64xf32, #tpu.memory_space<vmem_shared>>) target_semaphore(%run_scoped3A : memref<!tpu.dma_semaphore, #tpu.memory_space<semaphore_mem>>)
      %dma_wait3A = arith.constant 0 : i32
      %dma_wait3A_48 = arith.constant 0 : i32
      %dma_wait3A_49 = tpu.memref_slice %arg9[%dma_wait3A, %dma_wait3A_48] : memref<176x64xf32, #tpu.memory_space<vmem>> -> memref<128x64xf32, #tpu.memory_space<vmem>>
      %dma_wait3A_50 = arith.constant 0 : i32
      %dma_wait3A_51 = tpu.memref_slice %arg13[%add3A_10, %dma_wait3A_50] : memref<10240x64xf32, #tpu.memory_space<vmem_shared>> -> memref<128x64xf32, #tpu.memory_space<vmem_shared>>
      %dma_wait3A_52 = arith.constant 0 : i32
      %dma_wait3A_53 = tpu.memref_slice %arg13[%add3A_10, %dma_wait3A_52] : memref<10240x64xf32, #tpu.memory_space<vmem_shared>> -> memref<128x64xf32, #tpu.memory_space<vmem_shared>>
      %dma_wait3A_54 = arith.constant 0 : i32
      %dma_wait3A_55 = arith.constant 0 : i32
      %dma_wait3A_56 = tpu.memref_slice %arg9[%dma_wait3A_54, %dma_wait3A_55] : memref<176x64xf32, #tpu.memory_space<vmem>> -> memref<128x64xf32, #tpu.memory_space<vmem>>
      tpu.wait_dma2 semaphore(%run_scoped3A : memref<!tpu.dma_semaphore, #tpu.memory_space<semaphore_mem>>) src(%dma_wait3A_56 : memref<128x64xf32, #tpu.memory_space<vmem>>) dst(%dma_wait3A_53 : memref<128x64xf32, #tpu.memory_space<vmem_shared>>)
      tpu.yield
    }) : () -> ()
    %add3A_11 = arith.constant 512 : i32
    %add3A_12 = arith.addi %mul3A_2, %add3A_11 : i32
    "tpu.region"() ({
      %run_scoped3A = tpu.sem_alloc : memref<!tpu.dma_semaphore, #tpu.memory_space<semaphore_mem>>
      %dma_start3A = arith.constant 0 : i32
      %dma_start3A_39 = arith.constant 0 : i32
      %dma_start3A_40 = tpu.memref_slice %arg9[%dma_start3A, %dma_start3A_39] : memref<176x64xf32, #tpu.memory_space<vmem>> -> memref<128x64xf32, #tpu.memory_space<vmem>>
      %dma_start3A_41 = arith.constant 0 : i32
      %dma_start3A_42 = tpu.memref_slice %arg13[%add3A_12, %dma_start3A_41] : memref<10240x64xf32, #tpu.memory_space<vmem_shared>> -> memref<128x64xf32, #tpu.memory_space<vmem_shared>>
      %dma_start3A_43 = arith.constant 0 : i32
      %dma_start3A_44 = tpu.memref_slice %arg13[%add3A_12, %dma_start3A_43] : memref<10240x64xf32, #tpu.memory_space<vmem_shared>> -> memref<128x64xf32, #tpu.memory_space<vmem_shared>>
      %dma_start3A_45 = arith.constant 0 : i32
      %dma_start3A_46 = arith.constant 0 : i32
      %dma_start3A_47 = tpu.memref_slice %arg9[%dma_start3A_45, %dma_start3A_46] : memref<176x64xf32, #tpu.memory_space<vmem>> -> memref<128x64xf32, #tpu.memory_space<vmem>>
      tpu.enqueue_dma source(%dma_start3A_47 : memref<128x64xf32, #tpu.memory_space<vmem>>) target(%dma_start3A_44 : memref<128x64xf32, #tpu.memory_space<vmem_shared>>) target_semaphore(%run_scoped3A : memref<!tpu.dma_semaphore, #tpu.memory_space<semaphore_mem>>)
      %dma_wait3A = arith.constant 0 : i32
      %dma_wait3A_48 = arith.constant 0 : i32
      %dma_wait3A_49 = tpu.memref_slice %arg9[%dma_wait3A, %dma_wait3A_48] : memref<176x64xf32, #tpu.memory_space<vmem>> -> memref<128x64xf32, #tpu.memory_space<vmem>>
      %dma_wait3A_50 = arith.constant 0 : i32
      %dma_wait3A_51 = tpu.memref_slice %arg13[%add3A_12, %dma_wait3A_50] : memref<10240x64xf32, #tpu.memory_space<vmem_shared>> -> memref<128x64xf32, #tpu.memory_space<vmem_shared>>
      %dma_wait3A_52 = arith.constant 0 : i32
      %dma_wait3A_53 = tpu.memref_slice %arg13[%add3A_12, %dma_wait3A_52] : memref<10240x64xf32, #tpu.memory_space<vmem_shared>> -> memref<128x64xf32, #tpu.memory_space<vmem_shared>>
      %dma_wait3A_54 = arith.constant 0 : i32
      %dma_wait3A_55 = arith.constant 0 : i32
      %dma_wait3A_56 = tpu.memref_slice %arg9[%dma_wait3A_54, %dma_wait3A_55] : memref<176x64xf32, #tpu.memory_space<vmem>> -> memref<128x64xf32, #tpu.memory_space<vmem>>
      tpu.wait_dma2 semaphore(%run_scoped3A : memref<!tpu.dma_semaphore, #tpu.memory_space<semaphore_mem>>) src(%dma_wait3A_56 : memref<128x64xf32, #tpu.memory_space<vmem>>) dst(%dma_wait3A_53 : memref<128x64xf32, #tpu.memory_space<vmem_shared>>)
      tpu.yield
    }) : () -> ()
    %barrier3A = arith.constant 0 : index
    tpu.barrier barrier_id(%barrier3A)
    %scan3A = arith.constant 0 : i32
    %scan3A_13 = arith.constant 0 : i32
    %scan3A_14 = arith.constant 29 : i32
    %scan3A_15 = arith.addi %scan3A_13, %scan3A_14 : i32
    %scan3A_16 = arith.constant 1 : i32
    scf.for %scan3A_39 = %scan3A_13 to %scan3A_15 step %scan3A_16  : i32 {
      %mul3A_40 = arith.constant 4 : i32
      %mul3A_41 = arith.muli %scan3A_39, %mul3A_40 : i32
      %add3A_42 = arith.constant 0 : i32
      %add3A_43 = arith.addi %mul3A_41, %add3A_42 : i32
      %dma_start3A = arith.constant 0 : i32
      %dma_start3A_44 = tpu.memref_slice %arg7[%add3A_43, %dma_start3A] : memref<116x176xi32, #tpu.memory_space<vmem>> -> memref<1x176xi32, #tpu.memory_space<vmem>>
      %dma_start3A_45 = tpu.memref_squeeze %dma_start3A_44 : memref<1x176xi32, #tpu.memory_space<vmem>> -> memref<176xi32, #tpu.memory_space<vmem>>
      %dma_start3A_46 = arith.constant 0 : i32
      %dma_start3A_47 = arith.constant 0 : i32
      %dma_start3A_48 = tpu.memref_slice %arg2[%dma_start3A_46, %dma_start3A_47] : memref<20480x64xf32, #tpu.memory_space<hbm>> -> memref<20480x64xf32, #tpu.memory_space<hbm>>
      tpu.enqueue_indirect_dma source(%dma_start3A_48 : memref<20480x64xf32, #tpu.memory_space<hbm>>) target(%arg9 : memref<176x64xf32, #tpu.memory_space<vmem>>) offsets(%dma_start3A_45 : memref<176xi32, #tpu.memory_space<vmem>>) semaphore(%arg14 : memref<!tpu.dma_semaphore, #tpu.memory_space<semaphore_mem>>)
      %mul3A_49 = arith.constant 4 : i32
      %mul3A_50 = arith.muli %scan3A_39, %mul3A_49 : i32
      %add3A_51 = arith.constant 1 : i32
      %add3A_52 = arith.addi %mul3A_50, %add3A_51 : i32
      %dma_start3A_53 = arith.constant 0 : i32
      %dma_start3A_54 = tpu.memref_slice %arg7[%add3A_52, %dma_start3A_53] : memref<116x176xi32, #tpu.memory_space<vmem>> -> memref<1x176xi32, #tpu.memory_space<vmem>>
      %dma_start3A_55 = tpu.memref_squeeze %dma_start3A_54 : memref<1x176xi32, #tpu.memory_space<vmem>> -> memref<176xi32, #tpu.memory_space<vmem>>
      %dma_start3A_56 = arith.constant 0 : i32
      %dma_start3A_57 = arith.constant 0 : i32
      %dma_start3A_58 = tpu.memref_slice %arg2[%dma_start3A_56, %dma_start3A_57] : memref<20480x64xf32, #tpu.memory_space<hbm>> -> memref<20480x64xf32, #tpu.memory_space<hbm>>
      tpu.enqueue_indirect_dma source(%dma_start3A_58 : memref<20480x64xf32, #tpu.memory_space<hbm>>) target(%arg10 : memref<176x64xf32, #tpu.memory_space<vmem>>) offsets(%dma_start3A_55 : memref<176xi32, #tpu.memory_space<vmem>>) semaphore(%arg15 : memref<!tpu.dma_semaphore, #tpu.memory_space<semaphore_mem>>)
      %mul3A_59 = arith.constant 4 : i32
      %mul3A_60 = arith.muli %scan3A_39, %mul3A_59 : i32
      %add3A_61 = arith.constant 2 : i32
      %add3A_62 = arith.addi %mul3A_60, %add3A_61 : i32
      %dma_start3A_63 = arith.constant 0 : i32
      %dma_start3A_64 = tpu.memref_slice %arg7[%add3A_62, %dma_start3A_63] : memref<116x176xi32, #tpu.memory_space<vmem>> -> memref<1x176xi32, #tpu.memory_space<vmem>>
      %dma_start3A_65 = tpu.memref_squeeze %dma_start3A_64 : memref<1x176xi32, #tpu.memory_space<vmem>> -> memref<176xi32, #tpu.memory_space<vmem>>
      %dma_start3A_66 = arith.constant 0 : i32
      %dma_start3A_67 = arith.constant 0 : i32
      %dma_start3A_68 = tpu.memref_slice %arg2[%dma_start3A_66, %dma_start3A_67] : memref<20480x64xf32, #tpu.memory_space<hbm>> -> memref<20480x64xf32, #tpu.memory_space<hbm>>
      tpu.enqueue_indirect_dma source(%dma_start3A_68 : memref<20480x64xf32, #tpu.memory_space<hbm>>) target(%arg11 : memref<176x64xf32, #tpu.memory_space<vmem>>) offsets(%dma_start3A_65 : memref<176xi32, #tpu.memory_space<vmem>>) semaphore(%arg16 : memref<!tpu.dma_semaphore, #tpu.memory_space<semaphore_mem>>)
      %mul3A_69 = arith.constant 4 : i32
      %mul3A_70 = arith.muli %scan3A_39, %mul3A_69 : i32
      %add3A_71 = arith.constant 3 : i32
      %add3A_72 = arith.addi %mul3A_70, %add3A_71 : i32
      %dma_start3A_73 = arith.constant 0 : i32
      %dma_start3A_74 = tpu.memref_slice %arg7[%add3A_72, %dma_start3A_73] : memref<116x176xi32, #tpu.memory_space<vmem>> -> memref<1x176xi32, #tpu.memory_space<vmem>>
      %dma_start3A_75 = tpu.memref_squeeze %dma_start3A_74 : memref<1x176xi32, #tpu.memory_space<vmem>> -> memref<176xi32, #tpu.memory_space<vmem>>
      %dma_start3A_76 = arith.constant 0 : i32
      %dma_start3A_77 = arith.constant 0 : i32
      %dma_start3A_78 = tpu.memref_slice %arg2[%dma_start3A_76, %dma_start3A_77] : memref<20480x64xf32, #tpu.memory_space<hbm>> -> memref<20480x64xf32, #tpu.memory_space<hbm>>
      tpu.enqueue_indirect_dma source(%dma_start3A_78 : memref<20480x64xf32, #tpu.memory_space<hbm>>) target(%arg12 : memref<176x64xf32, #tpu.memory_space<vmem>>) offsets(%dma_start3A_75 : memref<176xi32, #tpu.memory_space<vmem>>) semaphore(%arg17 : memref<!tpu.dma_semaphore, #tpu.memory_space<semaphore_mem>>)
      %mul3A_79 = arith.constant 4 : i32
      %mul3A_80 = arith.muli %scan3A_39, %mul3A_79 : i32
      %add3A_81 = arith.constant 0 : i32
      %add3A_82 = arith.addi %mul3A_80, %add3A_81 : i32
      %dma_wait3A = arith.constant 0 : i32
      %dma_wait3A_83 = tpu.memref_slice %arg7[%add3A_43, %dma_wait3A] : memref<116x176xi32, #tpu.memory_space<vmem>> -> memref<1x176xi32, #tpu.memory_space<vmem>>
      %dma_wait3A_84 = tpu.memref_squeeze %dma_wait3A_83 : memref<1x176xi32, #tpu.memory_space<vmem>> -> memref<176xi32, #tpu.memory_space<vmem>>
      %dma_wait3A_85 = arith.constant 0 : i32
      %dma_wait3A_86 = arith.constant 0 : i32
      %dma_wait3A_87 = tpu.memref_slice %arg2[%dma_wait3A_85, %dma_wait3A_86] : memref<20480x64xf32, #tpu.memory_space<hbm>> -> memref<20480x64xf32, #tpu.memory_space<hbm>>
      tpu.wait_indirect_dma semaphore(%arg14 : memref<!tpu.dma_semaphore, #tpu.memory_space<semaphore_mem>>) src(%dma_wait3A_87 : memref<20480x64xf32, #tpu.memory_space<hbm>>) dst(%arg9 : memref<176x64xf32, #tpu.memory_space<vmem>>)
      %dma_start3A_88 = arith.constant 0 : i32
      %dma_start3A_89 = tpu.memref_slice %arg8[%add3A_82, %dma_start3A_88] : memref<116x176xi32, #tpu.memory_space<vmem>> -> memref<1x176xi32, #tpu.memory_space<vmem>>
      %dma_start3A_90 = tpu.memref_squeeze %dma_start3A_89 : memref<1x176xi32, #tpu.memory_space<vmem>> -> memref<176xi32, #tpu.memory_space<vmem>>
      %dma_start3A_91 = arith.constant 0 : i32
      %dma_start3A_92 = arith.constant 0 : i32
      %dma_start3A_93 = tpu.memref_slice %arg13[%dma_start3A_91, %dma_start3A_92] : memref<10240x64xf32, #tpu.memory_space<vmem_shared>> -> memref<10240x64xf32, #tpu.memory_space<vmem_shared>>
      tpu.enqueue_indirect_dma source(%arg9 : memref<176x64xf32, #tpu.memory_space<vmem>>) target(%dma_start3A_93 : memref<10240x64xf32, #tpu.memory_space<vmem_shared>>) offsets(%dma_start3A_90 : memref<176xi32, #tpu.memory_space<vmem>>) semaphore(%arg18 : memref<!tpu.dma_semaphore, #tpu.memory_space<semaphore_mem>>) {add = true}
      %mul3A_94 = arith.constant 4 : i32
      %mul3A_95 = arith.muli %scan3A_39, %mul3A_94 : i32
      %add3A_96 = arith.constant 1 : i32
      %add3A_97 = arith.addi %mul3A_95, %add3A_96 : i32
      %dma_wait3A_98 = arith.constant 0 : i32
      %dma_wait3A_99 = tpu.memref_slice %arg7[%add3A_52, %dma_wait3A_98] : memref<116x176xi32, #tpu.memory_space<vmem>> -> memref<1x176xi32, #tpu.memory_space<vmem>>
      %dma_wait3A_100 = tpu.memref_squeeze %dma_wait3A_99 : memref<1x176xi32, #tpu.memory_space<vmem>> -> memref<176xi32, #tpu.memory_space<vmem>>
      %dma_wait3A_101 = arith.constant 0 : i32
      %dma_wait3A_102 = arith.constant 0 : i32
      %dma_wait3A_103 = tpu.memref_slice %arg2[%dma_wait3A_101, %dma_wait3A_102] : memref<20480x64xf32, #tpu.memory_space<hbm>> -> memref<20480x64xf32, #tpu.memory_space<hbm>>
      tpu.wait_indirect_dma semaphore(%arg15 : memref<!tpu.dma_semaphore, #tpu.memory_space<semaphore_mem>>) src(%dma_wait3A_103 : memref<20480x64xf32, #tpu.memory_space<hbm>>) dst(%arg10 : memref<176x64xf32, #tpu.memory_space<vmem>>)
      %dma_start3A_104 = arith.constant 0 : i32
      %dma_start3A_105 = tpu.memref_slice %arg8[%add3A_97, %dma_start3A_104] : memref<116x176xi32, #tpu.memory_space<vmem>> -> memref<1x176xi32, #tpu.memory_space<vmem>>
      %dma_start3A_106 = tpu.memref_squeeze %dma_start3A_105 : memref<1x176xi32, #tpu.memory_space<vmem>> -> memref<176xi32, #tpu.memory_space<vmem>>
      %dma_start3A_107 = arith.constant 0 : i32
      %dma_start3A_108 = arith.constant 0 : i32
      %dma_start3A_109 = tpu.memref_slice %arg13[%dma_start3A_107, %dma_start3A_108] : memref<10240x64xf32, #tpu.memory_space<vmem_shared>> -> memref<10240x64xf32, #tpu.memory_space<vmem_shared>>
      tpu.enqueue_indirect_dma source(%arg10 : memref<176x64xf32, #tpu.memory_space<vmem>>) target(%dma_start3A_109 : memref<10240x64xf32, #tpu.memory_space<vmem_shared>>) offsets(%dma_start3A_106 : memref<176xi32, #tpu.memory_space<vmem>>) semaphore(%arg19 : memref<!tpu.dma_semaphore, #tpu.memory_space<semaphore_mem>>) {add = true}
      %mul3A_110 = arith.constant 4 : i32
      %mul3A_111 = arith.muli %scan3A_39, %mul3A_110 : i32
      %add3A_112 = arith.constant 2 : i32
      %add3A_113 = arith.addi %mul3A_111, %add3A_112 : i32
      %dma_wait3A_114 = arith.constant 0 : i32
      %dma_wait3A_115 = tpu.memref_slice %arg7[%add3A_62, %dma_wait3A_114] : memref<116x176xi32, #tpu.memory_space<vmem>> -> memref<1x176xi32, #tpu.memory_space<vmem>>
      %dma_wait3A_116 = tpu.memref_squeeze %dma_wait3A_115 : memref<1x176xi32, #tpu.memory_space<vmem>> -> memref<176xi32, #tpu.memory_space<vmem>>
      %dma_wait3A_117 = arith.constant 0 : i32
      %dma_wait3A_118 = arith.constant 0 : i32
      %dma_wait3A_119 = tpu.memref_slice %arg2[%dma_wait3A_117, %dma_wait3A_118] : memref<20480x64xf32, #tpu.memory_space<hbm>> -> memref<20480x64xf32, #tpu.memory_space<hbm>>
      tpu.wait_indirect_dma semaphore(%arg16 : memref<!tpu.dma_semaphore, #tpu.memory_space<semaphore_mem>>) src(%dma_wait3A_119 : memref<20480x64xf32, #tpu.memory_space<hbm>>) dst(%arg11 : memref<176x64xf32, #tpu.memory_space<vmem>>)
      %dma_start3A_120 = arith.constant 0 : i32
      %dma_start3A_121 = tpu.memref_slice %arg8[%add3A_113, %dma_start3A_120] : memref<116x176xi32, #tpu.memory_space<vmem>> -> memref<1x176xi32, #tpu.memory_space<vmem>>
      %dma_start3A_122 = tpu.memref_squeeze %dma_start3A_121 : memref<1x176xi32, #tpu.memory_space<vmem>> -> memref<176xi32, #tpu.memory_space<vmem>>
      %dma_start3A_123 = arith.constant 0 : i32
      %dma_start3A_124 = arith.constant 0 : i32
      %dma_start3A_125 = tpu.memref_slice %arg13[%dma_start3A_123, %dma_start3A_124] : memref<10240x64xf32, #tpu.memory_space<vmem_shared>> -> memref<10240x64xf32, #tpu.memory_space<vmem_shared>>
      tpu.enqueue_indirect_dma source(%arg11 : memref<176x64xf32, #tpu.memory_space<vmem>>) target(%dma_start3A_125 : memref<10240x64xf32, #tpu.memory_space<vmem_shared>>) offsets(%dma_start3A_122 : memref<176xi32, #tpu.memory_space<vmem>>) semaphore(%arg20 : memref<!tpu.dma_semaphore, #tpu.memory_space<semaphore_mem>>) {add = true}
      %mul3A_126 = arith.constant 4 : i32
      %mul3A_127 = arith.muli %scan3A_39, %mul3A_126 : i32
      %add3A_128 = arith.constant 3 : i32
      %add3A_129 = arith.addi %mul3A_127, %add3A_128 : i32
      %dma_wait3A_130 = arith.constant 0 : i32
      %dma_wait3A_131 = tpu.memref_slice %arg7[%add3A_72, %dma_wait3A_130] : memref<116x176xi32, #tpu.memory_space<vmem>> -> memref<1x176xi32, #tpu.memory_space<vmem>>
      %dma_wait3A_132 = tpu.memref_squeeze %dma_wait3A_131 : memref<1x176xi32, #tpu.memory_space<vmem>> -> memref<176xi32, #tpu.memory_space<vmem>>
      %dma_wait3A_133 = arith.constant 0 : i32
      %dma_wait3A_134 = arith.constant 0 : i32
      %dma_wait3A_135 = tpu.memref_slice %arg2[%dma_wait3A_133, %dma_wait3A_134] : memref<20480x64xf32, #tpu.memory_space<hbm>> -> memref<20480x64xf32, #tpu.memory_space<hbm>>
      tpu.wait_indirect_dma semaphore(%arg17 : memref<!tpu.dma_semaphore, #tpu.memory_space<semaphore_mem>>) src(%dma_wait3A_135 : memref<20480x64xf32, #tpu.memory_space<hbm>>) dst(%arg12 : memref<176x64xf32, #tpu.memory_space<vmem>>)
      %dma_start3A_136 = arith.constant 0 : i32
      %dma_start3A_137 = tpu.memref_slice %arg8[%add3A_129, %dma_start3A_136] : memref<116x176xi32, #tpu.memory_space<vmem>> -> memref<1x176xi32, #tpu.memory_space<vmem>>
      %dma_start3A_138 = tpu.memref_squeeze %dma_start3A_137 : memref<1x176xi32, #tpu.memory_space<vmem>> -> memref<176xi32, #tpu.memory_space<vmem>>
      %dma_start3A_139 = arith.constant 0 : i32
      %dma_start3A_140 = arith.constant 0 : i32
      %dma_start3A_141 = tpu.memref_slice %arg13[%dma_start3A_139, %dma_start3A_140] : memref<10240x64xf32, #tpu.memory_space<vmem_shared>> -> memref<10240x64xf32, #tpu.memory_space<vmem_shared>>
      tpu.enqueue_indirect_dma source(%arg12 : memref<176x64xf32, #tpu.memory_space<vmem>>) target(%dma_start3A_141 : memref<10240x64xf32, #tpu.memory_space<vmem_shared>>) offsets(%dma_start3A_138 : memref<176xi32, #tpu.memory_space<vmem>>) semaphore(%arg21 : memref<!tpu.dma_semaphore, #tpu.memory_space<semaphore_mem>>) {add = true}
      %dma_wait3A_142 = arith.constant 0 : i32
      %dma_wait3A_143 = tpu.memref_slice %arg8[%add3A_82, %dma_wait3A_142] : memref<116x176xi32, #tpu.memory_space<vmem>> -> memref<1x176xi32, #tpu.memory_space<vmem>>
      %dma_wait3A_144 = tpu.memref_squeeze %dma_wait3A_143 : memref<1x176xi32, #tpu.memory_space<vmem>> -> memref<176xi32, #tpu.memory_space<vmem>>
      %dma_wait3A_145 = arith.constant 0 : i32
      %dma_wait3A_146 = arith.constant 0 : i32
      %dma_wait3A_147 = tpu.memref_slice %arg13[%dma_wait3A_145, %dma_wait3A_146] : memref<10240x64xf32, #tpu.memory_space<vmem_shared>> -> memref<10240x64xf32, #tpu.memory_space<vmem_shared>>
      tpu.wait_indirect_dma semaphore(%arg18 : memref<!tpu.dma_semaphore, #tpu.memory_space<semaphore_mem>>) src(%arg9 : memref<176x64xf32, #tpu.memory_space<vmem>>) dst(%dma_wait3A_147 : memref<10240x64xf32, #tpu.memory_space<vmem_shared>>)
      %dma_wait3A_148 = arith.constant 0 : i32
      %dma_wait3A_149 = tpu.memref_slice %arg8[%add3A_97, %dma_wait3A_148] : memref<116x176xi32, #tpu.memory_space<vmem>> -> memref<1x176xi32, #tpu.memory_space<vmem>>
      %dma_wait3A_150 = tpu.memref_squeeze %dma_wait3A_149 : memref<1x176xi32, #tpu.memory_space<vmem>> -> memref<176xi32, #tpu.memory_space<vmem>>
      %dma_wait3A_151 = arith.constant 0 : i32
      %dma_wait3A_152 = arith.constant 0 : i32
      %dma_wait3A_153 = tpu.memref_slice %arg13[%dma_wait3A_151, %dma_wait3A_152] : memref<10240x64xf32, #tpu.memory_space<vmem_shared>> -> memref<10240x64xf32, #tpu.memory_space<vmem_shared>>
      tpu.wait_indirect_dma semaphore(%arg19 : memref<!tpu.dma_semaphore, #tpu.memory_space<semaphore_mem>>) src(%arg10 : memref<176x64xf32, #tpu.memory_space<vmem>>) dst(%dma_wait3A_153 : memref<10240x64xf32, #tpu.memory_space<vmem_shared>>)
      %dma_wait3A_154 = arith.constant 0 : i32
      %dma_wait3A_155 = tpu.memref_slice %arg8[%add3A_113, %dma_wait3A_154] : memref<116x176xi32, #tpu.memory_space<vmem>> -> memref<1x176xi32, #tpu.memory_space<vmem>>
      %dma_wait3A_156 = tpu.memref_squeeze %dma_wait3A_155 : memref<1x176xi32, #tpu.memory_space<vmem>> -> memref<176xi32, #tpu.memory_space<vmem>>
      %dma_wait3A_157 = arith.constant 0 : i32
      %dma_wait3A_158 = arith.constant 0 : i32
      %dma_wait3A_159 = tpu.memref_slice %arg13[%dma_wait3A_157, %dma_wait3A_158] : memref<10240x64xf32, #tpu.memory_space<vmem_shared>> -> memref<10240x64xf32, #tpu.memory_space<vmem_shared>>
      tpu.wait_indirect_dma semaphore(%arg20 : memref<!tpu.dma_semaphore, #tpu.memory_space<semaphore_mem>>) src(%arg11 : memref<176x64xf32, #tpu.memory_space<vmem>>) dst(%dma_wait3A_159 : memref<10240x64xf32, #tpu.memory_space<vmem_shared>>)
      %dma_wait3A_160 = arith.constant 0 : i32
      %dma_wait3A_161 = tpu.memref_slice %arg8[%add3A_129, %dma_wait3A_160] : memref<116x176xi32, #tpu.memory_space<vmem>> -> memref<1x176xi32, #tpu.memory_space<vmem>>
      %dma_wait3A_162 = tpu.memref_squeeze %dma_wait3A_161 : memref<1x176xi32, #tpu.memory_space<vmem>> -> memref<176xi32, #tpu.memory_space<vmem>>
      %dma_wait3A_163 = arith.constant 0 : i32
      %dma_wait3A_164 = arith.constant 0 : i32
      %dma_wait3A_165 = tpu.memref_slice %arg13[%dma_wait3A_163, %dma_wait3A_164] : memref<10240x64xf32, #tpu.memory_space<vmem_shared>> -> memref<10240x64xf32, #tpu.memory_space<vmem_shared>>
      tpu.wait_indirect_dma semaphore(%arg21 : memref<!tpu.dma_semaphore, #tpu.memory_space<semaphore_mem>>) src(%arg12 : memref<176x64xf32, #tpu.memory_space<vmem>>) dst(%dma_wait3A_165 : memref<10240x64xf32, #tpu.memory_space<vmem_shared>>)
    }
    %scan3A_17 = arith.constant 29 : i32
    %barrier3A_18 = arith.constant 0 : index
    tpu.barrier barrier_id(%barrier3A_18)
    %add3A_19 = arith.constant 0 : i32
    %add3A_20 = arith.addi %mul3A_2, %add3A_19 : i32
    "tpu.region"() ({
      %run_scoped3A = tpu.sem_alloc : memref<!tpu.dma_semaphore, #tpu.memory_space<semaphore_mem>>
      %dma_start3A = arith.constant 0 : i32
      %dma_start3A_39 = arith.constant 0 : i32
      %dma_start3A_40 = tpu.memref_slice %arg9[%dma_start3A, %dma_start3A_39] : memref<176x64xf32, #tpu.memory_space<vmem>> -> memref<128x64xf32, #tpu.memory_space<vmem>>
      %dma_start3A_41 = arith.constant 0 : i32
      %dma_start3A_42 = tpu.memref_slice %arg13[%add3A_20, %dma_start3A_41] : memref<10240x64xf32, #tpu.memory_space<vmem_shared>> -> memref<128x64xf32, #tpu.memory_space<vmem_shared>>
      %dma_start3A_43 = arith.constant 0 : i32
      %dma_start3A_44 = arith.constant 0 : i32
      %dma_start3A_45 = tpu.memref_slice %arg9[%dma_start3A_43, %dma_start3A_44] : memref<176x64xf32, #tpu.memory_space<vmem>> -> memref<128x64xf32, #tpu.memory_space<vmem>>
      %dma_start3A_46 = arith.constant 0 : i32
      %dma_start3A_47 = tpu.memref_slice %arg13[%add3A_20, %dma_start3A_46] : memref<10240x64xf32, #tpu.memory_space<vmem_shared>> -> memref<128x64xf32, #tpu.memory_space<vmem_shared>>
      tpu.enqueue_dma source(%dma_start3A_47 : memref<128x64xf32, #tpu.memory_space<vmem_shared>>) target(%dma_start3A_45 : memref<128x64xf32, #tpu.memory_space<vmem>>) target_semaphore(%run_scoped3A : memref<!tpu.dma_semaphore, #tpu.memory_space<semaphore_mem>>)
      %dma_wait3A = arith.constant 0 : i32
      %dma_wait3A_48 = arith.constant 0 : i32
      %dma_wait3A_49 = tpu.memref_slice %arg9[%dma_wait3A, %dma_wait3A_48] : memref<176x64xf32, #tpu.memory_space<vmem>> -> memref<128x64xf32, #tpu.memory_space<vmem>>
      %dma_wait3A_50 = arith.constant 0 : i32
      %dma_wait3A_51 = tpu.memref_slice %arg13[%add3A_20, %dma_wait3A_50] : memref<10240x64xf32, #tpu.memory_space<vmem_shared>> -> memref<128x64xf32, #tpu.memory_space<vmem_shared>>
      %dma_wait3A_52 = arith.constant 0 : i32
      %dma_wait3A_53 = arith.constant 0 : i32
      %dma_wait3A_54 = tpu.memref_slice %arg9[%dma_wait3A_52, %dma_wait3A_53] : memref<176x64xf32, #tpu.memory_space<vmem>> -> memref<128x64xf32, #tpu.memory_space<vmem>>
      %dma_wait3A_55 = arith.constant 0 : i32
      %dma_wait3A_56 = tpu.memref_slice %arg13[%add3A_20, %dma_wait3A_55] : memref<10240x64xf32, #tpu.memory_space<vmem_shared>> -> memref<128x64xf32, #tpu.memory_space<vmem_shared>>
      tpu.wait_dma2 semaphore(%run_scoped3A : memref<!tpu.dma_semaphore, #tpu.memory_space<semaphore_mem>>) src(%dma_wait3A_56 : memref<128x64xf32, #tpu.memory_space<vmem_shared>>) dst(%dma_wait3A_54 : memref<128x64xf32, #tpu.memory_space<vmem>>)
      tpu.yield
    }) : () -> ()
    %add3A_21 = arith.constant 0 : i32
    %add3A_22 = arith.addi %mul3A_2, %add3A_21 : i32
    "tpu.region"() ({
      %run_scoped3A = tpu.sem_alloc : memref<!tpu.dma_semaphore, #tpu.memory_space<semaphore_mem>>
      %dma_start3A = arith.constant 0 : i32
      %dma_start3A_39 = arith.constant 0 : i32
      %dma_start3A_40 = tpu.memref_slice %arg9[%dma_start3A, %dma_start3A_39] : memref<176x64xf32, #tpu.memory_space<vmem>> -> memref<128x64xf32, #tpu.memory_space<vmem>>
      %dma_start3A_41 = arith.constant 0 : i32
      %dma_start3A_42 = tpu.memref_slice %arg6[%arg0, %add3A_22, %dma_start3A_41] : memref<2x10240x64xf32, #tpu.memory_space<hbm>> -> memref<1x128x64xf32, #tpu.memory_space<hbm>>
      %dma_start3A_43 = tpu.memref_squeeze %dma_start3A_42 : memref<1x128x64xf32, #tpu.memory_space<hbm>> -> memref<128x64xf32, #tpu.memory_space<hbm>>
      %dma_start3A_44 = arith.constant 0 : i32
      %dma_start3A_45 = tpu.memref_slice %arg6[%arg0, %add3A_22, %dma_start3A_44] : memref<2x10240x64xf32, #tpu.memory_space<hbm>> -> memref<1x128x64xf32, #tpu.memory_space<hbm>>
      %dma_start3A_46 = tpu.memref_squeeze %dma_start3A_45 : memref<1x128x64xf32, #tpu.memory_space<hbm>> -> memref<128x64xf32, #tpu.memory_space<hbm>>
      %dma_start3A_47 = arith.constant 0 : i32
      %dma_start3A_48 = arith.constant 0 : i32
      %dma_start3A_49 = tpu.memref_slice %arg9[%dma_start3A_47, %dma_start3A_48] : memref<176x64xf32, #tpu.memory_space<vmem>> -> memref<128x64xf32, #tpu.memory_space<vmem>>
      tpu.enqueue_dma source(%dma_start3A_49 : memref<128x64xf32, #tpu.memory_space<vmem>>) target(%dma_start3A_46 : memref<128x64xf32, #tpu.memory_space<hbm>>) target_semaphore(%run_scoped3A : memref<!tpu.dma_semaphore, #tpu.memory_space<semaphore_mem>>)
      %dma_wait3A = arith.constant 0 : i32
      %dma_wait3A_50 = arith.constant 0 : i32
      %dma_wait3A_51 = tpu.memref_slice %arg9[%dma_wait3A, %dma_wait3A_50] : memref<176x64xf32, #tpu.memory_space<vmem>> -> memref<128x64xf32, #tpu.memory_space<vmem>>
      %dma_wait3A_52 = arith.constant 0 : i32
      %dma_wait3A_53 = tpu.memref_slice %arg6[%arg0, %add3A_22, %dma_wait3A_52] : memref<2x10240x64xf32, #tpu.memory_space<hbm>> -> memref<1x128x64xf32, #tpu.memory_space<hbm>>
      %dma_wait3A_54 = tpu.memref_squeeze %dma_wait3A_53 : memref<1x128x64xf32, #tpu.memory_space<hbm>> -> memref<128x64xf32, #tpu.memory_space<hbm>>
      %dma_wait3A_55 = arith.constant 0 : i32
      %dma_wait3A_56 = tpu.memref_slice %arg6[%arg0, %add3A_22, %dma_wait3A_55] : memref<2x10240x64xf32, #tpu.memory_space<hbm>> -> memref<1x128x64xf32, #tpu.memory_space<hbm>>
      %dma_wait3A_57 = tpu.memref_squeeze %dma_wait3A_56 : memref<1x128x64xf32, #tpu.memory_space<hbm>> -> memref<128x64xf32, #tpu.memory_space<hbm>>
      %dma_wait3A_58 = arith.constant 0 : i32
      %dma_wait3A_59 = arith.constant 0 : i32
      %dma_wait3A_60 = tpu.memref_slice %arg9[%dma_wait3A_58, %dma_wait3A_59] : memref<176x64xf32, #tpu.memory_space<vmem>> -> memref<128x64xf32, #tpu.memory_space<vmem>>
      tpu.wait_dma2 semaphore(%run_scoped3A : memref<!tpu.dma_semaphore, #tpu.memory_space<semaphore_mem>>) src(%dma_wait3A_60 : memref<128x64xf32, #tpu.memory_space<vmem>>) dst(%dma_wait3A_57 : memref<128x64xf32, #tpu.memory_space<hbm>>)
      tpu.yield
    }) : () -> ()
    %add3A_23 = arith.constant 128 : i32
    %add3A_24 = arith.addi %mul3A_2, %add3A_23 : i32
    "tpu.region"() ({
      %run_scoped3A = tpu.sem_alloc : memref<!tpu.dma_semaphore, #tpu.memory_space<semaphore_mem>>
      %dma_start3A = arith.constant 0 : i32
      %dma_start3A_39 = arith.constant 0 : i32
      %dma_start3A_40 = tpu.memref_slice %arg9[%dma_start3A, %dma_start3A_39] : memref<176x64xf32, #tpu.memory_space<vmem>> -> memref<128x64xf32, #tpu.memory_space<vmem>>
      %dma_start3A_41 = arith.constant 0 : i32
      %dma_start3A_42 = tpu.memref_slice %arg13[%add3A_24, %dma_start3A_41] : memref<10240x64xf32, #tpu.memory_space<vmem_shared>> -> memref<128x64xf32, #tpu.memory_space<vmem_shared>>
      %dma_start3A_43 = arith.constant 0 : i32
      %dma_start3A_44 = arith.constant 0 : i32
      %dma_start3A_45 = tpu.memref_slice %arg9[%dma_start3A_43, %dma_start3A_44] : memref<176x64xf32, #tpu.memory_space<vmem>> -> memref<128x64xf32, #tpu.memory_space<vmem>>
      %dma_start3A_46 = arith.constant 0 : i32
      %dma_start3A_47 = tpu.memref_slice %arg13[%add3A_24, %dma_start3A_46] : memref<10240x64xf32, #tpu.memory_space<vmem_shared>> -> memref<128x64xf32, #tpu.memory_space<vmem_shared>>
      tpu.enqueue_dma source(%dma_start3A_47 : memref<128x64xf32, #tpu.memory_space<vmem_shared>>) target(%dma_start3A_45 : memref<128x64xf32, #tpu.memory_space<vmem>>) target_semaphore(%run_scoped3A : memref<!tpu.dma_semaphore, #tpu.memory_space<semaphore_mem>>)
      %dma_wait3A = arith.constant 0 : i32
      %dma_wait3A_48 = arith.constant 0 : i32
      %dma_wait3A_49 = tpu.memref_slice %arg9[%dma_wait3A, %dma_wait3A_48] : memref<176x64xf32, #tpu.memory_space<vmem>> -> memref<128x64xf32, #tpu.memory_space<vmem>>
      %dma_wait3A_50 = arith.constant 0 : i32
      %dma_wait3A_51 = tpu.memref_slice %arg13[%add3A_24, %dma_wait3A_50] : memref<10240x64xf32, #tpu.memory_space<vmem_shared>> -> memref<128x64xf32, #tpu.memory_space<vmem_shared>>
      %dma_wait3A_52 = arith.constant 0 : i32
      %dma_wait3A_53 = arith.constant 0 : i32
      %dma_wait3A_54 = tpu.memref_slice %arg9[%dma_wait3A_52, %dma_wait3A_53] : memref<176x64xf32, #tpu.memory_space<vmem>> -> memref<128x64xf32, #tpu.memory_space<vmem>>
      %dma_wait3A_55 = arith.constant 0 : i32
      %dma_wait3A_56 = tpu.memref_slice %arg13[%add3A_24, %dma_wait3A_55] : memref<10240x64xf32, #tpu.memory_space<vmem_shared>> -> memref<128x64xf32, #tpu.memory_space<vmem_shared>>
      tpu.wait_dma2 semaphore(%run_scoped3A : memref<!tpu.dma_semaphore, #tpu.memory_space<semaphore_mem>>) src(%dma_wait3A_56 : memref<128x64xf32, #tpu.memory_space<vmem_shared>>) dst(%dma_wait3A_54 : memref<128x64xf32, #tpu.memory_space<vmem>>)
      tpu.yield
    }) : () -> ()
    %add3A_25 = arith.constant 128 : i32
    %add3A_26 = arith.addi %mul3A_2, %add3A_25 : i32
    "tpu.region"() ({
      %run_scoped3A = tpu.sem_alloc : memref<!tpu.dma_semaphore, #tpu.memory_space<semaphore_mem>>
      %dma_start3A = arith.constant 0 : i32
      %dma_start3A_39 = arith.constant 0 : i32
      %dma_start3A_40 = tpu.memref_slice %arg9[%dma_start3A, %dma_start3A_39] : memref<176x64xf32, #tpu.memory_space<vmem>> -> memref<128x64xf32, #tpu.memory_space<vmem>>
      %dma_start3A_41 = arith.constant 0 : i32
      %dma_start3A_42 = tpu.memref_slice %arg6[%arg0, %add3A_26, %dma_start3A_41] : memref<2x10240x64xf32, #tpu.memory_space<hbm>> -> memref<1x128x64xf32, #tpu.memory_space<hbm>>
      %dma_start3A_43 = tpu.memref_squeeze %dma_start3A_42 : memref<1x128x64xf32, #tpu.memory_space<hbm>> -> memref<128x64xf32, #tpu.memory_space<hbm>>
      %dma_start3A_44 = arith.constant 0 : i32
      %dma_start3A_45 = tpu.memref_slice %arg6[%arg0, %add3A_26, %dma_start3A_44] : memref<2x10240x64xf32, #tpu.memory_space<hbm>> -> memref<1x128x64xf32, #tpu.memory_space<hbm>>
      %dma_start3A_46 = tpu.memref_squeeze %dma_start3A_45 : memref<1x128x64xf32, #tpu.memory_space<hbm>> -> memref<128x64xf32, #tpu.memory_space<hbm>>
      %dma_start3A_47 = arith.constant 0 : i32
      %dma_start3A_48 = arith.constant 0 : i32
      %dma_start3A_49 = tpu.memref_slice %arg9[%dma_start3A_47, %dma_start3A_48] : memref<176x64xf32, #tpu.memory_space<vmem>> -> memref<128x64xf32, #tpu.memory_space<vmem>>
      tpu.enqueue_dma source(%dma_start3A_49 : memref<128x64xf32, #tpu.memory_space<vmem>>) target(%dma_start3A_46 : memref<128x64xf32, #tpu.memory_space<hbm>>) target_semaphore(%run_scoped3A : memref<!tpu.dma_semaphore, #tpu.memory_space<semaphore_mem>>)
      %dma_wait3A = arith.constant 0 : i32
      %dma_wait3A_50 = arith.constant 0 : i32
      %dma_wait3A_51 = tpu.memref_slice %arg9[%dma_wait3A, %dma_wait3A_50] : memref<176x64xf32, #tpu.memory_space<vmem>> -> memref<128x64xf32, #tpu.memory_space<vmem>>
      %dma_wait3A_52 = arith.constant 0 : i32
      %dma_wait3A_53 = tpu.memref_slice %arg6[%arg0, %add3A_26, %dma_wait3A_52] : memref<2x10240x64xf32, #tpu.memory_space<hbm>> -> memref<1x128x64xf32, #tpu.memory_space<hbm>>
      %dma_wait3A_54 = tpu.memref_squeeze %dma_wait3A_53 : memref<1x128x64xf32, #tpu.memory_space<hbm>> -> memref<128x64xf32, #tpu.memory_space<hbm>>
      %dma_wait3A_55 = arith.constant 0 : i32
      %dma_wait3A_56 = tpu.memref_slice %arg6[%arg0, %add3A_26, %dma_wait3A_55] : memref<2x10240x64xf32, #tpu.memory_space<hbm>> -> memref<1x128x64xf32, #tpu.memory_space<hbm>>
      %dma_wait3A_57 = tpu.memref_squeeze %dma_wait3A_56 : memref<1x128x64xf32, #tpu.memory_space<hbm>> -> memref<128x64xf32, #tpu.memory_space<hbm>>
      %dma_wait3A_58 = arith.constant 0 : i32
      %dma_wait3A_59 = arith.constant 0 : i32
      %dma_wait3A_60 = tpu.memref_slice %arg9[%dma_wait3A_58, %dma_wait3A_59] : memref<176x64xf32, #tpu.memory_space<vmem>> -> memref<128x64xf32, #tpu.memory_space<vmem>>
      tpu.wait_dma2 semaphore(%run_scoped3A : memref<!tpu.dma_semaphore, #tpu.memory_space<semaphore_mem>>) src(%dma_wait3A_60 : memref<128x64xf32, #tpu.memory_space<vmem>>) dst(%dma_wait3A_57 : memref<128x64xf32, #tpu.memory_space<hbm>>)
      tpu.yield
    }) : () -> ()
    %add3A_27 = arith.constant 256 : i32
    %add3A_28 = arith.addi %mul3A_2, %add3A_27 : i32
    "tpu.region"() ({
      %run_scoped3A = tpu.sem_alloc : memref<!tpu.dma_semaphore, #tpu.memory_space<semaphore_mem>>
      %dma_start3A = arith.constant 0 : i32
      %dma_start3A_39 = arith.constant 0 : i32
      %dma_start3A_40 = tpu.memref_slice %arg9[%dma_start3A, %dma_start3A_39] : memref<176x64xf32, #tpu.memory_space<vmem>> -> memref<128x64xf32, #tpu.memory_space<vmem>>
      %dma_start3A_41 = arith.constant 0 : i32
      %dma_start3A_42 = tpu.memref_slice %arg13[%add3A_28, %dma_start3A_41] : memref<10240x64xf32, #tpu.memory_space<vmem_shared>> -> memref<128x64xf32, #tpu.memory_space<vmem_shared>>
      %dma_start3A_43 = arith.constant 0 : i32
      %dma_start3A_44 = arith.constant 0 : i32
      %dma_start3A_45 = tpu.memref_slice %arg9[%dma_start3A_43, %dma_start3A_44] : memref<176x64xf32, #tpu.memory_space<vmem>> -> memref<128x64xf32, #tpu.memory_space<vmem>>
      %dma_start3A_46 = arith.constant 0 : i32
      %dma_start3A_47 = tpu.memref_slice %arg13[%add3A_28, %dma_start3A_46] : memref<10240x64xf32, #tpu.memory_space<vmem_shared>> -> memref<128x64xf32, #tpu.memory_space<vmem_shared>>
      tpu.enqueue_dma source(%dma_start3A_47 : memref<128x64xf32, #tpu.memory_space<vmem_shared>>) target(%dma_start3A_45 : memref<128x64xf32, #tpu.memory_space<vmem>>) target_semaphore(%run_scoped3A : memref<!tpu.dma_semaphore, #tpu.memory_space<semaphore_mem>>)
      %dma_wait3A = arith.constant 0 : i32
      %dma_wait3A_48 = arith.constant 0 : i32
      %dma_wait3A_49 = tpu.memref_slice %arg9[%dma_wait3A, %dma_wait3A_48] : memref<176x64xf32, #tpu.memory_space<vmem>> -> memref<128x64xf32, #tpu.memory_space<vmem>>
      %dma_wait3A_50 = arith.constant 0 : i32
      %dma_wait3A_51 = tpu.memref_slice %arg13[%add3A_28, %dma_wait3A_50] : memref<10240x64xf32, #tpu.memory_space<vmem_shared>> -> memref<128x64xf32, #tpu.memory_space<vmem_shared>>
      %dma_wait3A_52 = arith.constant 0 : i32
      %dma_wait3A_53 = arith.constant 0 : i32
      %dma_wait3A_54 = tpu.memref_slice %arg9[%dma_wait3A_52, %dma_wait3A_53] : memref<176x64xf32, #tpu.memory_space<vmem>> -> memref<128x64xf32, #tpu.memory_space<vmem>>
      %dma_wait3A_55 = arith.constant 0 : i32
      %dma_wait3A_56 = tpu.memref_slice %arg13[%add3A_28, %dma_wait3A_55] : memref<10240x64xf32, #tpu.memory_space<vmem_shared>> -> memref<128x64xf32, #tpu.memory_space<vmem_shared>>
      tpu.wait_dma2 semaphore(%run_scoped3A : memref<!tpu.dma_semaphore, #tpu.memory_space<semaphore_mem>>) src(%dma_wait3A_56 : memref<128x64xf32, #tpu.memory_space<vmem_shared>>) dst(%dma_wait3A_54 : memref<128x64xf32, #tpu.memory_space<vmem>>)
      tpu.yield
    }) : () -> ()
    %add3A_29 = arith.constant 256 : i32
    %add3A_30 = arith.addi %mul3A_2, %add3A_29 : i32
    "tpu.region"() ({
      %run_scoped3A = tpu.sem_alloc : memref<!tpu.dma_semaphore, #tpu.memory_space<semaphore_mem>>
      %dma_start3A = arith.constant 0 : i32
      %dma_start3A_39 = arith.constant 0 : i32
      %dma_start3A_40 = tpu.memref_slice %arg9[%dma_start3A, %dma_start3A_39] : memref<176x64xf32, #tpu.memory_space<vmem>> -> memref<128x64xf32, #tpu.memory_space<vmem>>
      %dma_start3A_41 = arith.constant 0 : i32
      %dma_start3A_42 = tpu.memref_slice %arg6[%arg0, %add3A_30, %dma_start3A_41] : memref<2x10240x64xf32, #tpu.memory_space<hbm>> -> memref<1x128x64xf32, #tpu.memory_space<hbm>>
      %dma_start3A_43 = tpu.memref_squeeze %dma_start3A_42 : memref<1x128x64xf32, #tpu.memory_space<hbm>> -> memref<128x64xf32, #tpu.memory_space<hbm>>
      %dma_start3A_44 = arith.constant 0 : i32
      %dma_start3A_45 = tpu.memref_slice %arg6[%arg0, %add3A_30, %dma_start3A_44] : memref<2x10240x64xf32, #tpu.memory_space<hbm>> -> memref<1x128x64xf32, #tpu.memory_space<hbm>>
      %dma_start3A_46 = tpu.memref_squeeze %dma_start3A_45 : memref<1x128x64xf32, #tpu.memory_space<hbm>> -> memref<128x64xf32, #tpu.memory_space<hbm>>
      %dma_start3A_47 = arith.constant 0 : i32
      %dma_start3A_48 = arith.constant 0 : i32
      %dma_start3A_49 = tpu.memref_slice %arg9[%dma_start3A_47, %dma_start3A_48] : memref<176x64xf32, #tpu.memory_space<vmem>> -> memref<128x64xf32, #tpu.memory_space<vmem>>
      tpu.enqueue_dma source(%dma_start3A_49 : memref<128x64xf32, #tpu.memory_space<vmem>>) target(%dma_start3A_46 : memref<128x64xf32, #tpu.memory_space<hbm>>) target_semaphore(%run_scoped3A : memref<!tpu.dma_semaphore, #tpu.memory_space<semaphore_mem>>)
      %dma_wait3A = arith.constant 0 : i32
      %dma_wait3A_50 = arith.constant 0 : i32
      %dma_wait3A_51 = tpu.memref_slice %arg9[%dma_wait3A, %dma_wait3A_50] : memref<176x64xf32, #tpu.memory_space<vmem>> -> memref<128x64xf32, #tpu.memory_space<vmem>>
      %dma_wait3A_52 = arith.constant 0 : i32
      %dma_wait3A_53 = tpu.memref_slice %arg6[%arg0, %add3A_30, %dma_wait3A_52] : memref<2x10240x64xf32, #tpu.memory_space<hbm>> -> memref<1x128x64xf32, #tpu.memory_space<hbm>>
      %dma_wait3A_54 = tpu.memref_squeeze %dma_wait3A_53 : memref<1x128x64xf32, #tpu.memory_space<hbm>> -> memref<128x64xf32, #tpu.memory_space<hbm>>
      %dma_wait3A_55 = arith.constant 0 : i32
      %dma_wait3A_56 = tpu.memref_slice %arg6[%arg0, %add3A_30, %dma_wait3A_55] : memref<2x10240x64xf32, #tpu.memory_space<hbm>> -> memref<1x128x64xf32, #tpu.memory_space<hbm>>
      %dma_wait3A_57 = tpu.memref_squeeze %dma_wait3A_56 : memref<1x128x64xf32, #tpu.memory_space<hbm>> -> memref<128x64xf32, #tpu.memory_space<hbm>>
      %dma_wait3A_58 = arith.constant 0 : i32
      %dma_wait3A_59 = arith.constant 0 : i32
      %dma_wait3A_60 = tpu.memref_slice %arg9[%dma_wait3A_58, %dma_wait3A_59] : memref<176x64xf32, #tpu.memory_space<vmem>> -> memref<128x64xf32, #tpu.memory_space<vmem>>
      tpu.wait_dma2 semaphore(%run_scoped3A : memref<!tpu.dma_semaphore, #tpu.memory_space<semaphore_mem>>) src(%dma_wait3A_60 : memref<128x64xf32, #tpu.memory_space<vmem>>) dst(%dma_wait3A_57 : memref<128x64xf32, #tpu.memory_space<hbm>>)
      tpu.yield
    }) : () -> ()
    %add3A_31 = arith.constant 384 : i32
    %add3A_32 = arith.addi %mul3A_2, %add3A_31 : i32
    "tpu.region"() ({
      %run_scoped3A = tpu.sem_alloc : memref<!tpu.dma_semaphore, #tpu.memory_space<semaphore_mem>>
      %dma_start3A = arith.constant 0 : i32
      %dma_start3A_39 = arith.constant 0 : i32
      %dma_start3A_40 = tpu.memref_slice %arg9[%dma_start3A, %dma_start3A_39] : memref<176x64xf32, #tpu.memory_space<vmem>> -> memref<128x64xf32, #tpu.memory_space<vmem>>
      %dma_start3A_41 = arith.constant 0 : i32
      %dma_start3A_42 = tpu.memref_slice %arg13[%add3A_32, %dma_start3A_41] : memref<10240x64xf32, #tpu.memory_space<vmem_shared>> -> memref<128x64xf32, #tpu.memory_space<vmem_shared>>
      %dma_start3A_43 = arith.constant 0 : i32
      %dma_start3A_44 = arith.constant 0 : i32
      %dma_start3A_45 = tpu.memref_slice %arg9[%dma_start3A_43, %dma_start3A_44] : memref<176x64xf32, #tpu.memory_space<vmem>> -> memref<128x64xf32, #tpu.memory_space<vmem>>
      %dma_start3A_46 = arith.constant 0 : i32
      %dma_start3A_47 = tpu.memref_slice %arg13[%add3A_32, %dma_start3A_46] : memref<10240x64xf32, #tpu.memory_space<vmem_shared>> -> memref<128x64xf32, #tpu.memory_space<vmem_shared>>
      tpu.enqueue_dma source(%dma_start3A_47 : memref<128x64xf32, #tpu.memory_space<vmem_shared>>) target(%dma_start3A_45 : memref<128x64xf32, #tpu.memory_space<vmem>>) target_semaphore(%run_scoped3A : memref<!tpu.dma_semaphore, #tpu.memory_space<semaphore_mem>>)
      %dma_wait3A = arith.constant 0 : i32
      %dma_wait3A_48 = arith.constant 0 : i32
      %dma_wait3A_49 = tpu.memref_slice %arg9[%dma_wait3A, %dma_wait3A_48] : memref<176x64xf32, #tpu.memory_space<vmem>> -> memref<128x64xf32, #tpu.memory_space<vmem>>
      %dma_wait3A_50 = arith.constant 0 : i32
      %dma_wait3A_51 = tpu.memref_slice %arg13[%add3A_32, %dma_wait3A_50] : memref<10240x64xf32, #tpu.memory_space<vmem_shared>> -> memref<128x64xf32, #tpu.memory_space<vmem_shared>>
      %dma_wait3A_52 = arith.constant 0 : i32
      %dma_wait3A_53 = arith.constant 0 : i32
      %dma_wait3A_54 = tpu.memref_slice %arg9[%dma_wait3A_52, %dma_wait3A_53] : memref<176x64xf32, #tpu.memory_space<vmem>> -> memref<128x64xf32, #tpu.memory_space<vmem>>
      %dma_wait3A_55 = arith.constant 0 : i32
      %dma_wait3A_56 = tpu.memref_slice %arg13[%add3A_32, %dma_wait3A_55] : memref<10240x64xf32, #tpu.memory_space<vmem_shared>> -> memref<128x64xf32, #tpu.memory_space<vmem_shared>>
      tpu.wait_dma2 semaphore(%run_scoped3A : memref<!tpu.dma_semaphore, #tpu.memory_space<semaphore_mem>>) src(%dma_wait3A_56 : memref<128x64xf32, #tpu.memory_space<vmem_shared>>) dst(%dma_wait3A_54 : memref<128x64xf32, #tpu.memory_space<vmem>>)
      tpu.yield
    }) : () -> ()
    %add3A_33 = arith.constant 384 : i32
    %add3A_34 = arith.addi %mul3A_2, %add3A_33 : i32
    "tpu.region"() ({
      %run_scoped3A = tpu.sem_alloc : memref<!tpu.dma_semaphore, #tpu.memory_space<semaphore_mem>>
      %dma_start3A = arith.constant 0 : i32
      %dma_start3A_39 = arith.constant 0 : i32
      %dma_start3A_40 = tpu.memref_slice %arg9[%dma_start3A, %dma_start3A_39] : memref<176x64xf32, #tpu.memory_space<vmem>> -> memref<128x64xf32, #tpu.memory_space<vmem>>
      %dma_start3A_41 = arith.constant 0 : i32
      %dma_start3A_42 = tpu.memref_slice %arg6[%arg0, %add3A_34, %dma_start3A_41] : memref<2x10240x64xf32, #tpu.memory_space<hbm>> -> memref<1x128x64xf32, #tpu.memory_space<hbm>>
      %dma_start3A_43 = tpu.memref_squeeze %dma_start3A_42 : memref<1x128x64xf32, #tpu.memory_space<hbm>> -> memref<128x64xf32, #tpu.memory_space<hbm>>
      %dma_start3A_44 = arith.constant 0 : i32
      %dma_start3A_45 = tpu.memref_slice %arg6[%arg0, %add3A_34, %dma_start3A_44] : memref<2x10240x64xf32, #tpu.memory_space<hbm>> -> memref<1x128x64xf32, #tpu.memory_space<hbm>>
      %dma_start3A_46 = tpu.memref_squeeze %dma_start3A_45 : memref<1x128x64xf32, #tpu.memory_space<hbm>> -> memref<128x64xf32, #tpu.memory_space<hbm>>
      %dma_start3A_47 = arith.constant 0 : i32
      %dma_start3A_48 = arith.constant 0 : i32
      %dma_start3A_49 = tpu.memref_slice %arg9[%dma_start3A_47, %dma_start3A_48] : memref<176x64xf32, #tpu.memory_space<vmem>> -> memref<128x64xf32, #tpu.memory_space<vmem>>
      tpu.enqueue_dma source(%dma_start3A_49 : memref<128x64xf32, #tpu.memory_space<vmem>>) target(%dma_start3A_46 : memref<128x64xf32, #tpu.memory_space<hbm>>) target_semaphore(%run_scoped3A : memref<!tpu.dma_semaphore, #tpu.memory_space<semaphore_mem>>)
      %dma_wait3A = arith.constant 0 : i32
      %dma_wait3A_50 = arith.constant 0 : i32
      %dma_wait3A_51 = tpu.memref_slice %arg9[%dma_wait3A, %dma_wait3A_50] : memref<176x64xf32, #tpu.memory_space<vmem>> -> memref<128x64xf32, #tpu.memory_space<vmem>>
      %dma_wait3A_52 = arith.constant 0 : i32
      %dma_wait3A_53 = tpu.memref_slice %arg6[%arg0, %add3A_34, %dma_wait3A_52] : memref<2x10240x64xf32, #tpu.memory_space<hbm>> -> memref<1x128x64xf32, #tpu.memory_space<hbm>>
      %dma_wait3A_54 = tpu.memref_squeeze %dma_wait3A_53 : memref<1x128x64xf32, #tpu.memory_space<hbm>> -> memref<128x64xf32, #tpu.memory_space<hbm>>
      %dma_wait3A_55 = arith.constant 0 : i32
      %dma_wait3A_56 = tpu.memref_slice %arg6[%arg0, %add3A_34, %dma_wait3A_55] : memref<2x10240x64xf32, #tpu.memory_space<hbm>> -> memref<1x128x64xf32, #tpu.memory_space<hbm>>
      %dma_wait3A_57 = tpu.memref_squeeze %dma_wait3A_56 : memref<1x128x64xf32, #tpu.memory_space<hbm>> -> memref<128x64xf32, #tpu.memory_space<hbm>>
      %dma_wait3A_58 = arith.constant 0 : i32
      %dma_wait3A_59 = arith.constant 0 : i32
      %dma_wait3A_60 = tpu.memref_slice %arg9[%dma_wait3A_58, %dma_wait3A_59] : memref<176x64xf32, #tpu.memory_space<vmem>> -> memref<128x64xf32, #tpu.memory_space<vmem>>
      tpu.wait_dma2 semaphore(%run_scoped3A : memref<!tpu.dma_semaphore, #tpu.memory_space<semaphore_mem>>) src(%dma_wait3A_60 : memref<128x64xf32, #tpu.memory_space<vmem>>) dst(%dma_wait3A_57 : memref<128x64xf32, #tpu.memory_space<hbm>>)
      tpu.yield
    }) : () -> ()
    %add3A_35 = arith.constant 512 : i32
    %add3A_36 = arith.addi %mul3A_2, %add3A_35 : i32
    "tpu.region"() ({
      %run_scoped3A = tpu.sem_alloc : memref<!tpu.dma_semaphore, #tpu.memory_space<semaphore_mem>>
      %dma_start3A = arith.constant 0 : i32
      %dma_start3A_39 = arith.constant 0 : i32
      %dma_start3A_40 = tpu.memref_slice %arg9[%dma_start3A, %dma_start3A_39] : memref<176x64xf32, #tpu.memory_space<vmem>> -> memref<128x64xf32, #tpu.memory_space<vmem>>
      %dma_start3A_41 = arith.constant 0 : i32
      %dma_start3A_42 = tpu.memref_slice %arg13[%add3A_36, %dma_start3A_41] : memref<10240x64xf32, #tpu.memory_space<vmem_shared>> -> memref<128x64xf32, #tpu.memory_space<vmem_shared>>
      %dma_start3A_43 = arith.constant 0 : i32
      %dma_start3A_44 = arith.constant 0 : i32
      %dma_start3A_45 = tpu.memref_slice %arg9[%dma_start3A_43, %dma_start3A_44] : memref<176x64xf32, #tpu.memory_space<vmem>> -> memref<128x64xf32, #tpu.memory_space<vmem>>
      %dma_start3A_46 = arith.constant 0 : i32
      %dma_start3A_47 = tpu.memref_slice %arg13[%add3A_36, %dma_start3A_46] : memref<10240x64xf32, #tpu.memory_space<vmem_shared>> -> memref<128x64xf32, #tpu.memory_space<vmem_shared>>
      tpu.enqueue_dma source(%dma_start3A_47 : memref<128x64xf32, #tpu.memory_space<vmem_shared>>) target(%dma_start3A_45 : memref<128x64xf32, #tpu.memory_space<vmem>>) target_semaphore(%run_scoped3A : memref<!tpu.dma_semaphore, #tpu.memory_space<semaphore_mem>>)
      %dma_wait3A = arith.constant 0 : i32
      %dma_wait3A_48 = arith.constant 0 : i32
      %dma_wait3A_49 = tpu.memref_slice %arg9[%dma_wait3A, %dma_wait3A_48] : memref<176x64xf32, #tpu.memory_space<vmem>> -> memref<128x64xf32, #tpu.memory_space<vmem>>
      %dma_wait3A_50 = arith.constant 0 : i32
      %dma_wait3A_51 = tpu.memref_slice %arg13[%add3A_36, %dma_wait3A_50] : memref<10240x64xf32, #tpu.memory_space<vmem_shared>> -> memref<128x64xf32, #tpu.memory_space<vmem_shared>>
      %dma_wait3A_52 = arith.constant 0 : i32
      %dma_wait3A_53 = arith.constant 0 : i32
      %dma_wait3A_54 = tpu.memref_slice %arg9[%dma_wait3A_52, %dma_wait3A_53] : memref<176x64xf32, #tpu.memory_space<vmem>> -> memref<128x64xf32, #tpu.memory_space<vmem>>
      %dma_wait3A_55 = arith.constant 0 : i32
      %dma_wait3A_56 = tpu.memref_slice %arg13[%add3A_36, %dma_wait3A_55] : memref<10240x64xf32, #tpu.memory_space<vmem_shared>> -> memref<128x64xf32, #tpu.memory_space<vmem_shared>>
      tpu.wait_dma2 semaphore(%run_scoped3A : memref<!tpu.dma_semaphore, #tpu.memory_space<semaphore_mem>>) src(%dma_wait3A_56 : memref<128x64xf32, #tpu.memory_space<vmem_shared>>) dst(%dma_wait3A_54 : memref<128x64xf32, #tpu.memory_space<vmem>>)
      tpu.yield
    }) : () -> ()
    %add3A_37 = arith.constant 512 : i32
    %add3A_38 = arith.addi %mul3A_2, %add3A_37 : i32
    "tpu.region"() ({
      %run_scoped3A = tpu.sem_alloc : memref<!tpu.dma_semaphore, #tpu.memory_space<semaphore_mem>>
      %dma_start3A = arith.constant 0 : i32
      %dma_start3A_39 = arith.constant 0 : i32
      %dma_start3A_40 = tpu.memref_slice %arg9[%dma_start3A, %dma_start3A_39] : memref<176x64xf32, #tpu.memory_space<vmem>> -> memref<128x64xf32, #tpu.memory_space<vmem>>
      %dma_start3A_41 = arith.constant 0 : i32
      %dma_start3A_42 = tpu.memref_slice %arg6[%arg0, %add3A_38, %dma_start3A_41] : memref<2x10240x64xf32, #tpu.memory_space<hbm>> -> memref<1x128x64xf32, #tpu.memory_space<hbm>>
      %dma_start3A_43 = tpu.memref_squeeze %dma_start3A_42 : memref<1x128x64xf32, #tpu.memory_space<hbm>> -> memref<128x64xf32, #tpu.memory_space<hbm>>
      %dma_start3A_44 = arith.constant 0 : i32
      %dma_start3A_45 = tpu.memref_slice %arg6[%arg0, %add3A_38, %dma_start3A_44] : memref<2x10240x64xf32, #tpu.memory_space<hbm>> -> memref<1x128x64xf32, #tpu.memory_space<hbm>>
      %dma_start3A_46 = tpu.memref_squeeze %dma_start3A_45 : memref<1x128x64xf32, #tpu.memory_space<hbm>> -> memref<128x64xf32, #tpu.memory_space<hbm>>
      %dma_start3A_47 = arith.constant 0 : i32
      %dma_start3A_48 = arith.constant 0 : i32
      %dma_start3A_49 = tpu.memref_slice %arg9[%dma_start3A_47, %dma_start3A_48] : memref<176x64xf32, #tpu.memory_space<vmem>> -> memref<128x64xf32, #tpu.memory_space<vmem>>
      tpu.enqueue_dma source(%dma_start3A_49 : memref<128x64xf32, #tpu.memory_space<vmem>>) target(%dma_start3A_46 : memref<128x64xf32, #tpu.memory_space<hbm>>) target_semaphore(%run_scoped3A : memref<!tpu.dma_semaphore, #tpu.memory_space<semaphore_mem>>)
      %dma_wait3A = arith.constant 0 : i32
      %dma_wait3A_50 = arith.constant 0 : i32
      %dma_wait3A_51 = tpu.memref_slice %arg9[%dma_wait3A, %dma_wait3A_50] : memref<176x64xf32, #tpu.memory_space<vmem>> -> memref<128x64xf32, #tpu.memory_space<vmem>>
      %dma_wait3A_52 = arith.constant 0 : i32
      %dma_wait3A_53 = tpu.memref_slice %arg6[%arg0, %add3A_38, %dma_wait3A_52] : memref<2x10240x64xf32, #tpu.memory_space<hbm>> -> memref<1x128x64xf32, #tpu.memory_space<hbm>>
      %dma_wait3A_54 = tpu.memref_squeeze %dma_wait3A_53 : memref<1x128x64xf32, #tpu.memory_space<hbm>> -> memref<128x64xf32, #tpu.memory_space<hbm>>
      %dma_wait3A_55 = arith.constant 0 : i32
      %dma_wait3A_56 = tpu.memref_slice %arg6[%arg0, %add3A_38, %dma_wait3A_55] : memref<2x10240x64xf32, #tpu.memory_space<hbm>> -> memref<1x128x64xf32, #tpu.memory_space<hbm>>
      %dma_wait3A_57 = tpu.memref_squeeze %dma_wait3A_56 : memref<1x128x64xf32, #tpu.memory_space<hbm>> -> memref<128x64xf32, #tpu.memory_space<hbm>>
      %dma_wait3A_58 = arith.constant 0 : i32
      %dma_wait3A_59 = arith.constant 0 : i32
      %dma_wait3A_60 = tpu.memref_slice %arg9[%dma_wait3A_58, %dma_wait3A_59] : memref<176x64xf32, #tpu.memory_space<vmem>> -> memref<128x64xf32, #tpu.memory_space<vmem>>
      tpu.wait_dma2 semaphore(%run_scoped3A : memref<!tpu.dma_semaphore, #tpu.memory_space<semaphore_mem>>) src(%dma_wait3A_60 : memref<128x64xf32, #tpu.memory_space<vmem>>) dst(%dma_wait3A_57 : memref<128x64xf32, #tpu.memory_space<hbm>>)
      tpu.yield
    }) : () -> ()
    return
  }
}

module attributes {stable_mosaic.version = 14 : i64} {
  func.func @s_body(%arg0: i32, %arg1: memref<2048x128xf32, #tpu.memory_space<vmem>>, %arg2: memref<128x128xf32, #tpu.memory_space<vmem>>, %arg3: memref<2048x1xf32, #tpu.memory_space<vmem>>, %arg4: memref<2048x1xf32, #tpu.memory_space<vmem>>, %arg5: memref<2x2048x64xf32, #tpu.memory_space<vmem>>, %arg6: memref<2048x1xf32, #tpu.memory_space<vmem>>) attributes {dimension_semantics = [#tpu.dimension_semantics<arbitrary>], iteration_bounds = array<i64: 5>, scalar_prefetch = 0 : i64, scratch_operands = 0 : i64, tpu.core_type = #tpu.core_type<tc>, window_params = [{transform_indices = @transform_0, window_bounds = array<i64: 2048, 128>}, {pipeline_mode = #tpu.pipeline_mode<synchronous>, transform_indices = @transform_1, window_bounds = array<i64: 128, 128>}, {transform_indices = @transform_2, window_bounds = array<i64: 2048, 1>}, {transform_indices = @transform_3, window_bounds = array<i64: 2048, 1>}, {transform_indices = @transform_4, window_bounds = array<i64: 2, 2048, 64>}, {transform_indices = @transform_5, window_bounds = array<i64: 2048, 1>}]} {
    %iota3A = tpu.iota {dimensions = array<i32: 0>} : vector<2048x1xi32>
    %mul3A = arith.constant 2048 : i32
    %mul3A_0 = arith.muli %arg0, %mul3A : i32
    %add3A = vector.broadcast %mul3A_0 : i32 to vector<2048x1xi32>
    %add3A_1 = arith.addi %iota3A, %add3A : vector<2048x1xi32>
    %lt3A = arith.constant 10000 : i32
    %lt3A_2 = vector.broadcast %lt3A : i32 to vector<2048x1xi32>
    %lt3A_3 = arith.cmpi slt, %add3A_1, %lt3A_2 : vector<2048x1xi32>
    %get3A = arith.constant 0 : index
    %get3A_4 = arith.constant 0 : index
    %get3A_5 = vector.load %arg3[%get3A, %get3A_4] : memref<2048x1xf32, #tpu.memory_space<vmem>>, vector<2048x1xf32>
    %get3A_6 = arith.constant 0 : index
    %get3A_7 = arith.constant 0 : index
    %get3A_8 = vector.load %arg4[%get3A_6, %get3A_7] : memref<2048x1xf32, #tpu.memory_space<vmem>>, vector<2048x1xf32>
    %add3A_9 = arith.addf %get3A_5, %get3A_8 : vector<2048x1xf32>
    %gt3A = arith.constant 0.000000e+00 : f32
    %gt3A_10 = vector.broadcast %gt3A : f32 to vector<2048x1xf32>
    %gt3A_11 = arith.cmpf ogt, %add3A_9, %gt3A_10 : vector<2048x1xf32>
    %and3A = arith.andi %lt3A_3, %gt3A_11 : vector<2048x1xi1>
    %max3A = arith.constant 9.99999996E-13 : f32
    %max3A_12 = vector.broadcast %max3A : f32 to vector<2048x1xf32>
    %max3A_13 = arith.maximumf %add3A_9, %max3A_12 : vector<2048x1xf32>
    %rsqrt3A = math.rsqrt %max3A_13 : vector<2048x1xf32>
    %jit3A = arith.constant 0.000000e+00 : f32
    %broadcast_in_dim3A = vector.broadcast %jit3A : f32 to vector<2048x1xf32>
    %select_n3A = arith.select %and3A, %rsqrt3A, %broadcast_in_dim3A : vector<2048x1xi1>, vector<2048x1xf32>
    %get3A_14 = arith.constant 0 : index
    %get3A_15 = arith.constant 0 : index
    %get3A_16 = vector.load %arg1[%get3A_14, %get3A_15] : memref<2048x128xf32, #tpu.memory_space<vmem>>, vector<2048x128xf32>
    %get3A_17 = arith.constant 0 : index
    %get3A_18 = arith.constant 0 : index
    %get3A_19 = vector.load %arg2[%get3A_17, %get3A_18] : memref<128x128xf32, #tpu.memory_space<vmem>>, vector<128x128xf32>
    %dot_general3A = arith.constant dense<0.000000e+00> : vector<2048x128xf32>
    %dot_general3A_20 = tpu.matmul %get3A_16, %get3A_19, %dot_general3A {dimension_numbers = #tpu.dot_dimension_numbers<[1], [0], [0], [1], [0, 0, 1, 1], [], []>, transpose_lhs_hint = false} : vector<2048x128xf32>, vector<128x128xf32>, vector<2048x128xf32> -> vector<2048x128xf32>
    %mul3A_21 = vector.broadcast %select_n3A : vector<2048x1xf32> to vector<2048x128xf32>
    %mul3A_22 = arith.mulf %dot_general3A_20, %mul3A_21 : vector<2048x128xf32>
    %jit3A_23 = arith.constant 0.000000e+00 : f32
    %broadcast_in_dim3A_24 = vector.shape_cast %lt3A_3 : vector<2048x1xi1> to vector<2048x1xi1>
    %broadcast_in_dim3A_25 = vector.broadcast %broadcast_in_dim3A_24 : vector<2048x1xi1> to vector<2048x128xi1>
    %broadcast_in_dim3A_26 = vector.broadcast %jit3A_23 : f32 to vector<2048x128xf32>
    %select_n3A_27 = arith.select %broadcast_in_dim3A_25, %mul3A_22, %broadcast_in_dim3A_26 : vector<2048x128xi1>, vector<2048x128xf32>
    %slice3A = vector.extract_strided_slice %select_n3A_27 {offsets = [0, 0], sizes = [2048, 64], strides = [1, 1]} : vector<2048x128xf32> to vector<2048x64xf32>
    %swap3A = arith.constant 0 : index
    %swap3A_28 = arith.constant 0 : index
    %swap3A_29 = arith.constant 0 : index
    %swap3A_30 = vector.load %arg5[%swap3A, %swap3A_28, %swap3A_29] : memref<2x2048x64xf32, #tpu.memory_space<vmem>>, vector<1x2048x64xf32>
    %swap3A_31 = vector.shape_cast %swap3A_30 : vector<1x2048x64xf32> to vector<2048x64xf32>
    %swap3A_32 = vector.shape_cast %slice3A : vector<2048x64xf32> to vector<1x2048x64xf32>
    tpu.vector_store %arg5[%swap3A, %swap3A_28, %swap3A_29], %swap3A_32 {strides = array<i32>} : memref<2x2048x64xf32, #tpu.memory_space<vmem>>, vector<1x2048x64xf32>,
    %slice3A_33 = vector.extract_strided_slice %select_n3A_27 {offsets = [0, 64], sizes = [2048, 64], strides = [1, 1]} : vector<2048x128xf32> to vector<2048x64xf32>
    %swap3A_34 = arith.constant 1 : index
    %swap3A_35 = arith.constant 0 : index
    %swap3A_36 = arith.constant 0 : index
    %swap3A_37 = vector.load %arg5[%swap3A_34, %swap3A_35, %swap3A_36] : memref<2x2048x64xf32, #tpu.memory_space<vmem>>, vector<1x2048x64xf32>
    %swap3A_38 = vector.shape_cast %swap3A_37 : vector<1x2048x64xf32> to vector<2048x64xf32>
    %swap3A_39 = vector.shape_cast %slice3A_33 : vector<2048x64xf32> to vector<1x2048x64xf32>
    tpu.vector_store %arg5[%swap3A_34, %swap3A_35, %swap3A_36], %swap3A_39 {strides = array<i32>} : memref<2x2048x64xf32, #tpu.memory_space<vmem>>, vector<1x2048x64xf32>,
    %swap3A_40 = arith.constant 0 : index
    %swap3A_41 = arith.constant 0 : index
    %swap3A_42 = vector.load %arg6[%swap3A_40, %swap3A_41] : memref<2048x1xf32, #tpu.memory_space<vmem>>, vector<2048x1xf32>
    tpu.vector_store %arg6[%swap3A_40, %swap3A_41], %select_n3A {strides = array<i32>} : memref<2048x1xf32, #tpu.memory_space<vmem>>, vector<2048x1xf32>,
    return
  }
  func.func @transform_0(%arg0: i32) -> (i32, i32) {
    %c0_i32 = arith.constant 0 : i32
    %c0_i32_0 = arith.constant 0 : i32
    return %arg0, %c0_i32 : i32, i32
  }
  func.func @transform_1(%arg0: i32) -> (i32, i32) {
    %c0_i32 = arith.constant 0 : i32
    %c0_i32_0 = arith.constant 0 : i32
    %c0_i32_1 = arith.constant 0 : i32
    return %c0_i32, %c0_i32_0 : i32, i32
  }
  func.func @transform_2(%arg0: i32) -> (i32, i32) {
    %c0_i32 = arith.constant 0 : i32
    %c0_i32_0 = arith.constant 0 : i32
    return %arg0, %c0_i32 : i32, i32
  }
  func.func @transform_3(%arg0: i32) -> (i32, i32) {
    %c0_i32 = arith.constant 0 : i32
    %c0_i32_0 = arith.constant 0 : i32
    return %arg0, %c0_i32 : i32, i32
  }
  func.func @transform_4(%arg0: i32) -> (i32, i32, i32) {
    %c0_i32 = arith.constant 0 : i32
    %c0_i32_0 = arith.constant 0 : i32
    %c0_i32_1 = arith.constant 0 : i32
    return %c0_i32, %arg0, %c0_i32_0 : i32, i32, i32
  }
  func.func @transform_5(%arg0: i32) -> (i32, i32) {
    %c0_i32 = arith.constant 0 : i32
    %c0_i32_0 = arith.constant 0 : i32
    return %arg0, %c0_i32 : i32, i32
  }
}

module attributes {stable_mosaic.version = 14 : i64} {
  func.func @f1_body(%arg0: i32, %arg1: memref<2000x64xf32, #tpu.memory_space<vmem>>, %arg2: memref<2000x64xf32, #tpu.memory_space<vmem>>, %arg3: memref<2000x1xf32, #tpu.memory_space<vmem>>, %arg4: memref<1x128xf32, #tpu.memory_space<vmem>>, %arg5: memref<2000x128xf32, #tpu.memory_space<vmem>>, %arg6: memref<2x128xf32, #tpu.memory_space<vmem>>) attributes {dimension_semantics = [#tpu.dimension_semantics<arbitrary>], iteration_bounds = array<i64: 5>, scalar_prefetch = 0 : i64, scratch_operands = 0 : i64, tpu.core_type = #tpu.core_type<tc>, window_params = [{transform_indices = @transform_0, window_bounds = array<i64: 2000, 64>}, {transform_indices = @transform_1, window_bounds = array<i64: 2000, 64>}, {transform_indices = @transform_2, window_bounds = array<i64: 2000, 1>}, {pipeline_mode = #tpu.pipeline_mode<synchronous>, transform_indices = @transform_3, window_bounds = array<i64: 1, 128>}, {transform_indices = @transform_4, window_bounds = array<i64: 2000, 128>}, {pipeline_mode = #tpu.pipeline_mode<synchronous>, transform_indices = @transform_5, window_bounds = array<i64: 2, 128>}]} {
    %get3A = arith.constant 0 : index
    %get3A_0 = arith.constant 0 : index
    %get3A_1 = vector.load %arg3[%get3A, %get3A_0] : memref<2000x1xf32, #tpu.memory_space<vmem>>, vector<2000x1xf32>
    %get3A_2 = arith.constant 0 : index
    %get3A_3 = arith.constant 0 : index
    %get3A_4 = vector.load %arg4[%get3A_2, %get3A_3] : memref<1x128xf32, #tpu.memory_space<vmem>>, vector<1x128xf32>
    %get3A_5 = arith.constant 0 : index
    %get3A_6 = arith.constant 0 : index
    %get3A_7 = vector.load %arg1[%get3A_5, %get3A_6] : memref<2000x64xf32, #tpu.memory_space<vmem>>, vector<2000x64xf32>
    %mul3A = vector.broadcast %get3A_1 : vector<2000x1xf32> to vector<2000x64xf32>
    %mul3A_8 = arith.mulf %get3A_7, %mul3A : vector<2000x64xf32>
    %slice3A = vector.extract_strided_slice %get3A_4 {offsets = [0, 0], sizes = [1, 64], strides = [1, 1]} : vector<1x128xf32> to vector<1x64xf32>
    %add3A = vector.broadcast %slice3A : vector<1x64xf32> to vector<2000x64xf32>
    %add3A_9 = arith.addf %mul3A_8, %add3A : vector<2000x64xf32>
    %get3A_10 = arith.constant 0 : index
    %get3A_11 = arith.constant 0 : index
    %get3A_12 = vector.load %arg2[%get3A_10, %get3A_11] : memref<2000x64xf32, #tpu.memory_space<vmem>>, vector<2000x64xf32>
    %mul3A_13 = vector.broadcast %get3A_1 : vector<2000x1xf32> to vector<2000x64xf32>
    %mul3A_14 = arith.mulf %get3A_12, %mul3A_13 : vector<2000x64xf32>
    %slice3A_15 = vector.extract_strided_slice %get3A_4 {offsets = [0, 64], sizes = [1, 64], strides = [1, 1]} : vector<1x128xf32> to vector<1x64xf32>
    %add3A_16 = vector.broadcast %slice3A_15 : vector<1x64xf32> to vector<2000x64xf32>
    %add3A_17 = arith.addf %mul3A_14, %add3A_16 : vector<2000x64xf32>
    %concatenate3A = tpu.concatenate %add3A_9, %add3A_17 in 1 : vector<2000x64xf32>, vector<2000x64xf32> -> vector<2000x128xf32>
    %swap3A = arith.constant 0 : index
    %swap3A_18 = arith.constant 0 : index
    %swap3A_19 = vector.load %arg5[%swap3A, %swap3A_18] : memref<2000x128xf32, #tpu.memory_space<vmem>>, vector<2000x128xf32>
    tpu.vector_store %arg5[%swap3A, %swap3A_18], %concatenate3A {strides = array<i32>} : memref<2000x128xf32, #tpu.memory_space<vmem>>, vector<2000x128xf32>,
    %eq3A = arith.constant 0 : i32
    %eq3A_20 = arith.cmpi eq, %arg0, %eq3A : i32
    %convert_element_type3A = arith.extui %eq3A_20 : i1 to i32
    %cond3A = arith.constant 0 : i32
    %cond3A_21 = arith.cmpi ne, %convert_element_type3A, %cond3A : i32
    scf.if %cond3A_21 {
      %broadcast_in_dim3A_41 = arith.constant 0.000000e+00 : f32
      %broadcast_in_dim3A_42 = vector.broadcast %broadcast_in_dim3A_41 : f32 to vector<2x128xf32>
      %swap3A_43 = arith.constant 0 : index
      %swap3A_44 = arith.constant 0 : index
      %swap3A_45 = vector.load %arg6[%swap3A_43, %swap3A_44] : memref<2x128xf32, #tpu.memory_space<vmem>>, vector<2x128xf32>
      tpu.vector_store %arg6[%swap3A_43, %swap3A_44], %broadcast_in_dim3A_42 {strides = array<i32>} : memref<2x128xf32, #tpu.memory_space<vmem>>, vector<2x128xf32>,
    } else {
    }
    %get3A_22 = arith.constant 0 : index
    %get3A_23 = arith.constant 0 : index
    %get3A_24 = vector.load %arg6[%get3A_22, %get3A_23] : memref<2x128xf32, #tpu.memory_space<vmem>>, vector<1x128xf32>
    %reduce_sum3A = arith.constant dense<0.000000e+00> : vector<128xf32>
    %reduce_sum3A_25 = vector.multi_reduction <add>, %concatenate3A, %reduce_sum3A [0] : vector<2000x128xf32> to vector<128xf32>
    %broadcast_in_dim3A = vector.shape_cast %reduce_sum3A_25 : vector<128xf32> to vector<1x128xf32>
    %add3A_26 = arith.addf %get3A_24, %broadcast_in_dim3A : vector<1x128xf32>
    %swap3A_27 = arith.constant 0 : index
    %swap3A_28 = arith.constant 0 : index
    %swap3A_29 = vector.load %arg6[%swap3A_27, %swap3A_28] : memref<2x128xf32, #tpu.memory_space<vmem>>, vector<1x128xf32>
    tpu.vector_store %arg6[%swap3A_27, %swap3A_28], %add3A_26 {strides = array<i32>} : memref<2x128xf32, #tpu.memory_space<vmem>>, vector<1x128xf32>,
    %get3A_30 = arith.constant 1 : index
    %get3A_31 = arith.constant 0 : index
    %get3A_32 = vector.load %arg6[%get3A_30, %get3A_31] : memref<2x128xf32, #tpu.memory_space<vmem>>, vector<1x128xf32>
    %mul3A_33 = arith.mulf %concatenate3A, %concatenate3A : vector<2000x128xf32>
    %reduce_sum3A_34 = arith.constant dense<0.000000e+00> : vector<128xf32>
    %reduce_sum3A_35 = vector.multi_reduction <add>, %mul3A_33, %reduce_sum3A_34 [0] : vector<2000x128xf32> to vector<128xf32>
    %broadcast_in_dim3A_36 = vector.shape_cast %reduce_sum3A_35 : vector<128xf32> to vector<1x128xf32>
    %add3A_37 = arith.addf %get3A_32, %broadcast_in_dim3A_36 : vector<1x128xf32>
    %swap3A_38 = arith.constant 1 : index
    %swap3A_39 = arith.constant 0 : index
    %swap3A_40 = vector.load %arg6[%swap3A_38, %swap3A_39] : memref<2x128xf32, #tpu.memory_space<vmem>>, vector<1x128xf32>
    tpu.vector_store %arg6[%swap3A_38, %swap3A_39], %add3A_37 {strides = array<i32>} : memref<2x128xf32, #tpu.memory_space<vmem>>, vector<1x128xf32>,
    return
  }
  func.func @transform_0(%arg0: i32) -> (i32, i32) {
    %c0_i32 = arith.constant 0 : i32
    %c0_i32_0 = arith.constant 0 : i32
    return %arg0, %c0_i32 : i32, i32
  }
  func.func @transform_1(%arg0: i32) -> (i32, i32) {
    %c0_i32 = arith.constant 0 : i32
    %c0_i32_0 = arith.constant 0 : i32
    return %arg0, %c0_i32 : i32, i32
  }
  func.func @transform_2(%arg0: i32) -> (i32, i32) {
    %c0_i32 = arith.constant 0 : i32
    %c0_i32_0 = arith.constant 0 : i32
    return %arg0, %c0_i32 : i32, i32
  }
  func.func @transform_3(%arg0: i32) -> (i32, i32) {
    %c0_i32 = arith.constant 0 : i32
    %c0_i32_0 = arith.constant 0 : i32
    %c0_i32_1 = arith.constant 0 : i32
    return %c0_i32, %c0_i32_0 : i32, i32
  }
  func.func @transform_4(%arg0: i32) -> (i32, i32) {
    %c0_i32 = arith.constant 0 : i32
    %c0_i32_0 = arith.constant 0 : i32
    return %arg0, %c0_i32 : i32, i32
  }
  func.func @transform_5(%arg0: i32) -> (i32, i32) {
    %c0_i32 = arith.constant 0 : i32
    %c0_i32_0 = arith.constant 0 : i32
    %c0_i32_1 = arith.constant 0 : i32
    return %c0_i32, %c0_i32_0 : i32, i32
  }
}

module attributes {stable_mosaic.version = 14 : i64} {
  func.func @f2_body(%arg0: i32, %arg1: memref<2000x128xf32, #tpu.memory_space<vmem>>, %arg2: memref<2x128xf32, #tpu.memory_space<vmem>>, %arg3: memref<1x128xf32, #tpu.memory_space<vmem>>, %arg4: memref<1x128xf32, #tpu.memory_space<vmem>>, %arg5: memref<2000x128xf32, #tpu.memory_space<vmem>>, %arg6: memref<2000x128xf32, #tpu.memory_space<vmem>>) attributes {dimension_semantics = [#tpu.dimension_semantics<arbitrary>], iteration_bounds = array<i64: 5>, scalar_prefetch = 0 : i64, scratch_operands = 0 : i64, tpu.core_type = #tpu.core_type<tc>, window_params = [{transform_indices = @transform_0, window_bounds = array<i64: 2000, 128>}, {pipeline_mode = #tpu.pipeline_mode<synchronous>, transform_indices = @transform_1, window_bounds = array<i64: 2, 128>}, {pipeline_mode = #tpu.pipeline_mode<synchronous>, transform_indices = @transform_2, window_bounds = array<i64: 1, 128>}, {pipeline_mode = #tpu.pipeline_mode<synchronous>, transform_indices = @transform_3, window_bounds = array<i64: 1, 128>}, {transform_indices = @transform_4, window_bounds = array<i64: 2000, 128>}, {transform_indices = @transform_5, window_bounds = array<i64: 2000, 128>}]} {
    %get3A = arith.constant 0 : index
    %get3A_0 = arith.constant 0 : index
    %get3A_1 = vector.load %arg2[%get3A, %get3A_0] : memref<2x128xf32, #tpu.memory_space<vmem>>, vector<1x128xf32>
    %mul3A = arith.constant 9.99999974E-5 : f32
    %mul3A_2 = vector.broadcast %mul3A : f32 to vector<1x128xf32>
    %mul3A_3 = arith.mulf %get3A_1, %mul3A_2 : vector<1x128xf32>
    %get3A_4 = arith.constant 1 : index
    %get3A_5 = arith.constant 0 : index
    %get3A_6 = vector.load %arg2[%get3A_4, %get3A_5] : memref<2x128xf32, #tpu.memory_space<vmem>>, vector<1x128xf32>
    %mul3A_7 = arith.constant 9.99999974E-5 : f32
    %mul3A_8 = vector.broadcast %mul3A_7 : f32 to vector<1x128xf32>
    %mul3A_9 = arith.mulf %get3A_6, %mul3A_8 : vector<1x128xf32>
    %mul3A_10 = arith.mulf %mul3A_3, %mul3A_3 : vector<1x128xf32>
    %sub3A = arith.subf %mul3A_9, %mul3A_10 : vector<1x128xf32>
    %get3A_11 = arith.constant 0 : index
    %get3A_12 = arith.constant 0 : index
    %get3A_13 = vector.load %arg3[%get3A_11, %get3A_12] : memref<1x128xf32, #tpu.memory_space<vmem>>, vector<1x128xf32>
    %get3A_14 = arith.constant 0 : index
    %get3A_15 = arith.constant 0 : index
    %get3A_16 = vector.load %arg1[%get3A_14, %get3A_15] : memref<2000x128xf32, #tpu.memory_space<vmem>>, vector<2000x128xf32>
    %sub3A_17 = vector.broadcast %mul3A_3 : vector<1x128xf32> to vector<2000x128xf32>
    %sub3A_18 = arith.subf %get3A_16, %sub3A_17 : vector<2000x128xf32>
    %mul3A_19 = vector.broadcast %get3A_13 : vector<1x128xf32> to vector<2000x128xf32>
    %mul3A_20 = arith.mulf %mul3A_19, %sub3A_18 : vector<2000x128xf32>
    %add3A = arith.constant 9.99999974E-6 : f32
    %add3A_21 = vector.broadcast %add3A : f32 to vector<1x128xf32>
    %add3A_22 = arith.addf %sub3A, %add3A_21 : vector<1x128xf32>
    %rsqrt3A = math.rsqrt %add3A_22 : vector<1x128xf32>
    %mul3A_23 = vector.broadcast %rsqrt3A : vector<1x128xf32> to vector<2000x128xf32>
    %mul3A_24 = arith.mulf %mul3A_20, %mul3A_23 : vector<2000x128xf32>
    %get3A_25 = arith.constant 0 : index
    %get3A_26 = arith.constant 0 : index
    %get3A_27 = vector.load %arg4[%get3A_25, %get3A_26] : memref<1x128xf32, #tpu.memory_space<vmem>>, vector<1x128xf32>
    %add3A_28 = vector.broadcast %get3A_27 : vector<1x128xf32> to vector<2000x128xf32>
    %add3A_29 = arith.addf %mul3A_24, %add3A_28 : vector<2000x128xf32>
    %max3A = arith.constant 0.000000e+00 : f32
    %max3A_30 = vector.broadcast %max3A : f32 to vector<2000x128xf32>
    %max3A_31 = arith.maximumf %add3A_29, %max3A_30 : vector<2000x128xf32>
    %get3A_32 = arith.constant 0 : index
    %get3A_33 = arith.constant 0 : index
    %get3A_34 = vector.load %arg5[%get3A_32, %get3A_33] : memref<2000x128xf32, #tpu.memory_space<vmem>>, vector<2000x128xf32>
    %add3A_35 = arith.addf %max3A_31, %get3A_34 : vector<2000x128xf32>
    %swap3A = arith.constant 0 : index
    %swap3A_36 = arith.constant 0 : index
    %swap3A_37 = vector.load %arg6[%swap3A, %swap3A_36] : memref<2000x128xf32, #tpu.memory_space<vmem>>, vector<2000x128xf32>
    tpu.vector_store %arg6[%swap3A, %swap3A_36], %add3A_35 {strides = array<i32>} : memref<2000x128xf32, #tpu.memory_space<vmem>>, vector<2000x128xf32>,
    return
  }
  func.func @transform_0(%arg0: i32) -> (i32, i32) {
    %c0_i32 = arith.constant 0 : i32
    %c0_i32_0 = arith.constant 0 : i32
    return %arg0, %c0_i32 : i32, i32
  }
  func.func @transform_1(%arg0: i32) -> (i32, i32) {
    %c0_i32 = arith.constant 0 : i32
    %c0_i32_0 = arith.constant 0 : i32
    %c0_i32_1 = arith.constant 0 : i32
    return %c0_i32, %c0_i32_0 : i32, i32
  }
  func.func @transform_2(%arg0: i32) -> (i32, i32) {
    %c0_i32 = arith.constant 0 : i32
    %c0_i32_0 = arith.constant 0 : i32
    %c0_i32_1 = arith.constant 0 : i32
    return %c0_i32, %c0_i32_0 : i32, i32
  }
  func.func @transform_3(%arg0: i32) -> (i32, i32) {
    %c0_i32 = arith.constant 0 : i32
    %c0_i32_0 = arith.constant 0 : i32
    %c0_i32_1 = arith.constant 0 : i32
    return %c0_i32, %c0_i32_0 : i32, i32
  }
  func.func @transform_4(%arg0: i32) -> (i32, i32) {
    %c0_i32 = arith.constant 0 : i32
    %c0_i32_0 = arith.constant 0 : i32
    return %arg0, %c0_i32 : i32, i32
  }
  func.func @transform_5(%arg0: i32) -> (i32, i32) {
    %c0_i32 = arith.constant 0 : i32
    %c0_i32_0 = arith.constant 0 : i32
    return %arg0, %c0_i32 : i32, i32
  }
}

</mosaic_0001>

<sc_bundles>
// kernel: kernel.10.cloned.1.call-start
scs
__scs_entry_jumppad:
0x0: {  	(pc) =	sbr.rel $0x88, $3  }
0x1: {  	(tag) =	ssettag $0x0;
	lr =	simm.s32 $0x1  }
0x2: {  	[smem:$0x3F9B] =	sst lr;
	_ =	strace $0xD0000000  }
0x3: {  	_ = 	snop  }
0x4: {  	_ = 	snop  }
0x5: {  	_ = 	snop  }
0x6: {  	_ = 	snop  }
0x7: {  	_ = 	snop  }
__scs_overlays_trampoline_lowered:
0x8: {  	[smem:$0x3FAA] =	sst s0  }
0x9: {  	[smem:$0x3FAB] =	sst s1  }
0xa: {  	[smem:$0x3FAC] =	sst s2  }
0xb: {  	[smem:$0x3FAD] =	sst s3  }
0xc: {  	[smem:$0x3FAE] =	sst s4  }
0xd: {  	[smem:$0x3FAF] =	sst s5  }
0xe: {  	[smem:$0x3FB0] =	sst s6  }
0xf: {  	[smem:$0x3FB1] =	sst s7  }
0x10: {  	[smem:$0x3FB2] =	sst s8  }
0x11: {  	[smem:$0x3FB3] =	sst s9;
	s0 =	simm.s32 @!p0 $0x0  }
0x12: {  	s1 =	sld [smem:$0x3F99];
	s0 =	simm.s32 @p0 $0x1  }
0x13: {  	[smem:$0x3FB4] =	sst s0;
	s0 =	simm.s32 @!p1 $0x0  }
0x14: {  	s2 =	sld [smem:$0x3F98];
	s0 =	simm.s32 @p1 $0x1  }
0x15: {  	[smem:$0x3FB5] =	sst s0;
	s0 =	simm.s32 @!p2 $0x0  }
0x16: {  	s3 =	sld [smem:$0x3FDB];
	s0 =	simm.s32 @p2 $0x1  }
0x17: {  	s4 =	simm.s32 $0x1BF5;
	[smem:$0x3FB7] =	sst s0  }
0x18: {  	s0 =	sld [smem:$0x3F9A];
	_ =	swait.ge [sflag:s4], $0x0  }
0x19: {  	s7 =	sld [smem:$0x3F9B]  }
0x1a: {  	s8 =	sadd.s32 $0xFFFFE003, lr  }
0x1b: {  	s9 =	sadd.s32 $0xFFFFFEF7, lr;
	s5 =	simm.s32 $0xFFFFFFFF;
	p2 =	slt.u32 s8, $0xFFFFF086  }
0x1c: {  	p1 =	slt.u32 s9, $0xF7A;
	s5 =	simm.s32 @!p2 $0x0  }
0x1d: {  	s5 =	simm.s32 @p1 $0x1;
	p0 =	seq.s32 s7, s2  }
0x1e: {  	s7 =	smul.u32 @!p0 $0xF7A, s2;
	p2 =	seq.s32 @!p0 s5, $0x0  }
0x1f: {  	s9 =	smul.u32 $0xF7A, s1;
	s8 =	simm.s32 @!p0 $0x1BF5;
	p2 =	por !p2, p0  }
0x20: {  	[sflag:s8] =	ssyncset.s32 @!p0 $0xFFFFF086;
	s6 =	sadd.s32 @!p0 s3, s7;
	s7 =	simm.s32 @!p0 $0x108  }
0x21: {  	s3 =	sadd.s32 s3, s9;
	s6 =	sadd.s32 @!p0 $0x88, s6;
	s7 =	simm.s32 @p2 $0x1082  }
0x22: {  	[simem:s7], [sflag:s8] =	dma.local @!p0 [hbm:s6], $0xF7A  }
0x23: {  	s9 =	sor.u32 $0xD0000000, s2;
	s6 =	simm.s32 $0x108;
	_ =	swait.ge @!p0 [sflag:s8], $0x0  }
0x24: {  	s3 =	sadd.s32 $0x88, s3;
	s6 =	simm.s32 @!p1 $0x1082;
	[sflag:s4] =	ssyncset.s32 $0xFFFFF086  }
0x25: {  	[simem:s6], [sflag:s4] =	dma.local [hbm:s3], $0xF7A  }
0x26: {  	[smem:$0x3F9B] =	sst s1;
	(tag) =	ssettag s2;
	_ =	strace s9  }
0x27: {  	s1 =	sld [smem:$0x3FAB]  }
0x28: {  	s2 =	sld [smem:$0x3FAC]  }
0x29: {  	s4 =	sld [smem:$0x3FAE]  }
0x2a: {  	p0 =	seq.s32 s5, $0x0;
	s5 =	sld [smem:$0x3FAF]  }
0x2b: {  	s6 =	sld [smem:$0x3FB0]  }
0x2c: {  	s7 =	sld [smem:$0x3FB1]  }
0x2d: {  	s3 =	simm.s32 $0x108;
	s8 =	sld [smem:$0x3FB2]  }
0x2e: {  	s3 =	simm.s32 @!p0 $0x1082;
	s9 =	sld [smem:$0x3FB3]  }
0x2f: {  	lr =	sadd.s32 s0, s3;
	s0 =	sld [smem:$0x3FAA]  }
0x30: {  	s3 =	sld [smem:$0x3FAD]  }
0x31: {  	[smem:$0x3FB6] =	sst s10  }
0x32: {  	s10 =	sld [smem:$0x3FB4];
	_ =	sdelay $0x3  }
0x33: {  	p0 =	seq.s32 s10, $0x1;
	s10 =	sld [smem:$0x3FB6];
	_ =	sdelay $0x3  }
0x34: {  	[smem:$0x3FB6] =	sst s10  }
0x35: {  	s10 =	sld [smem:$0x3FB5];
	_ =	sdelay $0x3  }
0x36: {  	p1 =	seq.s32 s10, $0x1;
	s10 =	sld [smem:$0x3FB6];
	_ =	sdelay $0x3  }
0x37: {  	[smem:$0x3FB6] =	sst s10  }
0x38: {  	s10 =	sld [smem:$0x3FB7]  }
0x39: {  	_ = 	snop;
	(pc) =	sbr.ind lr, $3  }
0x3a: {  	_ = 	snop  }
0x3b: {  	_ = 	snop  }
0x3c: {  	p2 =	seq.s32 s10, $0x1;
	s10 =	sld [smem:$0x3FB6]  }
0x3d: {  	_ =	shalt  }
0x3e: {  	_ =	shalt  }
0x3f: {  	_ =	shalt  }
0x40: {  	_ =	shalt  }
0x41: {  	_ =	shalt  }
0x42: {  	_ =	shalt  }
0x43: {  	_ =	shalt  }
0x44: {  	_ =	shalt  }
0x45: {  	_ =	shalt  }
0x46: {  	_ =	shalt  }
0x47: {  	_ =	shalt  }
0x48: {  	_ =	shalt  }
0x49: {  	_ =	shalt  }
0x4a: {  	_ =	shalt  }
0x4b: {  	_ =	shalt  }
0x4c: {  	_ =	shalt  }
0x4d: {  	_ =	shalt  }
0x4e: {  	_ =	shalt  }
0x4f: {  	_ =	shalt  }
0x50: {  	_ =	shalt  }
0x51: {  	_ =	shalt  }
0x52: {  	_ =	shalt  }
0x53: {  	_ =	shalt  }
0x54: {  	_ =	shalt  }
0x55: {  	_ =	shalt  }
0x56: {  	_ =	shalt  }
0x57: {  	_ =	shalt  }
0x58: {  	_ =	shalt  }
0x59: {  	_ =	shalt  }
0x5a: {  	_ =	shalt  }
0x5b: {  	_ =	shalt  }
0x5c: {  	_ =	shalt  }
0x5d: {  	_ =	shalt  }
0x5e: {  	_ =	shalt  }
0x5f: {  	_ =	shalt  }
0x60: {  	_ =	shalt  }
0x61: {  	_ =	shalt  }
0x62: {  	_ =	shalt  }
0x63: {  	_ =	shalt  }
0x64: {  	_ =	shalt  }
0x65: {  	_ =	shalt  }
0x66: {  	_ =	shalt  }
0x67: {  	_ =	shalt  }
0x68: {  	_ =	shalt  }
0x69: {  	_ =	shalt  }
0x6a: {  	_ =	shalt  }
0x6b: {  	_ =	shalt  }
0x6c: {  	_ =	shalt  }
0x6d: {  	_ =	shalt  }
0x6e: {  	_ =	shalt  }
0x6f: {  	_ =	shalt  }
0x70: {  	_ =	shalt  }
0x71: {  	_ =	shalt  }
0x72: {  	_ =	shalt  }
0x73: {  	_ =	shalt  }
0x74: {  	_ =	shalt  }
0x75: {  	_ =	shalt  }
0x76: {  	_ =	shalt  }
0x77: {  	_ =	shalt  }
0x78: {  	_ =	shalt  }
0x79: {  	_ =	shalt  }
0x7a: {  	_ =	shalt  }
0x7b: {  	_ =	shalt  }
0x7c: {  	_ =	shalt  }
0x7d: {  	_ =	shalt  }
0x7e: {  	_ =	shalt  }
0x7f: {  	_ =	shalt  }
0x80: {  	_ =	shalt  }
0x81: {  	_ =	shalt  }
0x82: {  	_ =	shalt  }
0x83: {  	_ =	shalt  }
0x84: {  	_ =	shalt  }
0x85: {  	_ =	shalt  }
0x86: {  	_ =	shalt  }
0x87: {  	_ =	shalt  }
.Lfunc_end0:
.L_simem_size_0:
called_computation.1_lowered:
.L_overlay_start_0:
0x88: {  	s2 =	sld [smem:$0x3FD9]  }
0x89: {  	s3 =	sld [smem:$0x3FFE];
	_ =	sdelay $0x1  }
0x8a: {  	s1 =	srdreg.scid  }
0x8b: {  	s0 =	sand.u32 $0x1, s1  }
0x8c: {  	s17 =	sshll.u32 s0, $0xA;
	s2 =	sadd.s32 s3, s2  }
0x8d: {  	s2 =	sadd.s32 s2, s17  }
0x8e: {  	[smem:$0x3FC2] =	sst s2  }
0x8f: {  	_ = 	snop  }
0x90: {  	s2 =	sld [smem:$0x3FD0];
	(tm) =	ssettm $0x1  }
0x91: {  	s18 =	sld [smem:$0x3FFB];
	_ =	sdelay $0x3  }
0x92: {  	_ =	strace s18  }
0x93: {  	s3 =	sld [smem:$0x3FFC];
	_ =	sdelay $0x3  }
0x94: {  	_ =	strace s3  }
0x95: {  	s3 =	sld [smem:$0x3FFD];
	_ =	sdelay $0x3  }
0x96: {  	_ =	strace s3  }
0x97: {  	_ =	strace $0x8FFFFFFF  }
0x98: {  	s19 =	sld [smem:$0x3FDB];
	_ =	sdelay $0x1  }
0x99: {  	s4 =	simm.s32 $_scs_section_size  }
0x9a: {  	s5 =	simm.s32 $_size__tile_overlayer_lowered;
	s6 =	simm.s32 $_tile_overlayer_lowered  }
0x9b: {  	s22 =	simm.s32 $0x1BFF;
	s21 =	sshll.u32 s6, $0x1;
	s3 =	sadd.s32 s4, s19  }
0x9c: {  	s7 =	simm.s32 $0x0;
	s20 =	sshll.u32 s5, $0x1;
	s5 =	sadd.s32 s21, s3  }
0x9d: {  	[timem:s7], [sflag:s22] =	dma.local [hbm:s5], s20  }
0x9e: {  	_ =	swait.ge [sflag:s22], s20  }
0x9f: {  	s4 =	ssub.s32 $0x0, s20;
	[sflag:s22] =	ssyncset.done $0x0  }
0xa0: {  	[sflag:s22] =	ssyncadd.s32 s4;
	_ =	sdelay $0x1  }
0xa1: {  	s23 =	simm.s32 $0x1B8B  }
0xa2: {  	_ =	swait.ge [sflag:s23], $0x1  }
0xa3: {  	[sflag:s23] =	ssyncset.done $0x0  }
0xa4: {  	s25 =	simm.s32 $0x1B8E;
	s24 =	sld [smem:$0x3FFE];
	[sflag:s23] =	ssyncadd.s32 $0xFFFFFFFF  }
0xa5: {  	s26 =	simm.s32 $execute0_lowered;
	[smem:$0x3FD2] =	sst s25  }
0xa6: {  	s5 =	sshll.u32 s26, $0x1;
	_ =	strace $0x80000049;
	[dreg:$0x1] =	wrdreg $0xFFFFFFFF  }
0xa7: {  	s28 =	simm.s32 $_size_execute0_lowered;
	s3 =	sadd.s32 s3, s5;
	[dreg:$0x0] =	wrdreg $0x0  }
0xa8: {  	s5 =	sshll.u32 s28, $0x1;
	[dreg:$0x2] =	wrdreg s3  }
0xa9: {  	[dreg:$0x3] =	wrdreg s5  }
0xaa: {  	[dreg:$0x4] =	wrdreg $0xC0  }
0xab: {  	_ =	task [dreg:s7], $0x5FFFF  }
0xac: {  	[dreg:$0x1] =	wrdreg $0xFFFFFFFF  }
0xad: {  	[dreg:$0x0] =	wrdreg $0x60  }
0xae: {  	[dreg:$0x2] =	wrdreg s24  }
0xaf: {  	[dreg:$0x3] =	wrdreg s2  }
0xb0: {  	[dreg:$0x4] =	wrdreg $0x14F800  }
0xb1: {  	[dreg:$0x5] =	wrdreg $0x9  }
0xb2: {  	_ =	task.clear_ibuf [dreg:s7], $0x6FFFF;
	_ =	strace $0x90000049  }
0xb3: {  	s29 =	simm.s32 $0x9;
	_ =	strace $0x8000004B  }
0xb4: {  	_ =	swait.ge [sflag:s29], $0x1  }
0xb5: {  	[sflag:s29] =	ssyncadd.s32 $0xFFFFFFFF  }
0xb6: {  	_ =	strace $0x9000004B  }
0xb7: {  	_ =	sfence  }
0xb8: {  	s30 =	sld [smem:$0x0];
	_ =	sdelay $0x2  }
0xb9: {  	s31 =	sshll.u32 s1, $0xD;
	s1 =	sshrl.u32 s1, $0x2  }
0xba: {  	s3 =	sand.u32 $0x4000, s31;
	s1 =	sadd.s32 s1, s30  }
0xbb: {  	s0 =	sor.u32 s3, s0;
	s1 =	sshll.u32 s1, $0x11  }
0xbc: {  	s0 =	sor.u32 s1, s0  }
0xbd: {  	s0 =	sadd.s32 $0x8F2B, s0  }
0xbe: {  	[sflag:s0] =	ssyncadd.remote.s32 $0x1  }
0xbf: {  	_ =	sfence.sel $0xFFFF  }
0xc0: {  	[dreg:$0x0] =	wrdreg $0xFFFFFFFF;
	(pc) =	sbr.abs _section_cstart, $3  }
0xc1: {  	[dreg:$0x1] =	wrdreg $0xFFFFFFFF  }
0xc2: {  	_ =	task.clear_ibuf [dreg:s7], $0x2FFFF;
	_ =	strace $0x9FFFFFFF  }
0xc3: {  	(tm) =	ssettm $0x7FFFFFFF  }
tec
execute0_lowered:
.L_overlay_start_1:
0x0: {  	(tag) =	ssettag $0x1  }
0x1: {  	s0 =	rddreg [dreg:$0x0]  }
0x2: {  	s1 =	rddreg [dreg:$0x1]  }
0x3: {  	s2 =	rddreg [dreg:$0x2]  }
0x4: {  	s3 =	simm.s32 $0x0;
	s10 =	stileid.u32;
	s4 =	srdreg.scid  }
0x5: {  	s28 =	simm.s32 $0x2;
	s29 =	simm.s32 $0x3;
	s30 =	simm.s32 $0x4  }
0x6: {  	s31 =	simm.s32 $0x5;
	[smem:$0x7FF] =	sst s3;
	s5 =	smul.u32 $0x9F8, s10  }
0x7: {  	s6 =	sand.u32 $0x1, s4;
	s4 =	sadd.s32 $0x6FC00, s0;
	s8 =	sadd.s32 $0x1800, s0  }
0x8: {  	s12 =	smul.u32 $0xA000, s10;
	_ =	strace $0x8000004A;
	s7 =	sshll.u32 s6, $0x4  }
0x9: {  	[dreg:$0x4] =	wrdreg s8;
	s18 =	ssub.s32 $0x2, s6;
	s21 =	smul.u32 $0xA0000, s6  }
0xa: {  	s5 =	sadd.s32 s5, s0;
	s7 =	sor.u32 s10, s7;
	s0 =	sadd.s32 $0x1FC00, s0  }
0xb: {  	s9 =	sshrl.u32 s18, $0x1;
	s8 =	sadd.s32 s12, s2;
	s20 =	sadd.s32 $0x2000, s12  }
0xc: {  	s22 =	sadd.s32 $0x4000, s12;
	s23 =	sadd.s32 $0x6000, s12;
	s15 =	sadd.s32 $0x8000, s12  }
0xd: {  	s7 =	smul.u32 $0x9F8, s7;
	s13 =	ssub.s32 s18, s9;
	s19 =	sadd.s32 $0x15C00, s5  }
0xe: {  	s9 =	sadd.s32 s20, s2;
	s10 =	sadd.s32 s22, s2;
	s11 =	sadd.s32 s23, s2  }
0xf: {  	s14 =	sadd.s32 s12, s21;
	s12 =	sadd.s32 s15, s2;
	s24 =	sadd.s32 s21, s22  }
0x10: {  	s25 =	sadd.s32 s21, s23;
	s5 =	sadd.s32 s21, s15;
	s22 =	simm.s32 $0xB0  }
0x11: {  	s23 =	simm.s32 $0xCB80;
	[dreg:$0x6] =	wrdreg s19;
	s14 =	sshrl.u32 s14, $0x3  }
0x12: {  	s6 =	sshrl.u32 s25, $0x3;
	s26 =	sshrl.u32 s5, $0x3;
	s18 =	smax.u32 s13, $0x1  }
0x13: {  	s19 =	simm.s32 $0x9;
	s25 =	simm.s32 $0x12380;
	s5 =	simm.s32 $0x0  }
0x14: {  	s1 =	sadd.s32 s1, s7;
	s14 =	sadd.s32 s0, s14;
	s16 =	sadd.s32 s0, s6  }
0x15: {  	s17 =	sadd.s32 s0, s26;
	[dreg:$0x5] =	wrdreg s1;
	s1 =	sadd.s32 s21, s20  }
0x16: {  	s26 =	simm.s32 $0x1;
	[dreg:$0x7] =	wrdreg s14;
	s1 =	sshrl.u32 s1, $0x3  }
0x17: {  	s21 =	simm.s32 $0x9F80;
	s20 =	simm.s32 $0x8;
	s1 =	sadd.s32 s0, s1  }
0x18: {  	[dreg:$0x8] =	wrdreg s1;
	s1 =	sshrl.u32 s24, $0x3;
	s24 =	simm.s32 $0xF780  }
0x19: {  	s15 =	sadd.s32 s0, s1;
	s0 =	simm.s32 $0x6;
	s1 =	simm.s32 $0x7  }
.LBB2_1:
0x1a: {  	s6 =	rddreg [dreg:$0x5]  }
0x1b: {  	[tilespmem:s3], [sflag:$0x9] =	stream.linear.gather [hbm4b:s6+s3], $0x4FC0, $0x38;
	[tilespmem:$0x1EF80] =	vst v63  }
0x1c: {  	_ =	swait.ge [sflag:s19], $0x4FC0  }
0x1d: {  	[sflag:s19] =	ssyncset.done $0x0  }
0x1e: {  	s7 =	simm.s32 $0x4FC0;
	s14 =	rddreg [dreg:$0x6];
	[sflag:s19] =	ssyncadd.s32 $0xFFFFB040  }
0x1f: {  	[tilespmem:s7], [sflag:$0x9] =	stream.linear.gather [hbm4b:s14+s3], $0x4FC0, $0x38;
	[tilespmem:$0x1EF80] =	vst v63  }
0x20: {  	_ =	swait.ge [sflag:s19], $0x4FC0  }
0x21: {  	[sflag:s19] =	ssyncset.done $0x0  }
0x22: {  	s7 =	rddreg [dreg:$0x4];
	[sflag:s19] =	ssyncadd.s32 $0xFFFFB040  }
0x23: {  	[tilespmem:s21], [sflag:$0x9] =	stream.linear.gather [hbm4b:s7+s3], $0x2C00, $0x38;
	[tilespmem:$0x1EF80] =	vst v63  }
0x24: {  	_ =	swait.ge [sflag:s19], $0x2C00  }
0x25: {  	[sflag:s19] =	ssyncset.done $0x0  }
0x26: {  	[sflag:s19] =	ssyncadd.s32 $0xFFFFD400  }
0x27: {  	[spmem:s8] =	stream.linear.scatter [tilespmem:s21], [sflag:$0x9], $0x2000, $0x38;
	[tilespmem:$0x1EF80] =	vst v63  }
0x28: {  	_ =	swait.ge [sflag:s19], $0x2000  }
0x29: {  	[sflag:s19] =	ssyncset.done $0x0  }
0x2a: {  	[sflag:s19] =	ssyncadd.s32 $0xFFFFE000  }
0x2b: {  	[spmem:s9] =	stream.linear.scatter [tilespmem:s21], [sflag:$0x9], $0x2000, $0x38;
	[tilespmem:$0x1EF80] =	vst v63  }
0x2c: {  	_ =	swait.ge [sflag:s19], $0x2000  }
0x2d: {  	[sflag:s19] =	ssyncset.done $0x0  }
0x2e: {  	[sflag:s19] =	ssyncadd.s32 $0xFFFFE000  }
0x2f: {  	[spmem:s10] =	stream.linear.scatter [tilespmem:s21], [sflag:$0x9], $0x2000, $0x38;
	[tilespmem:$0x1EF80] =	vst v63  }
0x30: {  	_ =	swait.ge [sflag:s19], $0x2000  }
0x31: {  	[sflag:s19] =	ssyncset.done $0x0  }
0x32: {  	[sflag:s19] =	ssyncadd.s32 $0xFFFFE000  }
0x33: {  	[spmem:s11] =	stream.linear.scatter [tilespmem:s21], [sflag:$0x9], $0x2000, $0x38;
	[tilespmem:$0x1EF80] =	vst v63  }
0x34: {  	_ =	swait.ge [sflag:s19], $0x2000  }
0x35: {  	[sflag:s19] =	ssyncset.done $0x0  }
0x36: {  	[sflag:s19] =	ssyncadd.s32 $0xFFFFE000  }
0x37: {  	[spmem:s12] =	stream.linear.scatter [tilespmem:s21], [sflag:$0x9], $0x2000, $0x38;
	[tilespmem:$0x1EF80] =	vst v63  }
0x38: {  	_ =	swait.ge [sflag:s19], $0x2000  }
0x39: {  	[sflag:s19] =	ssyncset.done $0x0  }
0x3a: {  	[sflag:s19] =	ssyncadd.s32 $0xFFFFE000  }
0x3b: {  	s13 =	simm.s32 $0x0;
	[bflag:$0x0] =	sbarrier.arrive $0xFFFF  }
0x3c: {  	[tilespmem:s21], [sflag:$0x1] =	stream.indirect.gather [hbm4b:s4+s22], $0x40, s13, s22, $0xb8;
	[tilespmem:$0x1EF80] =	vst v63  }
0x3d: {  	s14 =	simm.s32 $0xB0  }
0x3e: {  	[tilespmem:s23], [sflag:$0x2] =	stream.indirect.gather [hbm4b:s4+s22], $0x40, s14, s22, $0xb8;
	[tilespmem:$0x1EF80] =	vst v63  }
0x3f: {  	s7 =	simm.s32 $0x160  }
0x40: {  	[tilespmem:s24], [sflag:$0x3] =	stream.indirect.gather [hbm4b:s4+s22], $0x40, s7, s22, $0xb8;
	[tilespmem:$0x1EF80] =	vst v63  }
0x41: {  	s13 =	simm.s32 $0x210  }
0x42: {  	[tilespmem:s25], [sflag:$0x4] =	stream.indirect.gather [hbm4b:s4+s22], $0x40, s13, s22, $0xb8;
	[tilespmem:$0x1EF80] =	vst v63  }
0x43: {  	_ =	swait.ge [sflag:s26], $0x2C00  }
0x44: {  	[sflag:s26] =	ssyncset.done $0x0  }
0x45: {  	s14 =	simm.s32 $0x4FC0;
	[sflag:s26] =	ssyncadd.s32 $0xFFFFD400  }
0x46: {  	[spmem:s2] =	stream.indirect.scatter.add.f32 [tilespmem:s21], [sflag:$0x5], $0x40, s14, s22, $0xb8;
	[tilespmem:$0x1EF80] =	vst v63  }
0x47: {  	_ =	swait.ge [sflag:s28], $0x2C00  }
0x48: {  	[sflag:s28] =	ssyncset.done $0x0  }
0x49: {  	s7 =	simm.s32 $0x5070;
	[sflag:s28] =	ssyncadd.s32 $0xFFFFD400  }
0x4a: {  	[spmem:s2] =	stream.indirect.scatter.add.f32 [tilespmem:s23], [sflag:$0x6], $0x40, s7, s22, $0xb8;
	[tilespmem:$0x1EF80] =	vst v63  }
0x4b: {  	_ =	swait.ge [sflag:s29], $0x2C00  }
0x4c: {  	[sflag:s29] =	ssyncset.done $0x0  }
0x4d: {  	s13 =	simm.s32 $0x5120;
	[sflag:s29] =	ssyncadd.s32 $0xFFFFD400  }
0x4e: {  	[spmem:s2] =	stream.indirect.scatter.add.f32 [tilespmem:s24], [sflag:$0x7], $0x40, s13, s22, $0xb8;
	[tilespmem:$0x1EF80] =	vst v63  }
0x4f: {  	_ =	swait.ge [sflag:s30], $0x2C00  }
0x50: {  	[sflag:s30] =	ssyncset.done $0x0  }
0x51: {  	s14 =	simm.s32 $0x51D0;
	[sflag:s30] =	ssyncadd.s32 $0xFFFFD400  }
0x52: {  	[spmem:s2] =	stream.indirect.scatter.add.f32 [tilespmem:s25], [sflag:$0x8], $0x40, s14, s22, $0xb8;
	[tilespmem:$0x1EF80] =	vst v63  }
0x53: {  	_ =	swait.ge [sflag:s31], $0x2C00  }
0x54: {  	[sflag:s31] =	ssyncset.done $0x0  }
0x55: {  	[sflag:s31] =	ssyncadd.s32 $0xFFFFD400  }
0x56: {  	_ =	swait.ge [sflag:s0], $0x2C00  }
0x57: {  	[sflag:s0] =	ssyncset.done $0x0  }
0x58: {  	[sflag:s0] =	ssyncadd.s32 $0xFFFFD400  }
0x59: {  	_ =	swait.ge [sflag:s1], $0x2C00  }
0x5a: {  	[sflag:s1] =	ssyncset.done $0x0  }
0x5b: {  	[sflag:s1] =	ssyncadd.s32 $0xFFFFD400  }
0x5c: {  	_ =	swait.ge [sflag:s20], $0x2C00  }
0x5d: {  	s6 =	simm.s32 $0xB00;
	s7 =	simm.s32 $0x1600;
	[sflag:s20] =	ssyncset.done $0x0  }
.LBB2_2:
0x5e: {  	s14 =	sshra.s32 s6, $0x2  }
0x5f: {  	[sflag:s20] =	ssyncadd.s32 $0xFFFFD400;
	s6 =	smov.u32 s7;
	s13 =	sadd.s32 $0xB00, s7  }
0x60: {  	[tilespmem:s21], [sflag:$0x1] =	stream.indirect.gather [hbm4b:s4+s22], $0x40, s14, s22, $0xb8;
	[tilespmem:$0x1EF80] =	vst v63  }
0x61: {  	p0 =	sne.s32 s7, $0x13400;
	s7 =	sadd.s32 $0xB0, s14  }
0x62: {  	[tilespmem:s23], [sflag:$0x2] =	stream.indirect.gather [hbm4b:s4+s22], $0x40, s7, s22, $0xb8;
	[tilespmem:$0x1EF80] =	vst v63  }
0x63: {  	s7 =	sadd.s32 $0x160, s14  }
0x64: {  	[tilespmem:s24], [sflag:$0x3] =	stream.indirect.gather [hbm4b:s4+s22], $0x40, s7, s22, $0xb8;
	[tilespmem:$0x1EF80] =	vst v63  }
0x65: {  	s7 =	sadd.s32 $0x210, s14  }
0x66: {  	[tilespmem:s25], [sflag:$0x4] =	stream.indirect.gather [hbm4b:s4+s22], $0x40, s7, s22, $0xb8;
	[tilespmem:$0x1EF80] =	vst v63  }
0x67: {  	_ =	swait.ge [sflag:s26], $0x2C00  }
0x68: {  	[sflag:s26] =	ssyncset.done $0x0  }
0x69: {  	s7 =	sadd.s32 $0x4FC0, s14;
	[sflag:s26] =	ssyncadd.s32 $0xFFFFD400  }
0x6a: {  	[spmem:s2] =	stream.indirect.scatter.add.f32 [tilespmem:s21], [sflag:$0x5], $0x40, s7, s22, $0xb8;
	[tilespmem:$0x1EF80] =	vst v63  }
0x6b: {  	_ =	swait.ge [sflag:s28], $0x2C00  }
0x6c: {  	[sflag:s28] =	ssyncset.done $0x0  }
0x6d: {  	s7 =	sadd.s32 $0x5070, s14;
	[sflag:s28] =	ssyncadd.s32 $0xFFFFD400  }
0x6e: {  	[spmem:s2] =	stream.indirect.scatter.add.f32 [tilespmem:s23], [sflag:$0x6], $0x40, s7, s22, $0xb8;
	[tilespmem:$0x1EF80] =	vst v63  }
0x6f: {  	_ =	swait.ge [sflag:s29], $0x2C00  }
0x70: {  	[sflag:s29] =	ssyncset.done $0x0  }
0x71: {  	s7 =	sadd.s32 $0x5120, s14;
	[sflag:s29] =	ssyncadd.s32 $0xFFFFD400  }
0x72: {  	[spmem:s2] =	stream.indirect.scatter.add.f32 [tilespmem:s24], [sflag:$0x7], $0x40, s7, s22, $0xb8;
	[tilespmem:$0x1EF80] =	vst v63  }
0x73: {  	_ =	swait.ge [sflag:s30], $0x2C00  }
0x74: {  	[sflag:s30] =	ssyncset.done $0x0  }
0x75: {  	s7 =	sadd.s32 $0x51D0, s14;
	[sflag:s30] =	ssyncadd.s32 $0xFFFFD400  }
0x76: {  	[spmem:s2] =	stream.indirect.scatter.add.f32 [tilespmem:s25], [sflag:$0x8], $0x40, s7, s22, $0xb8;
	[tilespmem:$0x1EF80] =	vst v63  }
0x77: {  	_ =	swait.ge [sflag:s31], $0x2C00  }
0x78: {  	[sflag:s31] =	ssyncset.done $0x0  }
0x79: {  	[sflag:s31] =	ssyncadd.s32 $0xFFFFD400  }
0x7a: {  	_ =	swait.ge [sflag:s0], $0x2C00  }
0x7b: {  	[sflag:s0] =	ssyncset.done $0x0  }
0x7c: {  	[sflag:s0] =	ssyncadd.s32 $0xFFFFD400  }
.Ltmp0:
0x7d: {  	_ =	swait.ge [sflag:s1], $0x2C00;
	(pc) =	sbr.rel @p0 .LBB2_2-.Ltmp0, $4  }
0x7e: {  	[sflag:s1] =	ssyncset.done $0x0  }
0x7f: {  	[sflag:s1] =	ssyncadd.s32 $0xFFFFD400  }
0x80: {  	_ =	swait.ge [sflag:s20], $0x2C00  }
0x81: {  	s7 =	smov.u32 s13;
	[sflag:s20] =	ssyncset.done $0x0  }
0x82: {  	s6 =	sshra.s32 s6, $0x2;
	[sflag:s20] =	ssyncadd.s32 $0xFFFFD400  }
0x83: {  	[tilespmem:s21], [sflag:$0x1] =	stream.indirect.gather [hbm4b:s4+s22], $0x40, s6, s22, $0xb8;
	[tilespmem:$0x1EF80] =	vst v63  }
0x84: {  	s7 =	sadd.s32 $0xB0, s6  }
0x85: {  	[tilespmem:s23], [sflag:$0x2] =	stream.indirect.gather [hbm4b:s4+s22], $0x40, s7, s22, $0xb8;
	[tilespmem:$0x1EF80] =	vst v63  }
0x86: {  	s14 =	sadd.s32 $0x160, s6  }
0x87: {  	[tilespmem:s24], [sflag:$0x3] =	stream.indirect.gather [hbm4b:s4+s22], $0x40, s14, s22, $0xb8;
	[tilespmem:$0x1EF80] =	vst v63  }
0x88: {  	s13 =	sadd.s32 $0x210, s6  }
0x89: {  	[tilespmem:s25], [sflag:$0x4] =	stream.indirect.gather [hbm4b:s4+s22], $0x40, s13, s22, $0xb8;
	[tilespmem:$0x1EF80] =	vst v63  }
0x8a: {  	_ =	swait.ge [sflag:s26], $0x2C00  }
0x8b: {  	[sflag:s26] =	ssyncset.done $0x0  }
0x8c: {  	s14 =	sadd.s32 $0x4FC0, s6;
	[sflag:s26] =	ssyncadd.s32 $0xFFFFD400  }
0x8d: {  	[spmem:s2] =	stream.indirect.scatter.add.f32 [tilespmem:s21], [sflag:$0x5], $0x40, s14, s22, $0xb8;
	[tilespmem:$0x1EF80] =	vst v63  }
0x8e: {  	_ =	swait.ge [sflag:s28], $0x2C00  }
0x8f: {  	[sflag:s28] =	ssyncset.done $0x0  }
0x90: {  	s13 =	sadd.s32 $0x5070, s6;
	[sflag:s28] =	ssyncadd.s32 $0xFFFFD400  }
0x91: {  	[spmem:s2] =	stream.indirect.scatter.add.f32 [tilespmem:s23], [sflag:$0x6], $0x40, s13, s22, $0xb8;
	[tilespmem:$0x1EF80] =	vst v63  }
0x92: {  	_ =	swait.ge [sflag:s29], $0x2C00  }
0x93: {  	[sflag:s29] =	ssyncset.done $0x0  }
0x94: {  	s14 =	sadd.s32 $0x5120, s6;
	[sflag:s29] =	ssyncadd.s32 $0xFFFFD400  }
0x95: {  	[spmem:s2] =	stream.indirect.scatter.add.f32 [tilespmem:s24], [sflag:$0x7], $0x40, s14, s22, $0xb8;
	[tilespmem:$0x1EF80] =	vst v63  }
0x96: {  	_ =	swait.ge [sflag:s30], $0x2C00  }
0x97: {  	[sflag:s30] =	ssyncset.done $0x0  }
0x98: {  	s6 =	sadd.s32 $0x51D0, s6;
	[sflag:s30] =	ssyncadd.s32 $0xFFFFD400  }
0x99: {  	[spmem:s2] =	stream.indirect.scatter.add.f32 [tilespmem:s25], [sflag:$0x8], $0x40, s6, s22, $0xb8;
	[tilespmem:$0x1EF80] =	vst v63  }
0x9a: {  	_ =	swait.ge [sflag:s31], $0x2C00  }
0x9b: {  	[sflag:s31] =	ssyncset.done $0x0  }
0x9c: {  	[sflag:s31] =	ssyncadd.s32 $0xFFFFD400  }
0x9d: {  	_ =	swait.ge [sflag:s0], $0x2C00  }
0x9e: {  	[sflag:s0] =	ssyncset.done $0x0  }
0x9f: {  	[sflag:s0] =	ssyncadd.s32 $0xFFFFD400  }
0xa0: {  	_ =	swait.ge [sflag:s1], $0x2C00  }
0xa1: {  	[sflag:s1] =	ssyncset.done $0x0  }
0xa2: {  	[sflag:s1] =	ssyncadd.s32 $0xFFFFD400  }
0xa3: {  	_ =	swait.ge [sflag:s20], $0x2C00  }
0xa4: {  	[sflag:s20] =	ssyncset.done $0x0  }
0xa5: {  	[sflag:s20] =	ssyncadd.s32 $0xFFFFD400  }
0xa6: {  	[bflag:$0x0] =	sbarrier.arrive $0xFFFF  }
0xa7: {  	[tilespmem:s21], [sflag:$0x9] =	stream.linear.gather [spmem:s8], $0x2000, $0x38;
	[tilespmem:$0x1EF80] =	vst v63  }
0xa8: {  	_ =	swait.ge [sflag:s19], $0x2000  }
0xa9: {  	[sflag:s19] =	ssyncset.done $0x0  }
0xaa: {  	s13 =	rddreg [dreg:$0x7];
	[sflag:s19] =	ssyncadd.s32 $0xFFFFE000  }
0xab: {  	[hbm4b:s13+s3] =	stream.linear.scatter [tilespmem:s21], [sflag:$0x9], $0x2000, $0x38;
	[tilespmem:$0x1EF80] =	vst v63  }
0xac: {  	_ =	swait.ge [sflag:s19], $0x2000  }
0xad: {  	[sflag:s19] =	ssyncset.done $0x0  }
0xae: {  	[sflag:s19] =	ssyncadd.s32 $0xFFFFE000  }
0xaf: {  	[tilespmem:s21], [sflag:$0x9] =	stream.linear.gather [spmem:s9], $0x2000, $0x38;
	[tilespmem:$0x1EF80] =	vst v63  }
0xb0: {  	_ =	swait.ge [sflag:s19], $0x2000  }
0xb1: {  	[sflag:s19] =	ssyncset.done $0x0  }
0xb2: {  	s14 =	rddreg [dreg:$0x8];
	[sflag:s19] =	ssyncadd.s32 $0xFFFFE000  }
0xb3: {  	[hbm4b:s14+s3] =	stream.linear.scatter [tilespmem:s21], [sflag:$0x9], $0x2000, $0x38;
	[tilespmem:$0x1EF80] =	vst v63  }
0xb4: {  	_ =	swait.ge [sflag:s19], $0x2000  }
0xb5: {  	[sflag:s19] =	ssyncset.done $0x0  }
0xb6: {  	[sflag:s19] =	ssyncadd.s32 $0xFFFFE000  }
0xb7: {  	[tilespmem:s21], [sflag:$0x9] =	stream.linear.gather [spmem:s10], $0x2000, $0x38;
	[tilespmem:$0x1EF80] =	vst v63  }
0xb8: {  	_ =	swait.ge [sflag:s19], $0x2000  }
0xb9: {  	[sflag:s19] =	ssyncset.done $0x0  }
0xba: {  	[sflag:s19] =	ssyncadd.s32 $0xFFFFE000  }
0xbb: {  	[hbm4b:s15+s3] =	stream.linear.scatter [tilespmem:s21], [sflag:$0x9], $0x2000, $0x38;
	[tilespmem:$0x1EF80] =	vst v63  }
0xbc: {  	_ =	swait.ge [sflag:s19], $0x2000  }
0xbd: {  	[sflag:s19] =	ssyncset.done $0x0  }
0xbe: {  	[sflag:s19] =	ssyncadd.s32 $0xFFFFE000  }
0xbf: {  	[tilespmem:s21], [sflag:$0x9] =	stream.linear.gather [spmem:s11], $0x2000, $0x38;
	[tilespmem:$0x1EF80] =	vst v63  }
0xc0: {  	_ =	swait.ge [sflag:s19], $0x2000  }
0xc1: {  	[sflag:s19] =	ssyncset.done $0x0  }
0xc2: {  	[sflag:s19] =	ssyncadd.s32 $0xFFFFE000  }
0xc3: {  	[hbm4b:s16+s3] =	stream.linear.scatter [tilespmem:s21], [sflag:$0x9], $0x2000, $0x38;
	[tilespmem:$0x1EF80] =	vst v63  }
0xc4: {  	_ =	swait.ge [sflag:s19], $0x2000  }
0xc5: {  	[sflag:s19] =	ssyncset.done $0x0  }
0xc6: {  	[sflag:s19] =	ssyncadd.s32 $0xFFFFE000  }
0xc7: {  	[tilespmem:s21], [sflag:$0x9] =	stream.linear.gather [spmem:s12], $0x2000, $0x38;
	[tilespmem:$0x1EF80] =	vst v63  }
0xc8: {  	s5 =	sadd.s32 $0x1, s5;
	_ =	swait.ge [sflag:s19], $0x2000  }
0xc9: {  	p0 =	sne.s32 s5, s18;
	[sflag:s19] =	ssyncset.done $0x0  }
.Ltmp1:
0xca: {  	[sflag:s19] =	ssyncadd.s32 $0xFFFFE000;
	(pc) =	sbr.rel @p0 .LBB2_1-.Ltmp1, $4  }
0xcb: {  	[hbm4b:s17+s3] =	stream.linear.scatter [tilespmem:s21], [sflag:$0x9], $0x2000, $0x38;
	[tilespmem:$0x1EF80] =	vst v63  }
0xcc: {  	_ =	swait.ge [sflag:s19], $0x2000  }
0xcd: {  	[sflag:s19] =	ssyncset.done $0x0  }
0xce: {  	[sflag:s19] =	ssyncadd.s32 $0xFFFFE000  }
0xcf: {  	_ =	sfence.sel $0x180000  }
0xd0: {  	[bflag:$0x0] =	sbarrier.arrive $0xFFFF  }
0xd1: {  	_ =	strace $0x9000004A  }
0xd2: {  	s0 =	stileid.u32;
	[bflag:$0x2] =	sbarrier.arrive $0xFFFF  }
0xd3: {  	p0 =	sne.s32 s0, $0x0;
	s0 =	rddreg [dreg:$0x3]  }
0xd4: {  	s0 =	sadd.s32 @!p0 $0x100000, s0  }
0xd5: {  	[sflag:s0] =	ssyncadd.tile.s32 @!p0 $0x1;
	_ =	shalt  }
.Lfunc_end2:
_tile_overlayer_lowered:
.L_overlay_start_2:
0xd6: {  	(tag) =	ssettag $0x2  }
0xd7: {  	s0 =	rddreg [dreg:$0x0];
	s2 =	stileid.u32  }
0xd8: {  	s1 =	rddreg [dreg:$0x1];
	p0 =	sne.s32 s2, $0x0  }
0xd9: {  	s3 =	rddreg [dreg:$0x2];
	[bflag:$0x3] =	sbarrier.arrive $0xFFFF;
	s2 =	simm.s32 @!p0 $0x1C09  }
0xda: {  	[timem:s3], [sflag:s2] =	dma.local @!p0 [hbm:s0], s1  }
0xdb: {  	s0 =	simm.s32 @!p0 $0x9  }
0xdc: {  	_ =	swait.ge @!p0 [sflag:s0], s1  }
0xdd: {  	s1 =	ssub.s32 @!p0 $0x0, s1;
	[sflag:s0] =	ssyncset.done @!p0 $0x0  }
0xde: {  	[sflag:s0] =	ssyncadd.s32 @!p0 s1  }
0xdf: {  	[bflag:$0x3] =	sbarrier.arrive $0xFFFF  }
0xe0: {  	_ =	shalt  }

// kernel: kernel.7.cloned.1.call-start
scs
__scs_entry_jumppad:
0x0: {  	(pc) =	sbr.rel $0x88, $3  }
0x1: {  	(tag) =	ssettag $0x0;
	lr =	simm.s32 $0x1  }
0x2: {  	[smem:$0x3F9B] =	sst lr;
	_ =	strace $0xD0000000  }
0x3: {  	_ = 	snop  }
0x4: {  	_ = 	snop  }
0x5: {  	_ = 	snop  }
0x6: {  	_ = 	snop  }
0x7: {  	_ = 	snop  }
__scs_overlays_trampoline_lowered:
0x8: {  	[smem:$0x3FAA] =	sst s0  }
0x9: {  	[smem:$0x3FAB] =	sst s1  }
0xa: {  	[smem:$0x3FAC] =	sst s2  }
0xb: {  	[smem:$0x3FAD] =	sst s3  }
0xc: {  	[smem:$0x3FAE] =	sst s4  }
0xd: {  	[smem:$0x3FAF] =	sst s5  }
0xe: {  	[smem:$0x3FB0] =	sst s6  }
0xf: {  	[smem:$0x3FB1] =	sst s7  }
0x10: {  	[smem:$0x3FB2] =	sst s8  }
0x11: {  	[smem:$0x3FB3] =	sst s9;
	s0 =	simm.s32 @!p0 $0x0  }
0x12: {  	s1 =	sld [smem:$0x3F99];
	s0 =	simm.s32 @p0 $0x1  }
0x13: {  	[smem:$0x3FB4] =	sst s0;
	s0 =	simm.s32 @!p1 $0x0  }
0x14: {  	s2 =	sld [smem:$0x3F98];
	s0 =	simm.s32 @p1 $0x1  }
0x15: {  	[smem:$0x3FB5] =	sst s0;
	s0 =	simm.s32 @!p2 $0x0  }
0x16: {  	s3 =	sld [smem:$0x3FDB];
	s0 =	simm.s32 @p2 $0x1  }
0x17: {  	s4 =	simm.s32 $0x1BF5;
	[smem:$0x3FB7] =	sst s0  }
0x18: {  	s0 =	sld [smem:$0x3F9A];
	_ =	swait.ge [sflag:s4], $0x0  }
0x19: {  	s7 =	sld [smem:$0x3F9B]  }
0x1a: {  	s8 =	sadd.s32 $0xFFFFE003, lr  }
0x1b: {  	s9 =	sadd.s32 $0xFFFFFEF7, lr;
	s5 =	simm.s32 $0xFFFFFFFF;
	p2 =	slt.u32 s8, $0xFFFFF086  }
0x1c: {  	p1 =	slt.u32 s9, $0xF7A;
	s5 =	simm.s32 @!p2 $0x0  }
0x1d: {  	s5 =	simm.s32 @p1 $0x1;
	p0 =	seq.s32 s7, s2  }
0x1e: {  	s7 =	smul.u32 @!p0 $0xF7A, s2;
	p2 =	seq.s32 @!p0 s5, $0x0  }
0x1f: {  	s9 =	smul.u32 $0xF7A, s1;
	s8 =	simm.s32 @!p0 $0x1BF5;
	p2 =	por !p2, p0  }
0x20: {  	[sflag:s8] =	ssyncset.s32 @!p0 $0xFFFFF086;
	s6 =	sadd.s32 @!p0 s3, s7;
	s7 =	simm.s32 @!p0 $0x108  }
0x21: {  	s3 =	sadd.s32 s3, s9;
	s6 =	sadd.s32 @!p0 $0x88, s6;
	s7 =	simm.s32 @p2 $0x1082  }
0x22: {  	[simem:s7], [sflag:s8] =	dma.local @!p0 [hbm:s6], $0xF7A  }
0x23: {  	s9 =	sor.u32 $0xD0000000, s2;
	s6 =	simm.s32 $0x108;
	_ =	swait.ge @!p0 [sflag:s8], $0x0  }
0x24: {  	s3 =	sadd.s32 $0x88, s3;
	s6 =	simm.s32 @!p1 $0x1082;
	[sflag:s4] =	ssyncset.s32 $0xFFFFF086  }
0x25: {  	[simem:s6], [sflag:s4] =	dma.local [hbm:s3], $0xF7A  }
0x26: {  	[smem:$0x3F9B] =	sst s1;
	(tag) =	ssettag s2;
	_ =	strace s9  }
0x27: {  	s1 =	sld [smem:$0x3FAB]  }
0x28: {  	s2 =	sld [smem:$0x3FAC]  }
0x29: {  	s4 =	sld [smem:$0x3FAE]  }
0x2a: {  	p0 =	seq.s32 s5, $0x0;
	s5 =	sld [smem:$0x3FAF]  }
0x2b: {  	s6 =	sld [smem:$0x3FB0]  }
0x2c: {  	s7 =	sld [smem:$0x3FB1]  }
0x2d: {  	s3 =	simm.s32 $0x108;
	s8 =	sld [smem:$0x3FB2]  }
0x2e: {  	s3 =	simm.s32 @!p0 $0x1082;
	s9 =	sld [smem:$0x3FB3]  }
0x2f: {  	lr =	sadd.s32 s0, s3;
	s0 =	sld [smem:$0x3FAA]  }
0x30: {  	s3 =	sld [smem:$0x3FAD]  }
0x31: {  	[smem:$0x3FB6] =	sst s10  }
0x32: {  	s10 =	sld [smem:$0x3FB4];
	_ =	sdelay $0x3  }
0x33: {  	p0 =	seq.s32 s10, $0x1;
	s10 =	sld [smem:$0x3FB6];
	_ =	sdelay $0x3  }
0x34: {  	[smem:$0x3FB6] =	sst s10  }
0x35: {  	s10 =	sld [smem:$0x3FB5];
	_ =	sdelay $0x3  }
0x36: {  	p1 =	seq.s32 s10, $0x1;
	s10 =	sld [smem:$0x3FB6];
	_ =	sdelay $0x3  }
0x37: {  	[smem:$0x3FB6] =	sst s10  }
0x38: {  	s10 =	sld [smem:$0x3FB7]  }
0x39: {  	_ = 	snop;
	(pc) =	sbr.ind lr, $3  }
0x3a: {  	_ = 	snop  }
0x3b: {  	_ = 	snop  }
0x3c: {  	p2 =	seq.s32 s10, $0x1;
	s10 =	sld [smem:$0x3FB6]  }
0x3d: {  	_ =	shalt  }
0x3e: {  	_ =	shalt  }
0x3f: {  	_ =	shalt  }
0x40: {  	_ =	shalt  }
0x41: {  	_ =	shalt  }
0x42: {  	_ =	shalt  }
0x43: {  	_ =	shalt  }
0x44: {  	_ =	shalt  }
0x45: {  	_ =	shalt  }
0x46: {  	_ =	shalt  }
0x47: {  	_ =	shalt  }
0x48: {  	_ =	shalt  }
0x49: {  	_ =	shalt  }
0x4a: {  	_ =	shalt  }
0x4b: {  	_ =	shalt  }
0x4c: {  	_ =	shalt  }
0x4d: {  	_ =	shalt  }
0x4e: {  	_ =	shalt  }
0x4f: {  	_ =	shalt  }
0x50: {  	_ =	shalt  }
0x51: {  	_ =	shalt  }
0x52: {  	_ =	shalt  }
0x53: {  	_ =	shalt  }
0x54: {  	_ =	shalt  }
0x55: {  	_ =	shalt  }
0x56: {  	_ =	shalt  }
0x57: {  	_ =	shalt  }
0x58: {  	_ =	shalt  }
0x59: {  	_ =	shalt  }
0x5a: {  	_ =	shalt  }
0x5b: {  	_ =	shalt  }
0x5c: {  	_ =	shalt  }
0x5d: {  	_ =	shalt  }
0x5e: {  	_ =	shalt  }
0x5f: {  	_ =	shalt  }
0x60: {  	_ =	shalt  }
0x61: {  	_ =	shalt  }
0x62: {  	_ =	shalt  }
0x63: {  	_ =	shalt  }
0x64: {  	_ =	shalt  }
0x65: {  	_ =	shalt  }
0x66: {  	_ =	shalt  }
0x67: {  	_ =	shalt  }
0x68: {  	_ =	shalt  }
0x69: {  	_ =	shalt  }
0x6a: {  	_ =	shalt  }
0x6b: {  	_ =	shalt  }
0x6c: {  	_ =	shalt  }
0x6d: {  	_ =	shalt  }
0x6e: {  	_ =	shalt  }
0x6f: {  	_ =	shalt  }
0x70: {  	_ =	shalt  }
0x71: {  	_ =	shalt  }
0x72: {  	_ =	shalt  }
0x73: {  	_ =	shalt  }
0x74: {  	_ =	shalt  }
0x75: {  	_ =	shalt  }
0x76: {  	_ =	shalt  }
0x77: {  	_ =	shalt  }
0x78: {  	_ =	shalt  }
0x79: {  	_ =	shalt  }
0x7a: {  	_ =	shalt  }
0x7b: {  	_ =	shalt  }
0x7c: {  	_ =	shalt  }
0x7d: {  	_ =	shalt  }
0x7e: {  	_ =	shalt  }
0x7f: {  	_ =	shalt  }
0x80: {  	_ =	shalt  }
0x81: {  	_ =	shalt  }
0x82: {  	_ =	shalt  }
0x83: {  	_ =	shalt  }
0x84: {  	_ =	shalt  }
0x85: {  	_ =	shalt  }
0x86: {  	_ =	shalt  }
0x87: {  	_ =	shalt  }
.Lfunc_end0:
.L_simem_size_0:
called_computation_lowered:
.L_overlay_start_0:
0x88: {  	s2 =	sld [smem:$0x3FD9]  }
0x89: {  	s3 =	sld [smem:$0x3FFE];
	_ =	sdelay $0x1  }
0x8a: {  	s1 =	srdreg.scid  }
0x8b: {  	s0 =	sand.u32 $0x1, s1  }
0x8c: {  	s16 =	sshll.u32 s0, $0xA;
	s2 =	sadd.s32 s3, s2  }
0x8d: {  	s2 =	sadd.s32 s2, s16  }
0x8e: {  	[smem:$0x3FC2] =	sst s2  }
0x8f: {  	_ = 	snop  }
0x90: {  	(tm) =	ssettm $0x1  }
0x91: {  	s17 =	sld [smem:$0x3FFB];
	_ =	sdelay $0x3  }
0x92: {  	_ =	strace s17  }
0x93: {  	s2 =	sld [smem:$0x3FFC];
	_ =	sdelay $0x3  }
0x94: {  	_ =	strace s2  }
0x95: {  	s2 =	sld [smem:$0x3FFD];
	_ =	sdelay $0x3  }
0x96: {  	_ =	strace s2  }
0x97: {  	_ =	strace $0x8FFFFFFF  }
0x98: {  	s18 =	sld [smem:$0x3FDB];
	_ =	sdelay $0x1  }
0x99: {  	s19 =	simm.s32 $_scs_section_size  }
0x9a: {  	s4 =	simm.s32 $_size__tile_overlayer_lowered;
	s5 =	simm.s32 $_tile_overlayer_lowered  }
0x9b: {  	s22 =	simm.s32 $0x1BFF;
	s21 =	sshll.u32 s5, $0x1;
	s2 =	sadd.s32 s19, s18  }
0x9c: {  	s6 =	simm.s32 $0x0;
	s20 =	sshll.u32 s4, $0x1;
	s4 =	sadd.s32 s21, s2  }
0x9d: {  	[timem:s6], [sflag:s22] =	dma.local [hbm:s4], s20  }
0x9e: {  	_ =	swait.ge [sflag:s22], s20  }
0x9f: {  	s3 =	ssub.s32 $0x0, s20;
	[sflag:s22] =	ssyncset.done $0x0  }
0xa0: {  	[sflag:s22] =	ssyncadd.s32 s3;
	_ =	sdelay $0x1  }
0xa1: {  	s23 =	simm.s32 $0x1B8B  }
0xa2: {  	_ =	swait.ge [sflag:s23], $0x1  }
0xa3: {  	[sflag:s23] =	ssyncset.done $0x0  }
0xa4: {  	s25 =	simm.s32 $0x1B8E;
	s24 =	sld [smem:$0x3FFE];
	[sflag:s23] =	ssyncadd.s32 $0xFFFFFFFF  }
0xa5: {  	s26 =	simm.s32 $execute0_lowered;
	[smem:$0x3FD2] =	sst s25  }
0xa6: {  	s4 =	sshll.u32 s26, $0x1;
	_ =	strace $0x80000046;
	[dreg:$0x1] =	wrdreg $0xFFFFFFFF  }
0xa7: {  	s28 =	simm.s32 $_size_execute0_lowered;
	s2 =	sadd.s32 s2, s4;
	[dreg:$0x0] =	wrdreg $0x0  }
0xa8: {  	s4 =	sshll.u32 s28, $0x1;
	[dreg:$0x2] =	wrdreg s2  }
0xa9: {  	[dreg:$0x3] =	wrdreg s4  }
0xaa: {  	[dreg:$0x4] =	wrdreg $0xC0  }
0xab: {  	_ =	task [dreg:s6], $0x5FFFF  }
0xac: {  	[dreg:$0x1] =	wrdreg $0xFFFFFFFF  }
0xad: {  	[dreg:$0x0] =	wrdreg $0x60  }
0xae: {  	[dreg:$0x2] =	wrdreg s24  }
0xaf: {  	[dreg:$0x3] =	wrdreg $0x48000  }
0xb0: {  	[dreg:$0x4] =	wrdreg $0x9  }
0xb1: {  	_ =	task.clear_ibuf [dreg:s6], $0x5FFFF;
	_ =	strace $0x90000046  }
0xb2: {  	s29 =	simm.s32 $0x9;
	_ =	strace $0x80000048  }
0xb3: {  	_ =	swait.ge [sflag:s29], $0x1  }
0xb4: {  	[sflag:s29] =	ssyncadd.s32 $0xFFFFFFFF  }
0xb5: {  	_ =	strace $0x90000048  }
0xb6: {  	_ =	sfence  }
0xb7: {  	s30 =	sld [smem:$0x0];
	_ =	sdelay $0x2  }
0xb8: {  	s31 =	sshll.u32 s1, $0xD;
	s1 =	sshrl.u32 s1, $0x2  }
0xb9: {  	s3 =	sand.u32 $0x4000, s31;
	s1 =	sadd.s32 s1, s30  }
0xba: {  	s0 =	sor.u32 s3, s0;
	s1 =	sshll.u32 s1, $0x11  }
0xbb: {  	s0 =	sor.u32 s1, s0  }
0xbc: {  	s0 =	sadd.s32 $0x8F2B, s0  }
0xbd: {  	[sflag:s0] =	ssyncadd.remote.s32 $0x1  }
0xbe: {  	_ =	sfence.sel $0xFFFF  }
0xbf: {  	[dreg:$0x0] =	wrdreg $0xFFFFFFFF;
	(pc) =	sbr.abs _section_cstart, $3  }
0xc0: {  	[dreg:$0x1] =	wrdreg $0xFFFFFFFF  }
0xc1: {  	_ =	task.clear_ibuf [dreg:s6], $0x2FFFF;
	_ =	strace $0x9FFFFFFF  }
0xc2: {  	(tm) =	ssettm $0x7FFFFFFF  }
0xc3: {  	_ =	shalt  }
tec
execute0_lowered:
.L_overlay_start_1:
0x0: {  	(tag) =	ssettag $0x1  }
0x1: {  	s0 =	srdreg.scid;
	s1 =	rddreg [dreg:$0x0]  }
0x2: {  	s17 =	stileid.u32;
	s3 =	rddreg [dreg:$0x1];
	s0 =	sand.u32 $0x1, s0  }
0x3: {  	s19 =	simm.s32 $0x200;
	s20 =	simm.s32 $0x300;
	s2 =	sshll.u32 s0, $0x4  }
0x4: {  	s21 =	simm.s32 $0x400;
	s4 =	sor.u32 s17, s2;
	s2 =	simm.s32 $0x0  }
0x5: {  	s22 =	simm.s32 $0x500;
	s5 =	sadd.s32 $0xBA00, s1;
	[smem:$0x7FF] =	sst s2  }
0x6: {  	s9 =	sadd.s32 $0xB800, s1;
	_ =	strace $0x80000047;
	[dreg:$0x3] =	wrdreg s5  }
0x7: {  	s23 =	simm.s32 $0x600;
	s24 =	simm.s32 $0x700;
	[dreg:$0x4] =	wrdreg s9  }
0x8: {  	s25 =	simm.s32 $0x800;
	s26 =	simm.s32 $0x900;
	[dreg:$0xb] =	wrdreg s19  }
0x9: {  	s31 =	simm.s32 $0x1A00;
	s28 =	simm.s32 $0x1D00;
	[dreg:$0xc] =	wrdreg s20  }
0xa: {  	s29 =	simm.s32 $0x1E00;
	s30 =	simm.s32 $0x1F00;
	[dreg:$0xd] =	wrdreg s21  }
0xb: {  	p0 =	por $0x0, $0x0;
	s6 =	smul.u32 $0x2800, s17;
	[dreg:$0xe] =	wrdreg s22  }
0xc: {  	s10 =	smul.u32 $0x28000, s0;
	s0 =	ssub.s32 $0x2, s0;
	[dreg:$0xf] =	wrdreg s23  }
0xd: {  	s7 =	sadd.s32 $0x1000, s6;
	s11 =	sadd.s32 $0x1800, s6;
	[dreg:$0x10] =	wrdreg s24  }
0xe: {  	s12 =	sadd.s32 $0x2000, s6;
	s14 =	sadd.s32 s10, s7;
	[dreg:$0x11] =	wrdreg s25  }
0xf: {  	s15 =	sshrl.u32 s14, $0x3;
	[dreg:$0x12] =	wrdreg s26;
	s14 =	simm.s32 $0xE00  }
0x10: {  	s4 =	smul.u32 $0x500, s4;
	s19 =	simm.s32 $0x1200;
	[dreg:$0x17] =	wrdreg s14  }
0x11: {  	s8 =	sadd.s32 s6, s10;
	s20 =	simm.s32 $0x1300;
	[dreg:$0x1b] =	wrdreg s19  }
0x12: {  	s16 =	sadd.s32 s10, s11;
	s21 =	simm.s32 $0x1400;
	[dreg:$0x1c] =	wrdreg s20  }
0x13: {  	s8 =	sshrl.u32 s8, $0x3;
	s22 =	simm.s32 $0x1500;
	[dreg:$0x1d] =	wrdreg s21  }
0x14: {  	s5 =	sadd.s32 s10, s12;
	s23 =	simm.s32 $0x1600;
	[dreg:$0x1e] =	wrdreg s22  }
0x15: {  	s24 =	simm.s32 $0x1700;
	s25 =	simm.s32 $0x1800;
	[dreg:$0x1f] =	wrdreg s23  }
0x16: {  	s26 =	simm.s32 $0x1900;
	s4 =	sadd.s32 s4, s1;
	[smem:$0x7FB] =	sst s24  }
0x17: {  	s1 =	sadd.s32 $0xBC00, s1;
	s5 =	sshrl.u32 s5, $0x3;
	[smem:$0x7FC] =	sst s25  }
0x18: {  	s14 =	simm.s32 $0x1;
	[smem:$0x7FD] =	sst s26;
	s22 =	simm.s32 $0x1B00  }
0x19: {  	s26 =	simm.s32 $0x1C00;
	s23 =	simm.s32 $0x2100;
	s24 =	simm.s32 $0x2200  }
0x1a: {  	s25 =	simm.s32 $0x2300;
	s19 =	simm.s32 $0x2500;
	s4 =	sadd.s32 $0x1800, s4  }
0x1b: {  	s20 =	simm.s32 $0x2600;
	s8 =	sadd.s32 s1, s8;
	[dreg:$0x5] =	wrdreg s4  }
0x1c: {  	s21 =	simm.s32 $0x2700;
	[dreg:$0x6] =	wrdreg s8;
	s8 =	sadd.s32 s1, s15  }
0x1d: {  	s4 =	sadd.s32 $0x800, s6;
	s15 =	simm.s32 $0xF00;
	[dreg:$0x8] =	wrdreg s8  }
0x1e: {  	s9 =	sadd.s32 s10, s4;
	s8 =	simm.s32 $0xB00;
	[dreg:$0x18] =	wrdreg s15  }
0x1f: {  	s10 =	simm.s32 $0xC00;
	s15 =	simm.s32 $0x2;
	[dreg:$0x14] =	wrdreg s8  }
0x20: {  	s9 =	sshrl.u32 s9, $0x3;
	[dreg:$0x15] =	wrdreg s10;
	s10 =	sadd.s32 s6, s3  }
0x21: {  	s8 =	sadd.s32 s7, s3;
	s7 =	sadd.s32 s11, s3;
	s6 =	simm.s32 $0x3800  }
0x22: {  	s13 =	sadd.s32 s1, s9;
	s9 =	sshrl.u32 s16, $0x3;
	s16 =	simm.s32 $0x1000  }
0x23: {  	[dreg:$0x7] =	wrdreg s13;
	s18 =	sadd.s32 s1, s9;
	s9 =	sshrl.u32 s0, $0x1  }
0x24: {  	s11 =	simm.s32 $0x2800;
	[dreg:$0x19] =	wrdreg s16;
	s0 =	ssub.s32 s0, s9  }
0x25: {  	s1 =	sadd.s32 s1, s5;
	[dreg:$0x9] =	wrdreg s18;
	s0 =	smax.u32 s0, $0x1  }
0x26: {  	s5 =	simm.s32 $0xA00;
	[dreg:$0xa] =	wrdreg s1;
	p1 =	sne.s32 s0, $0x1  }
.Ltmp0:
0x27: {  	s13 =	simm.s32 $0xD00;
	[dreg:$0x13] =	wrdreg s5;
	(pc) =	sbr.rel @!p1 .LBB2_1-.Ltmp0, $4  }
0x28: {  	s16 =	simm.s32 $0x3;
	[dreg:$0x16] =	wrdreg s13;
	s9 =	sadd.s32 s4, s3  }
0x29: {  	s18 =	simm.s32 $0x1100;
	s5 =	sadd.s32 s12, s3;
	s4 =	simm.s32 $0x5  }
0x2a: {  	s13 =	simm.s32 $0x100;
	s12 =	simm.s32 $0x4;
	[dreg:$0x1a] =	wrdreg s18  }
0x2b: {  	s18 =	simm.s32 $0x2400;
	s1 =	sadd.s32 $0xFFFFFFFF, s0;
	s0 =	rddreg [dreg:$0x5]  }
0x2c: {  	[tilespmem:s2], [sflag:$0x5] =	stream.linear.gather [hbm4b:s0+s2], $0x2800, $0x38;
	[tilespmem:$0x7000] =	vst v63  }
0x2d: {  	_ =	swait.ge [sflag:s4], $0x2800  }
0x2e: {  	[sflag:s4] =	ssyncset.done $0x0  }
0x2f: {  	s17 =	rddreg [dreg:$0x4];
	[sflag:s4] =	ssyncadd.s32 $0xFFFFD800  }
0x30: {  	[tilespmem:s6], [sflag:$0x5] =	stream.linear.gather [hbm4b:s17+s2], $0x1000, $0x38;
	[tilespmem:$0x7000] =	vst v63  }
0x31: {  	_ =	swait.ge [sflag:s4], $0x1000  }
0x32: {  	[sflag:s4] =	ssyncset.done $0x0  }
0x33: {  	s17 =	rddreg [dreg:$0x3];
	[sflag:s4] =	ssyncadd.s32 $0xFFFFF000  }
0x34: {  	[tilespmem:s11], [sflag:$0x5] =	stream.linear.gather [hbm4b:s17+s2], $0x1000, $0x38;
	[tilespmem:$0x7000] =	vst v63  }
0x35: {  	_ =	swait.ge [sflag:s4], $0x1000  }
0x36: {  	[sflag:s4] =	ssyncset.done $0x0  }
0x37: {  	[sflag:s4] =	ssyncadd.s32 $0xFFFFF000  }
0x38: {  	[spmem:s10] =	stream.linear.scatter [tilespmem:s6], [sflag:$0x5], $0x800, $0x38;
	[tilespmem:$0x7000] =	vst v63  }
0x39: {  	_ =	swait.ge [sflag:s4], $0x800  }
0x3a: {  	[sflag:s4] =	ssyncset.done $0x0  }
0x3b: {  	[sflag:s4] =	ssyncadd.s32 $0xFFFFF800  }
0x3c: {  	[spmem:s9] =	stream.linear.scatter [tilespmem:s6], [sflag:$0x5], $0x800, $0x38;
	[tilespmem:$0x7000] =	vst v63  }
0x3d: {  	_ =	swait.ge [sflag:s4], $0x800  }
0x3e: {  	[sflag:s4] =	ssyncset.done $0x0  }
0x3f: {  	[sflag:s4] =	ssyncadd.s32 $0xFFFFF800  }
0x40: {  	[spmem:s8] =	stream.linear.scatter [tilespmem:s6], [sflag:$0x5], $0x800, $0x38;
	[tilespmem:$0x7000] =	vst v63  }
0x41: {  	_ =	swait.ge [sflag:s4], $0x800  }
0x42: {  	[sflag:s4] =	ssyncset.done $0x0  }
0x43: {  	[sflag:s4] =	ssyncadd.s32 $0xFFFFF800  }
0x44: {  	[spmem:s7] =	stream.linear.scatter [tilespmem:s6], [sflag:$0x5], $0x800, $0x38;
	[tilespmem:$0x7000] =	vst v63  }
0x45: {  	_ =	swait.ge [sflag:s4], $0x800  }
0x46: {  	[sflag:s4] =	ssyncset.done $0x0  }
0x47: {  	[sflag:s4] =	ssyncadd.s32 $0xFFFFF800  }
0x48: {  	[spmem:s5] =	stream.linear.scatter [tilespmem:s6], [sflag:$0x5], $0x800, $0x38;
	[tilespmem:$0x7000] =	vst v63  }
0x49: {  	_ =	swait.ge [sflag:s4], $0x800  }
0x4a: {  	[sflag:s4] =	ssyncset.done $0x0  }
0x4b: {  	[sflag:s4] =	ssyncadd.s32 $0xFFFFF800  }
0x4c: {  	[bflag:$0x0] =	sbarrier.arrive $0xFFFF  }
0x4d: {  	[spmem:s3] =	stream.indirect.scatter.add.f32 [tilespmem:s11], [sflag:$0x1], $0x10, s2, s13, $0xb8;
	[tilespmem:$0x7000] =	vst v63  }
0x4e: {  	_ = 	snop  }
0x4f: {  	[spmem:s3] =	stream.indirect.scatter.add.f32 [tilespmem:s11], [sflag:$0x2], $0x10, s13, s13, $0xb8;
	[tilespmem:$0x7000] =	vst v63  }
0x50: {  	s0 =	rddreg [dreg:$0xb]  }
0x51: {  	[spmem:s3] =	stream.indirect.scatter.add.f32 [tilespmem:s11], [sflag:$0x3], $0x10, s0, s13, $0xb8;
	[tilespmem:$0x7000] =	vst v63  }
0x52: {  	s17 =	smov.u32 s1;
	s1 =	rddreg [dreg:$0xc]  }
0x53: {  	[spmem:s3] =	stream.indirect.scatter.add.f32 [tilespmem:s11], [sflag:$0x4], $0x10, s1, s13, $0xb8;
	[tilespmem:$0x7000] =	vst v63  }
0x54: {  	_ =	swait.ge [sflag:s14], $0x1000  }
0x55: {  	[sflag:s14] =	ssyncset.done $0x0  }
0x56: {  	[sflag:s14] =	ssyncadd.s32 $0xFFFFF000  }
0x57: {  	_ =	swait.ge [sflag:s15], $0x1000  }
0x58: {  	[sflag:s15] =	ssyncset.done $0x0  }
0x59: {  	[sflag:s15] =	ssyncadd.s32 $0xFFFFF000  }
0x5a: {  	_ =	swait.ge [sflag:s16], $0x1000  }
0x5b: {  	[sflag:s16] =	ssyncset.done $0x0  }
0x5c: {  	[sflag:s16] =	ssyncadd.s32 $0xFFFFF000  }
0x5d: {  	_ =	swait.ge [sflag:s12], $0x1000  }
0x5e: {  	[sflag:s12] =	ssyncset.done $0x0  }
0x5f: {  	s0 =	rddreg [dreg:$0xd];
	[sflag:s12] =	ssyncadd.s32 $0xFFFFF000  }
0x60: {  	[spmem:s3] =	stream.indirect.scatter.add.f32 [tilespmem:s11], [sflag:$0x1], $0x10, s0, s13, $0xb8;
	[tilespmem:$0x7000] =	vst v63  }
0x61: {  	s1 =	rddreg [dreg:$0xe]  }
0x62: {  	[spmem:s3] =	stream.indirect.scatter.add.f32 [tilespmem:s11], [sflag:$0x2], $0x10, s1, s13, $0xb8;
	[tilespmem:$0x7000] =	vst v63  }
0x63: {  	s0 =	rddreg [dreg:$0xf]  }
0x64: {  	[spmem:s3] =	stream.indirect.scatter.add.f32 [tilespmem:s11], [sflag:$0x3], $0x10, s0, s13, $0xb8;
	[tilespmem:$0x7000] =	vst v63  }
0x65: {  	s1 =	rddreg [dreg:$0x10]  }
0x66: {  	[spmem:s3] =	stream.indirect.scatter.add.f32 [tilespmem:s11], [sflag:$0x4], $0x10, s1, s13, $0xb8;
	[tilespmem:$0x7000] =	vst v63  }
0x67: {  	_ =	swait.ge [sflag:s14], $0x1000  }
0x68: {  	[sflag:s14] =	ssyncset.done $0x0  }
0x69: {  	[sflag:s14] =	ssyncadd.s32 $0xFFFFF000  }
0x6a: {  	_ =	swait.ge [sflag:s15], $0x1000  }
0x6b: {  	[sflag:s15] =	ssyncset.done $0x0  }
0x6c: {  	[sflag:s15] =	ssyncadd.s32 $0xFFFFF000  }
0x6d: {  	_ =	swait.ge [sflag:s16], $0x1000  }
0x6e: {  	[sflag:s16] =	ssyncset.done $0x0  }
0x6f: {  	[sflag:s16] =	ssyncadd.s32 $0xFFFFF000  }
0x70: {  	_ =	swait.ge [sflag:s12], $0x1000  }
0x71: {  	[sflag:s12] =	ssyncset.done $0x0  }
0x72: {  	s0 =	rddreg [dreg:$0x11];
	[sflag:s12] =	ssyncadd.s32 $0xFFFFF000  }
0x73: {  	[spmem:s3] =	stream.indirect.scatter.add.f32 [tilespmem:s11], [sflag:$0x1], $0x10, s0, s13, $0xb8;
	[tilespmem:$0x7000] =	vst v63  }
0x74: {  	s1 =	rddreg [dreg:$0x12]  }
0x75: {  	[spmem:s3] =	stream.indirect.scatter.add.f32 [tilespmem:s11], [sflag:$0x2], $0x10, s1, s13, $0xb8;
	[tilespmem:$0x7000] =	vst v63  }
0x76: {  	s0 =	rddreg [dreg:$0x13]  }
0x77: {  	[spmem:s3] =	stream.indirect.scatter.add.f32 [tilespmem:s11], [sflag:$0x3], $0x10, s0, s13, $0xb8;
	[tilespmem:$0x7000] =	vst v63  }
0x78: {  	s1 =	rddreg [dreg:$0x14]  }
0x79: {  	[spmem:s3] =	stream.indirect.scatter.add.f32 [tilespmem:s11], [sflag:$0x4], $0x10, s1, s13, $0xb8;
	[tilespmem:$0x7000] =	vst v63  }
0x7a: {  	_ =	swait.ge [sflag:s14], $0x1000  }
0x7b: {  	[sflag:s14] =	ssyncset.done $0x0  }
0x7c: {  	[sflag:s14] =	ssyncadd.s32 $0xFFFFF000  }
0x7d: {  	_ =	swait.ge [sflag:s15], $0x1000  }
0x7e: {  	[sflag:s15] =	ssyncset.done $0x0  }
0x7f: {  	[sflag:s15] =	ssyncadd.s32 $0xFFFFF000  }
0x80: {  	_ =	swait.ge [sflag:s16], $0x1000  }
0x81: {  	[sflag:s16] =	ssyncset.done $0x0  }
0x82: {  	[sflag:s16] =	ssyncadd.s32 $0xFFFFF000  }
0x83: {  	_ =	swait.ge [sflag:s12], $0x1000  }
0x84: {  	[sflag:s12] =	ssyncset.done $0x0  }
0x85: {  	s0 =	rddreg [dreg:$0x15];
	[sflag:s12] =	ssyncadd.s32 $0xFFFFF000  }
0x86: {  	[spmem:s3] =	stream.indirect.scatter.add.f32 [tilespmem:s11], [sflag:$0x1], $0x10, s0, s13, $0xb8;
	[tilespmem:$0x7000] =	vst v63  }
0x87: {  	s1 =	rddreg [dreg:$0x16]  }
0x88: {  	[spmem:s3] =	stream.indirect.scatter.add.f32 [tilespmem:s11], [sflag:$0x2], $0x10, s1, s13, $0xb8;
	[tilespmem:$0x7000] =	vst v63  }
0x89: {  	s0 =	rddreg [dreg:$0x17]  }
0x8a: {  	[spmem:s3] =	stream.indirect.scatter.add.f32 [tilespmem:s11], [sflag:$0x3], $0x10, s0, s13, $0xb8;
	[tilespmem:$0x7000] =	vst v63  }
0x8b: {  	s1 =	rddreg [dreg:$0x18]  }
0x8c: {  	[spmem:s3] =	stream.indirect.scatter.add.f32 [tilespmem:s11], [sflag:$0x4], $0x10, s1, s13, $0xb8;
	[tilespmem:$0x7000] =	vst v63  }
0x8d: {  	_ =	swait.ge [sflag:s14], $0x1000  }
0x8e: {  	[sflag:s14] =	ssyncset.done $0x0  }
0x8f: {  	[sflag:s14] =	ssyncadd.s32 $0xFFFFF000  }
0x90: {  	_ =	swait.ge [sflag:s15], $0x1000  }
0x91: {  	[sflag:s15] =	ssyncset.done $0x0  }
0x92: {  	[sflag:s15] =	ssyncadd.s32 $0xFFFFF000  }
0x93: {  	_ =	swait.ge [sflag:s16], $0x1000  }
0x94: {  	[sflag:s16] =	ssyncset.done $0x0  }
0x95: {  	[sflag:s16] =	ssyncadd.s32 $0xFFFFF000  }
0x96: {  	_ =	swait.ge [sflag:s12], $0x1000  }
0x97: {  	[sflag:s12] =	ssyncset.done $0x0  }
0x98: {  	s0 =	rddreg [dreg:$0x19];
	[sflag:s12] =	ssyncadd.s32 $0xFFFFF000  }
0x99: {  	[spmem:s3] =	stream.indirect.scatter.add.f32 [tilespmem:s11], [sflag:$0x1], $0x10, s0, s13, $0xb8;
	[tilespmem:$0x7000] =	vst v63  }
0x9a: {  	s1 =	rddreg [dreg:$0x1a]  }
0x9b: {  	[spmem:s3] =	stream.indirect.scatter.add.f32 [tilespmem:s11], [sflag:$0x2], $0x10, s1, s13, $0xb8;
	[tilespmem:$0x7000] =	vst v63  }
0x9c: {  	s0 =	rddreg [dreg:$0x1b]  }
0x9d: {  	[spmem:s3] =	stream.indirect.scatter.add.f32 [tilespmem:s11], [sflag:$0x3], $0x10, s0, s13, $0xb8;
	[tilespmem:$0x7000] =	vst v63  }
0x9e: {  	s1 =	rddreg [dreg:$0x1c]  }
0x9f: {  	[spmem:s3] =	stream.indirect.scatter.add.f32 [tilespmem:s11], [sflag:$0x4], $0x10, s1, s13, $0xb8;
	[tilespmem:$0x7000] =	vst v63  }
0xa0: {  	_ =	swait.ge [sflag:s14], $0x1000  }
0xa1: {  	[sflag:s14] =	ssyncset.done $0x0  }
0xa2: {  	[sflag:s14] =	ssyncadd.s32 $0xFFFFF000  }
0xa3: {  	_ =	swait.ge [sflag:s15], $0x1000  }
0xa4: {  	[sflag:s15] =	ssyncset.done $0x0  }
0xa5: {  	[sflag:s15] =	ssyncadd.s32 $0xFFFFF000  }
0xa6: {  	_ =	swait.ge [sflag:s16], $0x1000  }
0xa7: {  	[sflag:s16] =	ssyncset.done $0x0  }
0xa8: {  	[sflag:s16] =	ssyncadd.s32 $0xFFFFF000  }
0xa9: {  	_ =	swait.ge [sflag:s12], $0x1000  }
0xaa: {  	s0 =	rddreg [dreg:$0x1d];
	[sflag:s12] =	ssyncset.done $0x0  }
0xab: {  	s1 =	rddreg [dreg:$0x1e];
	[sflag:s12] =	ssyncadd.s32 $0xFFFFF000  }
0xac: {  	[spmem:s3] =	stream.indirect.scatter.add.f32 [tilespmem:s11], [sflag:$0x1], $0x10, s0, s13, $0xb8;
	[tilespmem:$0x7000] =	vst v63  }
0xad: {  	s0 =	rddreg [dreg:$0x1f]  }
0xae: {  	[spmem:s3] =	stream.indirect.scatter.add.f32 [tilespmem:s11], [sflag:$0x2], $0x10, s1, s13, $0xb8;
	[tilespmem:$0x7000] =	vst v63  }
0xaf: {  	s1 =	sld [smem:$0x7FB]  }
0xb0: {  	[spmem:s3] =	stream.indirect.scatter.add.f32 [tilespmem:s11], [sflag:$0x3], $0x10, s0, s13, $0xb8;
	[tilespmem:$0x7000] =	vst v63  }
0xb1: {  	_ = 	snop  }
0xb2: {  	[spmem:s3] =	stream.indirect.scatter.add.f32 [tilespmem:s11], [sflag:$0x4], $0x10, s1, s13, $0xb8;
	[tilespmem:$0x7000] =	vst v63  }
0xb3: {  	_ =	swait.ge [sflag:s14], $0x1000  }
0xb4: {  	[sflag:s14] =	ssyncset.done $0x0  }
0xb5: {  	[sflag:s14] =	ssyncadd.s32 $0xFFFFF000  }
0xb6: {  	_ =	swait.ge [sflag:s15], $0x1000  }
0xb7: {  	[sflag:s15] =	ssyncset.done $0x0  }
0xb8: {  	[sflag:s15] =	ssyncadd.s32 $0xFFFFF000  }
0xb9: {  	_ =	swait.ge [sflag:s16], $0x1000  }
0xba: {  	[sflag:s16] =	ssyncset.done $0x0  }
0xbb: {  	[sflag:s16] =	ssyncadd.s32 $0xFFFFF000  }
0xbc: {  	_ =	swait.ge [sflag:s12], $0x1000  }
0xbd: {  	s0 =	sld [smem:$0x7FC]  }
0xbe: {  	[sflag:s12] =	ssyncset.done $0x0  }
0xbf: {  	s1 =	sld [smem:$0x7FD];
	[sflag:s12] =	ssyncadd.s32 $0xFFFFF000  }
0xc0: {  	[spmem:s3] =	stream.indirect.scatter.add.f32 [tilespmem:s11], [sflag:$0x1], $0x10, s0, s13, $0xb8;
	[tilespmem:$0x7000] =	vst v63  }
0xc1: {  	_ = 	snop  }
0xc2: {  	[spmem:s3] =	stream.indirect.scatter.add.f32 [tilespmem:s11], [sflag:$0x2], $0x10, s1, s13, $0xb8;
	[tilespmem:$0x7000] =	vst v63  }
0xc3: {  	_ = 	snop  }
0xc4: {  	[spmem:s3] =	stream.indirect.scatter.add.f32 [tilespmem:s11], [sflag:$0x3], $0x10, s31, s13, $0xb8;
	[tilespmem:$0x7000] =	vst v63  }
0xc5: {  	_ = 	snop  }
0xc6: {  	[spmem:s3] =	stream.indirect.scatter.add.f32 [tilespmem:s11], [sflag:$0x4], $0x10, s22, s13, $0xb8;
	[tilespmem:$0x7000] =	vst v63  }
0xc7: {  	_ =	swait.ge [sflag:s14], $0x1000  }
0xc8: {  	[sflag:s14] =	ssyncset.done $0x0  }
0xc9: {  	[sflag:s14] =	ssyncadd.s32 $0xFFFFF000  }
0xca: {  	_ =	swait.ge [sflag:s15], $0x1000  }
0xcb: {  	[sflag:s15] =	ssyncset.done $0x0  }
0xcc: {  	[sflag:s15] =	ssyncadd.s32 $0xFFFFF000  }
0xcd: {  	_ =	swait.ge [sflag:s16], $0x1000  }
0xce: {  	[sflag:s16] =	ssyncset.done $0x0  }
0xcf: {  	[sflag:s16] =	ssyncadd.s32 $0xFFFFF000  }
0xd0: {  	_ =	swait.ge [sflag:s12], $0x1000  }
0xd1: {  	[sflag:s12] =	ssyncset.done $0x0  }
0xd2: {  	[sflag:s12] =	ssyncadd.s32 $0xFFFFF000  }
0xd3: {  	[spmem:s3] =	stream.indirect.scatter.add.f32 [tilespmem:s11], [sflag:$0x1], $0x10, s26, s13, $0xb8;
	[tilespmem:$0x7000] =	vst v63  }
0xd4: {  	_ = 	snop  }
0xd5: {  	[spmem:s3] =	stream.indirect.scatter.add.f32 [tilespmem:s11], [sflag:$0x2], $0x10, s28, s13, $0xb8;
	[tilespmem:$0x7000] =	vst v63  }
0xd6: {  	_ = 	snop  }
0xd7: {  	[spmem:s3] =	stream.indirect.scatter.add.f32 [tilespmem:s11], [sflag:$0x3], $0x10, s29, s13, $0xb8;
	[tilespmem:$0x7000] =	vst v63  }
0xd8: {  	_ = 	snop  }
0xd9: {  	[spmem:s3] =	stream.indirect.scatter.add.f32 [tilespmem:s11], [sflag:$0x4], $0x10, s30, s13, $0xb8;
	[tilespmem:$0x7000] =	vst v63  }
0xda: {  	_ =	swait.ge [sflag:s14], $0x1000  }
0xdb: {  	[sflag:s14] =	ssyncset.done $0x0  }
0xdc: {  	[sflag:s14] =	ssyncadd.s32 $0xFFFFF000  }
0xdd: {  	_ =	swait.ge [sflag:s15], $0x1000  }
0xde: {  	[sflag:s15] =	ssyncset.done $0x0  }
0xdf: {  	[sflag:s15] =	ssyncadd.s32 $0xFFFFF000  }
0xe0: {  	_ =	swait.ge [sflag:s16], $0x1000  }
0xe1: {  	[sflag:s16] =	ssyncset.done $0x0  }
0xe2: {  	[sflag:s16] =	ssyncadd.s32 $0xFFFFF000  }
0xe3: {  	_ =	swait.ge [sflag:s12], $0x1000  }
0xe4: {  	[sflag:s12] =	ssyncset.done $0x0  }
0xe5: {  	s1 =	simm.s32 $0x2000;
	[sflag:s12] =	ssyncadd.s32 $0xFFFFF000  }
0xe6: {  	[spmem:s3] =	stream.indirect.scatter.add.f32 [tilespmem:s11], [sflag:$0x1], $0x10, s1, s13, $0xb8;
	[tilespmem:$0x7000] =	vst v63  }
0xe7: {  	_ = 	snop  }
0xe8: {  	[spmem:s3] =	stream.indirect.scatter.add.f32 [tilespmem:s11], [sflag:$0x2], $0x10, s23, s13, $0xb8;
	[tilespmem:$0x7000] =	vst v63  }
0xe9: {  	_ = 	snop  }
0xea: {  	[spmem:s3] =	stream.indirect.scatter.add.f32 [tilespmem:s11], [sflag:$0x3], $0x10, s24, s13, $0xb8;
	[tilespmem:$0x7000] =	vst v63  }
0xeb: {  	_ = 	snop  }
0xec: {  	[spmem:s3] =	stream.indirect.scatter.add.f32 [tilespmem:s11], [sflag:$0x4], $0x10, s25, s13, $0xb8;
	[tilespmem:$0x7000] =	vst v63  }
0xed: {  	_ =	swait.ge [sflag:s14], $0x1000  }
0xee: {  	[sflag:s14] =	ssyncset.done $0x0  }
0xef: {  	[sflag:s14] =	ssyncadd.s32 $0xFFFFF000  }
0xf0: {  	_ =	swait.ge [sflag:s15], $0x1000  }
0xf1: {  	[sflag:s15] =	ssyncset.done $0x0  }
0xf2: {  	[sflag:s15] =	ssyncadd.s32 $0xFFFFF000  }
0xf3: {  	_ =	swait.ge [sflag:s16], $0x1000  }
0xf4: {  	[sflag:s16] =	ssyncset.done $0x0  }
0xf5: {  	[sflag:s16] =	ssyncadd.s32 $0xFFFFF000  }
0xf6: {  	_ =	swait.ge [sflag:s12], $0x1000  }
0xf7: {  	[sflag:s12] =	ssyncset.done $0x0  }
0xf8: {  	[sflag:s12] =	ssyncadd.s32 $0xFFFFF000  }
0xf9: {  	[spmem:s3] =	stream.indirect.scatter.add.f32 [tilespmem:s11], [sflag:$0x1], $0x10, s18, s13, $0xb8;
	[tilespmem:$0x7000] =	vst v63  }
0xfa: {  	_ = 	snop  }
0xfb: {  	[spmem:s3] =	stream.indirect.scatter.add.f32 [tilespmem:s11], [sflag:$0x2], $0x10, s19, s13, $0xb8;
	[tilespmem:$0x7000] =	vst v63  }
0xfc: {  	_ = 	snop  }
0xfd: {  	[spmem:s3] =	stream.indirect.scatter.add.f32 [tilespmem:s11], [sflag:$0x3], $0x10, s20, s13, $0xb8;
	[tilespmem:$0x7000] =	vst v63  }
0xfe: {  	_ = 	snop  }
0xff: {  	[spmem:s3] =	stream.indirect.scatter.add.f32 [tilespmem:s11], [sflag:$0x4], $0x10, s21, s13, $0xb8;
	[tilespmem:$0x7000] =	vst v63  }
0x100: {  	_ =	swait.ge [sflag:s14], $0x1000  }
0x101: {  	[sflag:s14] =	ssyncset.done $0x0  }
0x102: {  	[sflag:s14] =	ssyncadd.s32 $0xFFFFF000  }
0x103: {  	_ =	swait.ge [sflag:s15], $0x1000  }
0x104: {  	[sflag:s15] =	ssyncset.done $0x0  }
0x105: {  	[sflag:s15] =	ssyncadd.s32 $0xFFFFF000  }
0x106: {  	_ =	swait.ge [sflag:s16], $0x1000  }
0x107: {  	[sflag:s16] =	ssyncset.done $0x0  }
0x108: {  	[sflag:s16] =	ssyncadd.s32 $0xFFFFF000  }
0x109: {  	_ =	swait.ge [sflag:s12], $0x1000  }
0x10a: {  	[sflag:s12] =	ssyncset.done $0x0  }
0x10b: {  	[sflag:s12] =	ssyncadd.s32 $0xFFFFF000  }
0x10c: {  	[bflag:$0x0] =	sbarrier.arrive $0xFFFF  }
0x10d: {  	[tilespmem:s6], [sflag:$0x5] =	stream.linear.gather [spmem:s10], $0x800, $0x38;
	[tilespmem:$0x7000] =	vst v63  }
0x10e: {  	_ =	swait.ge [sflag:s4], $0x800  }
0x10f: {  	[sflag:s4] =	ssyncset.done $0x0  }
0x110: {  	s1 =	rddreg [dreg:$0x6];
	[sflag:s4] =	ssyncadd.s32 $0xFFFFF800  }
0x111: {  	[hbm4b:s1+s2] =	stream.linear.scatter [tilespmem:s6], [sflag:$0x5], $0x800, $0x38;
	[tilespmem:$0x7000] =	vst v63  }
0x112: {  	_ =	swait.ge [sflag:s4], $0x800  }
0x113: {  	[sflag:s4] =	ssyncset.done $0x0  }
0x114: {  	[sflag:s4] =	ssyncadd.s32 $0xFFFFF800  }
0x115: {  	[tilespmem:s6], [sflag:$0x5] =	stream.linear.gather [spmem:s9], $0x800, $0x38;
	[tilespmem:$0x7000] =	vst v63  }
0x116: {  	_ =	swait.ge [sflag:s4], $0x800  }
0x117: {  	[sflag:s4] =	ssyncset.done $0x0  }
0x118: {  	s1 =	rddreg [dreg:$0x7];
	[sflag:s4] =	ssyncadd.s32 $0xFFFFF800  }
0x119: {  	[hbm4b:s1+s2] =	stream.linear.scatter [tilespmem:s6], [sflag:$0x5], $0x800, $0x38;
	[tilespmem:$0x7000] =	vst v63  }
0x11a: {  	_ =	swait.ge [sflag:s4], $0x800  }
0x11b: {  	[sflag:s4] =	ssyncset.done $0x0  }
0x11c: {  	[sflag:s4] =	ssyncadd.s32 $0xFFFFF800  }
0x11d: {  	[tilespmem:s6], [sflag:$0x5] =	stream.linear.gather [spmem:s8], $0x800, $0x38;
	[tilespmem:$0x7000] =	vst v63  }
0x11e: {  	_ =	swait.ge [sflag:s4], $0x800  }
0x11f: {  	[sflag:s4] =	ssyncset.done $0x0  }
0x120: {  	s1 =	rddreg [dreg:$0x8];
	[sflag:s4] =	ssyncadd.s32 $0xFFFFF800  }
0x121: {  	[hbm4b:s1+s2] =	stream.linear.scatter [tilespmem:s6], [sflag:$0x5], $0x800, $0x38;
	[tilespmem:$0x7000] =	vst v63  }
0x122: {  	_ =	swait.ge [sflag:s4], $0x800  }
0x123: {  	[sflag:s4] =	ssyncset.done $0x0  }
0x124: {  	[sflag:s4] =	ssyncadd.s32 $0xFFFFF800  }
0x125: {  	[tilespmem:s6], [sflag:$0x5] =	stream.linear.gather [spmem:s7], $0x800, $0x38;
	[tilespmem:$0x7000] =	vst v63  }
0x126: {  	_ =	swait.ge [sflag:s4], $0x800  }
0x127: {  	[sflag:s4] =	ssyncset.done $0x0  }
0x128: {  	s1 =	rddreg [dreg:$0x9];
	[sflag:s4] =	ssyncadd.s32 $0xFFFFF800  }
0x129: {  	[hbm4b:s1+s2] =	stream.linear.scatter [tilespmem:s6], [sflag:$0x5], $0x800, $0x38;
	[tilespmem:$0x7000] =	vst v63  }
0x12a: {  	_ =	swait.ge [sflag:s4], $0x800  }
0x12b: {  	[sflag:s4] =	ssyncset.done $0x0  }
0x12c: {  	[sflag:s4] =	ssyncadd.s32 $0xFFFFF800  }
0x12d: {  	[tilespmem:s6], [sflag:$0x5] =	stream.linear.gather [spmem:s5], $0x800, $0x38;
	[tilespmem:$0x7000] =	vst v63  }
0x12e: {  	p1 =	sne.s32 s17, $0x1;
	_ =	swait.ge [sflag:s4], $0x800  }
.Ltmp1:
0x12f: {  	[sflag:s4] =	ssyncset.done $0x0;
	(pc) =	sbr.rel @!p1 .LBB2_3-.Ltmp1, $4  }
0x130: {  	s1 =	rddreg [dreg:$0xa];
	[sflag:s4] =	ssyncadd.s32 $0xFFFFF800  }
0x131: {  	[hbm4b:s1+s2] =	stream.linear.scatter [tilespmem:s6], [sflag:$0x5], $0x800, $0x38;
	[tilespmem:$0x7000] =	vst v63  }
0x132: {  	p0 =	por $0x1, $0x1;
	_ =	swait.ge [sflag:s4], $0x800  }
0x133: {  	s1 =	sadd.s32 $0xFFFFFFFF, s17;
	s0 =	rddreg [dreg:$0x5];
	[sflag:s4] =	ssyncset.done $0x0  }
.LBB2_4:
0x134: {  	[sflag:s4] =	ssyncadd.s32 $0xFFFFF800  }
0x135: {  	[tilespmem:s2], [sflag:$0x5] =	stream.linear.gather [hbm4b:s0+s2], $0x2800, $0x38;
	[tilespmem:$0x7000] =	vst v63  }
0x136: {  	_ =	swait.ge [sflag:s4], $0x2800  }
0x137: {  	[sflag:s4] =	ssyncset.done $0x0  }
0x138: {  	s17 =	rddreg [dreg:$0x4];
	[sflag:s4] =	ssyncadd.s32 $0xFFFFD800  }
0x139: {  	[tilespmem:s6], [sflag:$0x5] =	stream.linear.gather [hbm4b:s17+s2], $0x1000, $0x38;
	[tilespmem:$0x7000] =	vst v63  }
0x13a: {  	_ =	swait.ge [sflag:s4], $0x1000  }
0x13b: {  	[sflag:s4] =	ssyncset.done $0x0  }
0x13c: {  	s17 =	rddreg [dreg:$0x3];
	[sflag:s4] =	ssyncadd.s32 $0xFFFFF000  }
0x13d: {  	[tilespmem:s11], [sflag:$0x5] =	stream.linear.gather [hbm4b:s17+s2], $0x1000, $0x38;
	[tilespmem:$0x7000] =	vst v63  }
0x13e: {  	_ =	swait.ge [sflag:s4], $0x1000  }
0x13f: {  	[sflag:s4] =	ssyncset.done $0x0  }
0x140: {  	[sflag:s4] =	ssyncadd.s32 $0xFFFFF000  }
0x141: {  	[spmem:s10] =	stream.linear.scatter [tilespmem:s6], [sflag:$0x5], $0x800, $0x38;
	[tilespmem:$0x7000] =	vst v63  }
0x142: {  	_ =	swait.ge [sflag:s4], $0x800  }
0x143: {  	[sflag:s4] =	ssyncset.done $0x0  }
0x144: {  	[sflag:s4] =	ssyncadd.s32 $0xFFFFF800  }
0x145: {  	[spmem:s9] =	stream.linear.scatter [tilespmem:s6], [sflag:$0x5], $0x800, $0x38;
	[tilespmem:$0x7000] =	vst v63  }
0x146: {  	_ =	swait.ge [sflag:s4], $0x800  }
0x147: {  	[sflag:s4] =	ssyncset.done $0x0  }
0x148: {  	[sflag:s4] =	ssyncadd.s32 $0xFFFFF800  }
0x149: {  	[spmem:s8] =	stream.linear.scatter [tilespmem:s6], [sflag:$0x5], $0x800, $0x38;
	[tilespmem:$0x7000] =	vst v63  }
0x14a: {  	_ =	swait.ge [sflag:s4], $0x800  }
0x14b: {  	[sflag:s4] =	ssyncset.done $0x0  }
0x14c: {  	[sflag:s4] =	ssyncadd.s32 $0xFFFFF800  }
0x14d: {  	[spmem:s7] =	stream.linear.scatter [tilespmem:s6], [sflag:$0x5], $0x800, $0x38;
	[tilespmem:$0x7000] =	vst v63  }
0x14e: {  	_ =	swait.ge [sflag:s4], $0x800  }
0x14f: {  	[sflag:s4] =	ssyncset.done $0x0  }
0x150: {  	[sflag:s4] =	ssyncadd.s32 $0xFFFFF800  }
0x151: {  	[spmem:s5] =	stream.linear.scatter [tilespmem:s6], [sflag:$0x5], $0x800, $0x38;
	[tilespmem:$0x7000] =	vst v63  }
0x152: {  	_ =	swait.ge [sflag:s4], $0x800  }
0x153: {  	[sflag:s4] =	ssyncset.done $0x0  }
0x154: {  	[sflag:s4] =	ssyncadd.s32 $0xFFFFF800  }
0x155: {  	[bflag:$0x0] =	sbarrier.arrive $0xFFFF  }
0x156: {  	[spmem:s3] =	stream.indirect.scatter.add.f32 [tilespmem:s11], [sflag:$0x1], $0x10, s2, s13, $0xb8;
	[tilespmem:$0x7000] =	vst v63  }
0x157: {  	_ = 	snop  }
0x158: {  	[spmem:s3] =	stream.indirect.scatter.add.f32 [tilespmem:s11], [sflag:$0x2], $0x10, s13, s13, $0xb8;
	[tilespmem:$0x7000] =	vst v63  }
0x159: {  	s0 =	rddreg [dreg:$0xb]  }
0x15a: {  	[spmem:s3] =	stream.indirect.scatter.add.f32 [tilespmem:s11], [sflag:$0x3], $0x10, s0, s13, $0xb8;
	[tilespmem:$0x7000] =	vst v63  }
0x15b: {  	s17 =	rddreg [dreg:$0xc]  }
0x15c: {  	[spmem:s3] =	stream.indirect.scatter.add.f32 [tilespmem:s11], [sflag:$0x4], $0x10, s17, s13, $0xb8;
	[tilespmem:$0x7000] =	vst v63  }
0x15d: {  	_ =	swait.ge [sflag:s14], $0x1000  }
0x15e: {  	[sflag:s14] =	ssyncset.done $0x0  }
0x15f: {  	[sflag:s14] =	ssyncadd.s32 $0xFFFFF000  }
0x160: {  	_ =	swait.ge [sflag:s15], $0x1000  }
0x161: {  	[sflag:s15] =	ssyncset.done $0x0  }
0x162: {  	[sflag:s15] =	ssyncadd.s32 $0xFFFFF000  }
0x163: {  	_ =	swait.ge [sflag:s16], $0x1000  }
0x164: {  	[sflag:s16] =	ssyncset.done $0x0  }
0x165: {  	[sflag:s16] =	ssyncadd.s32 $0xFFFFF000  }
0x166: {  	_ =	swait.ge [sflag:s12], $0x1000  }
0x167: {  	[sflag:s12] =	ssyncset.done $0x0  }
0x168: {  	s0 =	rddreg [dreg:$0xd];
	[sflag:s12] =	ssyncadd.s32 $0xFFFFF000  }
0x169: {  	[spmem:s3] =	stream.indirect.scatter.add.f32 [tilespmem:s11], [sflag:$0x1], $0x10, s0, s13, $0xb8;
	[tilespmem:$0x7000] =	vst v63  }
0x16a: {  	s17 =	rddreg [dreg:$0xe]  }
0x16b: {  	[spmem:s3] =	stream.indirect.scatter.add.f32 [tilespmem:s11], [sflag:$0x2], $0x10, s17, s13, $0xb8;
	[tilespmem:$0x7000] =	vst v63  }
0x16c: {  	s0 =	rddreg [dreg:$0xf]  }
0x16d: {  	[spmem:s3] =	stream.indirect.scatter.add.f32 [tilespmem:s11], [sflag:$0x3], $0x10, s0, s13, $0xb8;
	[tilespmem:$0x7000] =	vst v63  }
0x16e: {  	s17 =	rddreg [dreg:$0x10]  }
0x16f: {  	[spmem:s3] =	stream.indirect.scatter.add.f32 [tilespmem:s11], [sflag:$0x4], $0x10, s17, s13, $0xb8;
	[tilespmem:$0x7000] =	vst v63  }
0x170: {  	_ =	swait.ge [sflag:s14], $0x1000  }
0x171: {  	[sflag:s14] =	ssyncset.done $0x0  }
0x172: {  	[sflag:s14] =	ssyncadd.s32 $0xFFFFF000  }
0x173: {  	_ =	swait.ge [sflag:s15], $0x1000  }
0x174: {  	[sflag:s15] =	ssyncset.done $0x0  }
0x175: {  	[sflag:s15] =	ssyncadd.s32 $0xFFFFF000  }
0x176: {  	_ =	swait.ge [sflag:s16], $0x1000  }
0x177: {  	[sflag:s16] =	ssyncset.done $0x0  }
0x178: {  	[sflag:s16] =	ssyncadd.s32 $0xFFFFF000  }
0x179: {  	_ =	swait.ge [sflag:s12], $0x1000  }
0x17a: {  	[sflag:s12] =	ssyncset.done $0x0  }
0x17b: {  	s0 =	rddreg [dreg:$0x11];
	[sflag:s12] =	ssyncadd.s32 $0xFFFFF000  }
0x17c: {  	[spmem:s3] =	stream.indirect.scatter.add.f32 [tilespmem:s11], [sflag:$0x1], $0x10, s0, s13, $0xb8;
	[tilespmem:$0x7000] =	vst v63  }
0x17d: {  	s17 =	rddreg [dreg:$0x12]  }
0x17e: {  	[spmem:s3] =	stream.indirect.scatter.add.f32 [tilespmem:s11], [sflag:$0x2], $0x10, s17, s13, $0xb8;
	[tilespmem:$0x7000] =	vst v63  }
0x17f: {  	s0 =	rddreg [dreg:$0x13]  }
0x180: {  	[spmem:s3] =	stream.indirect.scatter.add.f32 [tilespmem:s11], [sflag:$0x3], $0x10, s0, s13, $0xb8;
	[tilespmem:$0x7000] =	vst v63  }
0x181: {  	s17 =	rddreg [dreg:$0x14]  }
0x182: {  	[spmem:s3] =	stream.indirect.scatter.add.f32 [tilespmem:s11], [sflag:$0x4], $0x10, s17, s13, $0xb8;
	[tilespmem:$0x7000] =	vst v63  }
0x183: {  	_ =	swait.ge [sflag:s14], $0x1000  }
0x184: {  	[sflag:s14] =	ssyncset.done $0x0  }
0x185: {  	[sflag:s14] =	ssyncadd.s32 $0xFFFFF000  }
0x186: {  	_ =	swait.ge [sflag:s15], $0x1000  }
0x187: {  	[sflag:s15] =	ssyncset.done $0x0  }
0x188: {  	[sflag:s15] =	ssyncadd.s32 $0xFFFFF000  }
0x189: {  	_ =	swait.ge [sflag:s16], $0x1000  }
0x18a: {  	[sflag:s16] =	ssyncset.done $0x0  }
0x18b: {  	[sflag:s16] =	ssyncadd.s32 $0xFFFFF000  }
0x18c: {  	_ =	swait.ge [sflag:s12], $0x1000  }
0x18d: {  	[sflag:s12] =	ssyncset.done $0x0  }
0x18e: {  	s0 =	rddreg [dreg:$0x15];
	[sflag:s12] =	ssyncadd.s32 $0xFFFFF000  }
0x18f: {  	[spmem:s3] =	stream.indirect.scatter.add.f32 [tilespmem:s11], [sflag:$0x1], $0x10, s0, s13, $0xb8;
	[tilespmem:$0x7000] =	vst v63  }
0x190: {  	s17 =	rddreg [dreg:$0x16]  }
0x191: {  	[spmem:s3] =	stream.indirect.scatter.add.f32 [tilespmem:s11], [sflag:$0x2], $0x10, s17, s13, $0xb8;
	[tilespmem:$0x7000] =	vst v63  }
0x192: {  	s0 =	rddreg [dreg:$0x17]  }
0x193: {  	[spmem:s3] =	stream.indirect.scatter.add.f32 [tilespmem:s11], [sflag:$0x3], $0x10, s0, s13, $0xb8;
	[tilespmem:$0x7000] =	vst v63  }
0x194: {  	s17 =	rddreg [dreg:$0x18]  }
0x195: {  	[spmem:s3] =	stream.indirect.scatter.add.f32 [tilespmem:s11], [sflag:$0x4], $0x10, s17, s13, $0xb8;
	[tilespmem:$0x7000] =	vst v63  }
0x196: {  	_ =	swait.ge [sflag:s14], $0x1000  }
0x197: {  	[sflag:s14] =	ssyncset.done $0x0  }
0x198: {  	[sflag:s14] =	ssyncadd.s32 $0xFFFFF000  }
0x199: {  	_ =	swait.ge [sflag:s15], $0x1000  }
0x19a: {  	[sflag:s15] =	ssyncset.done $0x0  }
0x19b: {  	[sflag:s15] =	ssyncadd.s32 $0xFFFFF000  }
0x19c: {  	_ =	swait.ge [sflag:s16], $0x1000  }
0x19d: {  	[sflag:s16] =	ssyncset.done $0x0  }
0x19e: {  	[sflag:s16] =	ssyncadd.s32 $0xFFFFF000  }
0x19f: {  	_ =	swait.ge [sflag:s12], $0x1000  }
0x1a0: {  	[sflag:s12] =	ssyncset.done $0x0  }
0x1a1: {  	s0 =	rddreg [dreg:$0x19];
	[sflag:s12] =	ssyncadd.s32 $0xFFFFF000  }
0x1a2: {  	[spmem:s3] =	stream.indirect.scatter.add.f32 [tilespmem:s11], [sflag:$0x1], $0x10, s0, s13, $0xb8;
	[tilespmem:$0x7000] =	vst v63  }
0x1a3: {  	s17 =	rddreg [dreg:$0x1a]  }
0x1a4: {  	[spmem:s3] =	stream.indirect.scatter.add.f32 [tilespmem:s11], [sflag:$0x2], $0x10, s17, s13, $0xb8;
	[tilespmem:$0x7000] =	vst v63  }
0x1a5: {  	s0 =	rddreg [dreg:$0x1b]  }
0x1a6: {  	[spmem:s3] =	stream.indirect.scatter.add.f32 [tilespmem:s11], [sflag:$0x3], $0x10, s0, s13, $0xb8;
	[tilespmem:$0x7000] =	vst v63  }
0x1a7: {  	s17 =	rddreg [dreg:$0x1c]  }
0x1a8: {  	[spmem:s3] =	stream.indirect.scatter.add.f32 [tilespmem:s11], [sflag:$0x4], $0x10, s17, s13, $0xb8;
	[tilespmem:$0x7000] =	vst v63  }
0x1a9: {  	_ =	swait.ge [sflag:s14], $0x1000  }
0x1aa: {  	[sflag:s14] =	ssyncset.done $0x0  }
0x1ab: {  	[sflag:s14] =	ssyncadd.s32 $0xFFFFF000  }
0x1ac: {  	_ =	swait.ge [sflag:s15], $0x1000  }
0x1ad: {  	[sflag:s15] =	ssyncset.done $0x0  }
0x1ae: {  	[sflag:s15] =	ssyncadd.s32 $0xFFFFF000  }
0x1af: {  	_ =	swait.ge [sflag:s16], $0x1000  }
0x1b0: {  	[sflag:s16] =	ssyncset.done $0x0  }
0x1b1: {  	[sflag:s16] =	ssyncadd.s32 $0xFFFFF000  }
0x1b2: {  	_ =	swait.ge [sflag:s12], $0x1000  }
0x1b3: {  	s0 =	rddreg [dreg:$0x1d];
	[sflag:s12] =	ssyncset.done $0x0  }
0x1b4: {  	s17 =	rddreg [dreg:$0x1e];
	[sflag:s12] =	ssyncadd.s32 $0xFFFFF000  }
0x1b5: {  	[spmem:s3] =	stream.indirect.scatter.add.f32 [tilespmem:s11], [sflag:$0x1], $0x10, s0, s13, $0xb8;
	[tilespmem:$0x7000] =	vst v63  }
0x1b6: {  	s0 =	rddreg [dreg:$0x1f]  }
0x1b7: {  	[spmem:s3] =	stream.indirect.scatter.add.f32 [tilespmem:s11], [sflag:$0x2], $0x10, s17, s13, $0xb8;
	[tilespmem:$0x7000] =	vst v63  }
0x1b8: {  	s17 =	sld [smem:$0x7FB]  }
0x1b9: {  	[spmem:s3] =	stream.indirect.scatter.add.f32 [tilespmem:s11], [sflag:$0x3], $0x10, s0, s13, $0xb8;
	[tilespmem:$0x7000] =	vst v63  }
0x1ba: {  	_ = 	snop  }
0x1bb: {  	[spmem:s3] =	stream.indirect.scatter.add.f32 [tilespmem:s11], [sflag:$0x4], $0x10, s17, s13, $0xb8;
	[tilespmem:$0x7000] =	vst v63  }
0x1bc: {  	_ =	swait.ge [sflag:s14], $0x1000  }
0x1bd: {  	[sflag:s14] =	ssyncset.done $0x0  }
0x1be: {  	[sflag:s14] =	ssyncadd.s32 $0xFFFFF000  }
0x1bf: {  	_ =	swait.ge [sflag:s15], $0x1000  }
0x1c0: {  	[sflag:s15] =	ssyncset.done $0x0  }
0x1c1: {  	[sflag:s15] =	ssyncadd.s32 $0xFFFFF000  }
0x1c2: {  	_ =	swait.ge [sflag:s16], $0x1000  }
0x1c3: {  	[sflag:s16] =	ssyncset.done $0x0  }
0x1c4: {  	[sflag:s16] =	ssyncadd.s32 $0xFFFFF000  }
0x1c5: {  	_ =	swait.ge [sflag:s12], $0x1000  }
0x1c6: {  	s0 =	sld [smem:$0x7FC]  }
0x1c7: {  	[sflag:s12] =	ssyncset.done $0x0  }
0x1c8: {  	s17 =	sld [smem:$0x7FD];
	[sflag:s12] =	ssyncadd.s32 $0xFFFFF000  }
0x1c9: {  	[spmem:s3] =	stream.indirect.scatter.add.f32 [tilespmem:s11], [sflag:$0x1], $0x10, s0, s13, $0xb8;
	[tilespmem:$0x7000] =	vst v63  }
0x1ca: {  	_ = 	snop  }
0x1cb: {  	[spmem:s3] =	stream.indirect.scatter.add.f32 [tilespmem:s11], [sflag:$0x2], $0x10, s17, s13, $0xb8;
	[tilespmem:$0x7000] =	vst v63  }
0x1cc: {  	_ = 	snop  }
0x1cd: {  	[spmem:s3] =	stream.indirect.scatter.add.f32 [tilespmem:s11], [sflag:$0x3], $0x10, s31, s13, $0xb8;
	[tilespmem:$0x7000] =	vst v63  }
0x1ce: {  	_ = 	snop  }
0x1cf: {  	[spmem:s3] =	stream.indirect.scatter.add.f32 [tilespmem:s11], [sflag:$0x4], $0x10, s22, s13, $0xb8;
	[tilespmem:$0x7000] =	vst v63  }
0x1d0: {  	_ =	swait.ge [sflag:s14], $0x1000  }
0x1d1: {  	[sflag:s14] =	ssyncset.done $0x0  }
0x1d2: {  	[sflag:s14] =	ssyncadd.s32 $0xFFFFF000  }
0x1d3: {  	_ =	swait.ge [sflag:s15], $0x1000  }
0x1d4: {  	[sflag:s15] =	ssyncset.done $0x0  }
0x1d5: {  	[sflag:s15] =	ssyncadd.s32 $0xFFFFF000  }
0x1d6: {  	_ =	swait.ge [sflag:s16], $0x1000  }
0x1d7: {  	[sflag:s16] =	ssyncset.done $0x0  }
0x1d8: {  	[sflag:s16] =	ssyncadd.s32 $0xFFFFF000  }
0x1d9: {  	_ =	swait.ge [sflag:s12], $0x1000  }
0x1da: {  	[sflag:s12] =	ssyncset.done $0x0  }
0x1db: {  	[sflag:s12] =	ssyncadd.s32 $0xFFFFF000  }
0x1dc: {  	[spmem:s3] =	stream.indirect.scatter.add.f32 [tilespmem:s11], [sflag:$0x1], $0x10, s26, s13, $0xb8;
	[tilespmem:$0x7000] =	vst v63  }
0x1dd: {  	_ = 	snop  }
0x1de: {  	[spmem:s3] =	stream.indirect.scatter.add.f32 [tilespmem:s11], [sflag:$0x2], $0x10, s28, s13, $0xb8;
	[tilespmem:$0x7000] =	vst v63  }
0x1df: {  	_ = 	snop  }
0x1e0: {  	[spmem:s3] =	stream.indirect.scatter.add.f32 [tilespmem:s11], [sflag:$0x3], $0x10, s29, s13, $0xb8;
	[tilespmem:$0x7000] =	vst v63  }
0x1e1: {  	_ = 	snop  }
0x1e2: {  	[spmem:s3] =	stream.indirect.scatter.add.f32 [tilespmem:s11], [sflag:$0x4], $0x10, s30, s13, $0xb8;
	[tilespmem:$0x7000] =	vst v63  }
0x1e3: {  	_ =	swait.ge [sflag:s14], $0x1000  }
0x1e4: {  	[sflag:s14] =	ssyncset.done $0x0  }
0x1e5: {  	[sflag:s14] =	ssyncadd.s32 $0xFFFFF000  }
0x1e6: {  	_ =	swait.ge [sflag:s15], $0x1000  }
0x1e7: {  	[sflag:s15] =	ssyncset.done $0x0  }
0x1e8: {  	[sflag:s15] =	ssyncadd.s32 $0xFFFFF000  }
0x1e9: {  	_ =	swait.ge [sflag:s16], $0x1000  }
0x1ea: {  	[sflag:s16] =	ssyncset.done $0x0  }
0x1eb: {  	[sflag:s16] =	ssyncadd.s32 $0xFFFFF000  }
0x1ec: {  	_ =	swait.ge [sflag:s12], $0x1000  }
0x1ed: {  	[sflag:s12] =	ssyncset.done $0x0  }
0x1ee: {  	s17 =	simm.s32 $0x2000;
	[sflag:s12] =	ssyncadd.s32 $0xFFFFF000  }
0x1ef: {  	[spmem:s3] =	stream.indirect.scatter.add.f32 [tilespmem:s11], [sflag:$0x1], $0x10, s17, s13, $0xb8;
	[tilespmem:$0x7000] =	vst v63  }
0x1f0: {  	_ = 	snop  }
0x1f1: {  	[spmem:s3] =	stream.indirect.scatter.add.f32 [tilespmem:s11], [sflag:$0x2], $0x10, s23, s13, $0xb8;
	[tilespmem:$0x7000] =	vst v63  }
0x1f2: {  	_ = 	snop  }
0x1f3: {  	[spmem:s3] =	stream.indirect.scatter.add.f32 [tilespmem:s11], [sflag:$0x3], $0x10, s24, s13, $0xb8;
	[tilespmem:$0x7000] =	vst v63  }
0x1f4: {  	_ = 	snop  }
0x1f5: {  	[spmem:s3] =	stream.indirect.scatter.add.f32 [tilespmem:s11], [sflag:$0x4], $0x10, s25, s13, $0xb8;
	[tilespmem:$0x7000] =	vst v63  }
0x1f6: {  	_ =	swait.ge [sflag:s14], $0x1000  }
0x1f7: {  	[sflag:s14] =	ssyncset.done $0x0  }
0x1f8: {  	[sflag:s14] =	ssyncadd.s32 $0xFFFFF000  }
0x1f9: {  	_ =	swait.ge [sflag:s15], $0x1000  }
0x1fa: {  	[sflag:s15] =	ssyncset.done $0x0  }
0x1fb: {  	[sflag:s15] =	ssyncadd.s32 $0xFFFFF000  }
0x1fc: {  	_ =	swait.ge [sflag:s16], $0x1000  }
0x1fd: {  	[sflag:s16] =	ssyncset.done $0x0  }
0x1fe: {  	[sflag:s16] =	ssyncadd.s32 $0xFFFFF000  }
0x1ff: {  	_ =	swait.ge [sflag:s12], $0x1000  }
0x200: {  	[sflag:s12] =	ssyncset.done $0x0  }
0x201: {  	[sflag:s12] =	ssyncadd.s32 $0xFFFFF000  }
0x202: {  	[spmem:s3] =	stream.indirect.scatter.add.f32 [tilespmem:s11], [sflag:$0x1], $0x10, s18, s13, $0xb8;
	[tilespmem:$0x7000] =	vst v63  }
0x203: {  	_ = 	snop  }
0x204: {  	[spmem:s3] =	stream.indirect.scatter.add.f32 [tilespmem:s11], [sflag:$0x2], $0x10, s19, s13, $0xb8;
	[tilespmem:$0x7000] =	vst v63  }
0x205: {  	_ = 	snop  }
0x206: {  	[spmem:s3] =	stream.indirect.scatter.add.f32 [tilespmem:s11], [sflag:$0x3], $0x10, s20, s13, $0xb8;
	[tilespmem:$0x7000] =	vst v63  }
0x207: {  	_ = 	snop  }
0x208: {  	[spmem:s3] =	stream.indirect.scatter.add.f32 [tilespmem:s11], [sflag:$0x4], $0x10, s21, s13, $0xb8;
	[tilespmem:$0x7000] =	vst v63  }
0x209: {  	_ =	swait.ge [sflag:s14], $0x1000  }
0x20a: {  	[sflag:s14] =	ssyncset.done $0x0  }
0x20b: {  	[sflag:s14] =	ssyncadd.s32 $0xFFFFF000  }
0x20c: {  	_ =	swait.ge [sflag:s15], $0x1000  }
0x20d: {  	[sflag:s15] =	ssyncset.done $0x0  }
0x20e: {  	[sflag:s15] =	ssyncadd.s32 $0xFFFFF000  }
0x20f: {  	_ =	swait.ge [sflag:s16], $0x1000  }
0x210: {  	[sflag:s16] =	ssyncset.done $0x0  }
0x211: {  	[sflag:s16] =	ssyncadd.s32 $0xFFFFF000  }
0x212: {  	_ =	swait.ge [sflag:s12], $0x1000  }
0x213: {  	[sflag:s12] =	ssyncset.done $0x0  }
0x214: {  	[sflag:s12] =	ssyncadd.s32 $0xFFFFF000  }
0x215: {  	[bflag:$0x0] =	sbarrier.arrive $0xFFFF  }
0x216: {  	[tilespmem:s6], [sflag:$0x5] =	stream.linear.gather [spmem:s10], $0x800, $0x38;
	[tilespmem:$0x7000] =	vst v63  }
0x217: {  	_ =	swait.ge [sflag:s4], $0x800  }
0x218: {  	[sflag:s4] =	ssyncset.done $0x0  }
0x219: {  	s17 =	rddreg [dreg:$0x6];
	[sflag:s4] =	ssyncadd.s32 $0xFFFFF800  }
0x21a: {  	[hbm4b:s17+s2] =	stream.linear.scatter [tilespmem:s6], [sflag:$0x5], $0x800, $0x38;
	[tilespmem:$0x7000] =	vst v63  }
0x21b: {  	_ =	swait.ge [sflag:s4], $0x800  }
0x21c: {  	[sflag:s4] =	ssyncset.done $0x0  }
0x21d: {  	[sflag:s4] =	ssyncadd.s32 $0xFFFFF800  }
0x21e: {  	[tilespmem:s6], [sflag:$0x5] =	stream.linear.gather [spmem:s9], $0x800, $0x38;
	[tilespmem:$0x7000] =	vst v63  }
0x21f: {  	_ =	swait.ge [sflag:s4], $0x800  }
0x220: {  	[sflag:s4] =	ssyncset.done $0x0  }
0x221: {  	s17 =	rddreg [dreg:$0x7];
	[sflag:s4] =	ssyncadd.s32 $0xFFFFF800  }
0x222: {  	[hbm4b:s17+s2] =	stream.linear.scatter [tilespmem:s6], [sflag:$0x5], $0x800, $0x38;
	[tilespmem:$0x7000] =	vst v63  }
0x223: {  	_ =	swait.ge [sflag:s4], $0x800  }
0x224: {  	[sflag:s4] =	ssyncset.done $0x0  }
0x225: {  	[sflag:s4] =	ssyncadd.s32 $0xFFFFF800  }
0x226: {  	[tilespmem:s6], [sflag:$0x5] =	stream.linear.gather [spmem:s8], $0x800, $0x38;
	[tilespmem:$0x7000] =	vst v63  }
0x227: {  	_ =	swait.ge [sflag:s4], $0x800  }
0x228: {  	[sflag:s4] =	ssyncset.done $0x0  }
0x229: {  	s17 =	rddreg [dreg:$0x8];
	[sflag:s4] =	ssyncadd.s32 $0xFFFFF800  }
0x22a: {  	[hbm4b:s17+s2] =	stream.linear.scatter [tilespmem:s6], [sflag:$0x5], $0x800, $0x38;
	[tilespmem:$0x7000] =	vst v63  }
0x22b: {  	_ =	swait.ge [sflag:s4], $0x800  }
0x22c: {  	[sflag:s4] =	ssyncset.done $0x0  }
0x22d: {  	[sflag:s4] =	ssyncadd.s32 $0xFFFFF800  }
0x22e: {  	[tilespmem:s6], [sflag:$0x5] =	stream.linear.gather [spmem:s7], $0x800, $0x38;
	[tilespmem:$0x7000] =	vst v63  }
0x22f: {  	_ =	swait.ge [sflag:s4], $0x800  }
0x230: {  	[sflag:s4] =	ssyncset.done $0x0  }
0x231: {  	s17 =	rddreg [dreg:$0x9];
	[sflag:s4] =	ssyncadd.s32 $0xFFFFF800  }
0x232: {  	[hbm4b:s17+s2] =	stream.linear.scatter [tilespmem:s6], [sflag:$0x5], $0x800, $0x38;
	[tilespmem:$0x7000] =	vst v63  }
0x233: {  	_ =	swait.ge [sflag:s4], $0x800  }
0x234: {  	[sflag:s4] =	ssyncset.done $0x0  }
0x235: {  	[sflag:s4] =	ssyncadd.s32 $0xFFFFF800  }
0x236: {  	[tilespmem:s6], [sflag:$0x5] =	stream.linear.gather [spmem:s5], $0x800, $0x38;
	[tilespmem:$0x7000] =	vst v63  }
0x237: {  	p1 =	sne.s32 s1, $0x1;
	_ =	swait.ge [sflag:s4], $0x800  }
.Ltmp2:
0x238: {  	[sflag:s4] =	ssyncset.done $0x0;
	(pc) =	sbr.rel @p1 .LBB2_4-.Ltmp2, $4  }
0x239: {  	s17 =	rddreg [dreg:$0xa];
	[sflag:s4] =	ssyncadd.s32 $0xFFFFF800  }
0x23a: {  	[hbm4b:s17+s2] =	stream.linear.scatter [tilespmem:s6], [sflag:$0x5], $0x800, $0x38;
	[tilespmem:$0x7000] =	vst v63  }
0x23b: {  	_ =	swait.ge [sflag:s4], $0x800  }
0x23c: {  	s1 =	sadd.s32 $0xFFFFFFFF, s1;
	s0 =	rddreg [dreg:$0x5];
	[sflag:s4] =	ssyncset.done $0x0  }
0x23d: {  	s21 =	simm.s32 $0x1B00;
	s31 =	simm.s32 $0x1A00  }
0x23e: {  	s30 =	simm.s32 $0x1F00;
	s29 =	simm.s32 $0x1E00;
	s28 =	simm.s32 $0x1D00  }
0x23f: {  	s26 =	simm.s32 $0x1C00;
	s25 =	simm.s32 $0x2300;
	s24 =	simm.s32 $0x2200  }
0x240: {  	s23 =	simm.s32 $0x2100;
	s22 =	simm.s32 $0x2000;
	s20 =	simm.s32 $0x2600  }
0x241: {  	s19 =	simm.s32 $0x2500;
	s18 =	simm.s32 $0x2400;
	s17 =	stileid.u32  }
.LBB2_6:
0x242: {  	[sflag:s4] =	ssyncadd.s32 @p0 $0xFFFFF800  }
0x243: {  	[tilespmem:s2], [sflag:$0x5] =	stream.linear.gather [hbm4b:s0+s2], $0x2800, $0x38;
	[tilespmem:$0x7000] =	vst v63  }
0x244: {  	_ =	swait.ge [sflag:s4], $0x2800  }
0x245: {  	[sflag:s4] =	ssyncset.done $0x0  }
0x246: {  	s1 =	rddreg [dreg:$0x4];
	[sflag:s4] =	ssyncadd.s32 $0xFFFFD800  }
0x247: {  	[tilespmem:s6], [sflag:$0x5] =	stream.linear.gather [hbm4b:s1+s2], $0x1000, $0x38;
	[tilespmem:$0x7000] =	vst v63  }
0x248: {  	_ =	swait.ge [sflag:s4], $0x1000  }
0x249: {  	[sflag:s4] =	ssyncset.done $0x0  }
0x24a: {  	s1 =	rddreg [dreg:$0x3];
	[sflag:s4] =	ssyncadd.s32 $0xFFFFF000  }
0x24b: {  	[tilespmem:s11], [sflag:$0x5] =	stream.linear.gather [hbm4b:s1+s2], $0x1000, $0x38;
	[tilespmem:$0x7000] =	vst v63  }
0x24c: {  	_ =	swait.ge [sflag:s4], $0x1000  }
0x24d: {  	[sflag:s4] =	ssyncset.done $0x0  }
0x24e: {  	[sflag:s4] =	ssyncadd.s32 $0xFFFFF000  }
0x24f: {  	[spmem:s10] =	stream.linear.scatter [tilespmem:s6], [sflag:$0x5], $0x800, $0x38;
	[tilespmem:$0x7000] =	vst v63  }
0x250: {  	_ =	swait.ge [sflag:s4], $0x800  }
0x251: {  	[sflag:s4] =	ssyncset.done $0x0  }
0x252: {  	[sflag:s4] =	ssyncadd.s32 $0xFFFFF800  }
0x253: {  	[spmem:s9] =	stream.linear.scatter [tilespmem:s6], [sflag:$0x5], $0x800, $0x38;
	[tilespmem:$0x7000] =	vst v63  }
0x254: {  	_ =	swait.ge [sflag:s4], $0x800  }
0x255: {  	[sflag:s4] =	ssyncset.done $0x0  }
0x256: {  	[sflag:s4] =	ssyncadd.s32 $0xFFFFF800  }
0x257: {  	[spmem:s8] =	stream.linear.scatter [tilespmem:s6], [sflag:$0x5], $0x800, $0x38;
	[tilespmem:$0x7000] =	vst v63  }
0x258: {  	_ =	swait.ge [sflag:s4], $0x800  }
0x259: {  	[sflag:s4] =	ssyncset.done $0x0  }
0x25a: {  	[sflag:s4] =	ssyncadd.s32 $0xFFFFF800  }
0x25b: {  	[spmem:s7] =	stream.linear.scatter [tilespmem:s6], [sflag:$0x5], $0x800, $0x38;
	[tilespmem:$0x7000] =	vst v63  }
0x25c: {  	_ =	swait.ge [sflag:s4], $0x800  }
0x25d: {  	[sflag:s4] =	ssyncset.done $0x0  }
0x25e: {  	[sflag:s4] =	ssyncadd.s32 $0xFFFFF800  }
0x25f: {  	[spmem:s5] =	stream.linear.scatter [tilespmem:s6], [sflag:$0x5], $0x800, $0x38;
	[tilespmem:$0x7000] =	vst v63  }
0x260: {  	_ =	swait.ge [sflag:s4], $0x800  }
0x261: {  	[sflag:s4] =	ssyncset.done $0x0  }
0x262: {  	[sflag:s4] =	ssyncadd.s32 $0xFFFFF800  }
0x263: {  	[bflag:$0x0] =	sbarrier.arrive $0xFFFF  }
0x264: {  	[spmem:s3] =	stream.indirect.scatter.add.f32 [tilespmem:s11], [sflag:$0x1], $0x10, s2, s13, $0xb8;
	[tilespmem:$0x7000] =	vst v63  }
0x265: {  	_ = 	snop  }
0x266: {  	[spmem:s3] =	stream.indirect.scatter.add.f32 [tilespmem:s11], [sflag:$0x2], $0x10, s13, s13, $0xb8;
	[tilespmem:$0x7000] =	vst v63  }
0x267: {  	s0 =	rddreg [dreg:$0xb]  }
0x268: {  	[spmem:s3] =	stream.indirect.scatter.add.f32 [tilespmem:s11], [sflag:$0x3], $0x10, s0, s13, $0xb8;
	[tilespmem:$0x7000] =	vst v63  }
0x269: {  	s1 =	rddreg [dreg:$0xc]  }
0x26a: {  	[spmem:s3] =	stream.indirect.scatter.add.f32 [tilespmem:s11], [sflag:$0x4], $0x10, s1, s13, $0xb8;
	[tilespmem:$0x7000] =	vst v63  }
0x26b: {  	_ =	swait.ge [sflag:s14], $0x1000  }
0x26c: {  	[sflag:s14] =	ssyncset.done $0x0  }
0x26d: {  	[sflag:s14] =	ssyncadd.s32 $0xFFFFF000  }
0x26e: {  	_ =	swait.ge [sflag:s15], $0x1000  }
0x26f: {  	[sflag:s15] =	ssyncset.done $0x0  }
0x270: {  	[sflag:s15] =	ssyncadd.s32 $0xFFFFF000  }
0x271: {  	_ =	swait.ge [sflag:s16], $0x1000  }
0x272: {  	[sflag:s16] =	ssyncset.done $0x0  }
0x273: {  	[sflag:s16] =	ssyncadd.s32 $0xFFFFF000  }
0x274: {  	_ =	swait.ge [sflag:s12], $0x1000  }
0x275: {  	[sflag:s12] =	ssyncset.done $0x0  }
0x276: {  	s0 =	rddreg [dreg:$0xd];
	[sflag:s12] =	ssyncadd.s32 $0xFFFFF000  }
0x277: {  	[spmem:s3] =	stream.indirect.scatter.add.f32 [tilespmem:s11], [sflag:$0x1], $0x10, s0, s13, $0xb8;
	[tilespmem:$0x7000] =	vst v63  }
0x278: {  	s1 =	rddreg [dreg:$0xe]  }
0x279: {  	[spmem:s3] =	stream.indirect.scatter.add.f32 [tilespmem:s11], [sflag:$0x2], $0x10, s1, s13, $0xb8;
	[tilespmem:$0x7000] =	vst v63  }
0x27a: {  	s0 =	rddreg [dreg:$0xf]  }
0x27b: {  	[spmem:s3] =	stream.indirect.scatter.add.f32 [tilespmem:s11], [sflag:$0x3], $0x10, s0, s13, $0xb8;
	[tilespmem:$0x7000] =	vst v63  }
0x27c: {  	s1 =	rddreg [dreg:$0x10]  }
0x27d: {  	[spmem:s3] =	stream.indirect.scatter.add.f32 [tilespmem:s11], [sflag:$0x4], $0x10, s1, s13, $0xb8;
	[tilespmem:$0x7000] =	vst v63  }
0x27e: {  	_ =	swait.ge [sflag:s14], $0x1000  }
0x27f: {  	[sflag:s14] =	ssyncset.done $0x0  }
0x280: {  	[sflag:s14] =	ssyncadd.s32 $0xFFFFF000  }
0x281: {  	_ =	swait.ge [sflag:s15], $0x1000  }
0x282: {  	[sflag:s15] =	ssyncset.done $0x0  }
0x283: {  	[sflag:s15] =	ssyncadd.s32 $0xFFFFF000  }
0x284: {  	_ =	swait.ge [sflag:s16], $0x1000  }
0x285: {  	[sflag:s16] =	ssyncset.done $0x0  }
0x286: {  	[sflag:s16] =	ssyncadd.s32 $0xFFFFF000  }
0x287: {  	_ =	swait.ge [sflag:s12], $0x1000  }
0x288: {  	[sflag:s12] =	ssyncset.done $0x0  }
0x289: {  	s0 =	rddreg [dreg:$0x11];
	[sflag:s12] =	ssyncadd.s32 $0xFFFFF000  }
0x28a: {  	[spmem:s3] =	stream.indirect.scatter.add.f32 [tilespmem:s11], [sflag:$0x1], $0x10, s0, s13, $0xb8;
	[tilespmem:$0x7000] =	vst v63  }
0x28b: {  	s1 =	rddreg [dreg:$0x12]  }
0x28c: {  	[spmem:s3] =	stream.indirect.scatter.add.f32 [tilespmem:s11], [sflag:$0x2], $0x10, s1, s13, $0xb8;
	[tilespmem:$0x7000] =	vst v63  }
0x28d: {  	s0 =	rddreg [dreg:$0x13]  }
0x28e: {  	[spmem:s3] =	stream.indirect.scatter.add.f32 [tilespmem:s11], [sflag:$0x3], $0x10, s0, s13, $0xb8;
	[tilespmem:$0x7000] =	vst v63  }
0x28f: {  	s1 =	rddreg [dreg:$0x14]  }
0x290: {  	[spmem:s3] =	stream.indirect.scatter.add.f32 [tilespmem:s11], [sflag:$0x4], $0x10, s1, s13, $0xb8;
	[tilespmem:$0x7000] =	vst v63  }
0x291: {  	_ =	swait.ge [sflag:s14], $0x1000  }
0x292: {  	[sflag:s14] =	ssyncset.done $0x0  }
0x293: {  	[sflag:s14] =	ssyncadd.s32 $0xFFFFF000  }
0x294: {  	_ =	swait.ge [sflag:s15], $0x1000  }
0x295: {  	[sflag:s15] =	ssyncset.done $0x0  }
0x296: {  	[sflag:s15] =	ssyncadd.s32 $0xFFFFF000  }
0x297: {  	_ =	swait.ge [sflag:s16], $0x1000  }
0x298: {  	[sflag:s16] =	ssyncset.done $0x0  }
0x299: {  	[sflag:s16] =	ssyncadd.s32 $0xFFFFF000  }
0x29a: {  	_ =	swait.ge [sflag:s12], $0x1000  }
0x29b: {  	[sflag:s12] =	ssyncset.done $0x0  }
0x29c: {  	s0 =	rddreg [dreg:$0x15];
	[sflag:s12] =	ssyncadd.s32 $0xFFFFF000  }
0x29d: {  	[spmem:s3] =	stream.indirect.scatter.add.f32 [tilespmem:s11], [sflag:$0x1], $0x10, s0, s13, $0xb8;
	[tilespmem:$0x7000] =	vst v63  }
0x29e: {  	s1 =	rddreg [dreg:$0x16]  }
0x29f: {  	[spmem:s3] =	stream.indirect.scatter.add.f32 [tilespmem:s11], [sflag:$0x2], $0x10, s1, s13, $0xb8;
	[tilespmem:$0x7000] =	vst v63  }
0x2a0: {  	s0 =	rddreg [dreg:$0x17]  }
0x2a1: {  	[spmem:s3] =	stream.indirect.scatter.add.f32 [tilespmem:s11], [sflag:$0x3], $0x10, s0, s13, $0xb8;
	[tilespmem:$0x7000] =	vst v63  }
0x2a2: {  	s1 =	rddreg [dreg:$0x18]  }
0x2a3: {  	[spmem:s3] =	stream.indirect.scatter.add.f32 [tilespmem:s11], [sflag:$0x4], $0x10, s1, s13, $0xb8;
	[tilespmem:$0x7000] =	vst v63  }
0x2a4: {  	_ =	swait.ge [sflag:s14], $0x1000  }
0x2a5: {  	[sflag:s14] =	ssyncset.done $0x0  }
0x2a6: {  	[sflag:s14] =	ssyncadd.s32 $0xFFFFF000  }
0x2a7: {  	_ =	swait.ge [sflag:s15], $0x1000  }
0x2a8: {  	[sflag:s15] =	ssyncset.done $0x0  }
0x2a9: {  	[sflag:s15] =	ssyncadd.s32 $0xFFFFF000  }
0x2aa: {  	_ =	swait.ge [sflag:s16], $0x1000  }
0x2ab: {  	[sflag:s16] =	ssyncset.done $0x0  }
0x2ac: {  	[sflag:s16] =	ssyncadd.s32 $0xFFFFF000  }
0x2ad: {  	_ =	swait.ge [sflag:s12], $0x1000  }
0x2ae: {  	[sflag:s12] =	ssyncset.done $0x0  }
0x2af: {  	s0 =	rddreg [dreg:$0x19];
	[sflag:s12] =	ssyncadd.s32 $0xFFFFF000  }
0x2b0: {  	[spmem:s3] =	stream.indirect.scatter.add.f32 [tilespmem:s11], [sflag:$0x1], $0x10, s0, s13, $0xb8;
	[tilespmem:$0x7000] =	vst v63  }
0x2b1: {  	s1 =	rddreg [dreg:$0x1a]  }
0x2b2: {  	[spmem:s3] =	stream.indirect.scatter.add.f32 [tilespmem:s11], [sflag:$0x2], $0x10, s1, s13, $0xb8;
	[tilespmem:$0x7000] =	vst v63  }
0x2b3: {  	s0 =	rddreg [dreg:$0x1b]  }
0x2b4: {  	[spmem:s3] =	stream.indirect.scatter.add.f32 [tilespmem:s11], [sflag:$0x3], $0x10, s0, s13, $0xb8;
	[tilespmem:$0x7000] =	vst v63  }
0x2b5: {  	s1 =	rddreg [dreg:$0x1c]  }
0x2b6: {  	[spmem:s3] =	stream.indirect.scatter.add.f32 [tilespmem:s11], [sflag:$0x4], $0x10, s1, s13, $0xb8;
	[tilespmem:$0x7000] =	vst v63  }
0x2b7: {  	_ =	swait.ge [sflag:s14], $0x1000  }
0x2b8: {  	[sflag:s14] =	ssyncset.done $0x0  }
0x2b9: {  	[sflag:s14] =	ssyncadd.s32 $0xFFFFF000  }
0x2ba: {  	_ =	swait.ge [sflag:s15], $0x1000  }
0x2bb: {  	[sflag:s15] =	ssyncset.done $0x0  }
0x2bc: {  	[sflag:s15] =	ssyncadd.s32 $0xFFFFF000  }
0x2bd: {  	_ =	swait.ge [sflag:s16], $0x1000  }
0x2be: {  	[sflag:s16] =	ssyncset.done $0x0  }
0x2bf: {  	[sflag:s16] =	ssyncadd.s32 $0xFFFFF000  }
0x2c0: {  	_ =	swait.ge [sflag:s12], $0x1000  }
0x2c1: {  	s0 =	rddreg [dreg:$0x1d];
	[sflag:s12] =	ssyncset.done $0x0  }
0x2c2: {  	s1 =	rddreg [dreg:$0x1e];
	[sflag:s12] =	ssyncadd.s32 $0xFFFFF000  }
0x2c3: {  	[spmem:s3] =	stream.indirect.scatter.add.f32 [tilespmem:s11], [sflag:$0x1], $0x10, s0, s13, $0xb8;
	[tilespmem:$0x7000] =	vst v63  }
0x2c4: {  	s0 =	rddreg [dreg:$0x1f]  }
0x2c5: {  	[spmem:s3] =	stream.indirect.scatter.add.f32 [tilespmem:s11], [sflag:$0x2], $0x10, s1, s13, $0xb8;
	[tilespmem:$0x7000] =	vst v63  }
0x2c6: {  	s1 =	sld [smem:$0x7FB]  }
0x2c7: {  	[spmem:s3] =	stream.indirect.scatter.add.f32 [tilespmem:s11], [sflag:$0x3], $0x10, s0, s13, $0xb8;
	[tilespmem:$0x7000] =	vst v63  }
0x2c8: {  	_ = 	snop  }
0x2c9: {  	[spmem:s3] =	stream.indirect.scatter.add.f32 [tilespmem:s11], [sflag:$0x4], $0x10, s1, s13, $0xb8;
	[tilespmem:$0x7000] =	vst v63  }
0x2ca: {  	_ =	swait.ge [sflag:s14], $0x1000  }
0x2cb: {  	[sflag:s14] =	ssyncset.done $0x0  }
0x2cc: {  	[sflag:s14] =	ssyncadd.s32 $0xFFFFF000  }
0x2cd: {  	_ =	swait.ge [sflag:s15], $0x1000  }
0x2ce: {  	[sflag:s15] =	ssyncset.done $0x0  }
0x2cf: {  	[sflag:s15] =	ssyncadd.s32 $0xFFFFF000  }
0x2d0: {  	_ =	swait.ge [sflag:s16], $0x1000  }
0x2d1: {  	[sflag:s16] =	ssyncset.done $0x0  }
0x2d2: {  	[sflag:s16] =	ssyncadd.s32 $0xFFFFF000  }
0x2d3: {  	_ =	swait.ge [sflag:s12], $0x1000  }
0x2d4: {  	s0 =	sld [smem:$0x7FC]  }
0x2d5: {  	[sflag:s12] =	ssyncset.done $0x0  }
0x2d6: {  	s1 =	sld [smem:$0x7FD];
	[sflag:s12] =	ssyncadd.s32 $0xFFFFF000  }
0x2d7: {  	[spmem:s3] =	stream.indirect.scatter.add.f32 [tilespmem:s11], [sflag:$0x1], $0x10, s0, s13, $0xb8;
	[tilespmem:$0x7000] =	vst v63  }
0x2d8: {  	_ = 	snop  }
0x2d9: {  	[spmem:s3] =	stream.indirect.scatter.add.f32 [tilespmem:s11], [sflag:$0x2], $0x10, s1, s13, $0xb8;
	[tilespmem:$0x7000] =	vst v63  }
0x2da: {  	_ = 	snop  }
0x2db: {  	[spmem:s3] =	stream.indirect.scatter.add.f32 [tilespmem:s11], [sflag:$0x3], $0x10, s31, s13, $0xb8;
	[tilespmem:$0x7000] =	vst v63  }
0x2dc: {  	_ = 	snop  }
0x2dd: {  	[spmem:s3] =	stream.indirect.scatter.add.f32 [tilespmem:s11], [sflag:$0x4], $0x10, s21, s13, $0xb8;
	[tilespmem:$0x7000] =	vst v63  }
0x2de: {  	_ =	swait.ge [sflag:s14], $0x1000  }
0x2df: {  	[sflag:s14] =	ssyncset.done $0x0  }
0x2e0: {  	[sflag:s14] =	ssyncadd.s32 $0xFFFFF000  }
0x2e1: {  	_ =	swait.ge [sflag:s15], $0x1000  }
0x2e2: {  	[sflag:s15] =	ssyncset.done $0x0  }
0x2e3: {  	[sflag:s15] =	ssyncadd.s32 $0xFFFFF000  }
0x2e4: {  	_ =	swait.ge [sflag:s16], $0x1000  }
0x2e5: {  	[sflag:s16] =	ssyncset.done $0x0  }
0x2e6: {  	[sflag:s16] =	ssyncadd.s32 $0xFFFFF000  }
0x2e7: {  	_ =	swait.ge [sflag:s12], $0x1000  }
0x2e8: {  	[sflag:s12] =	ssyncset.done $0x0  }
0x2e9: {  	[sflag:s12] =	ssyncadd.s32 $0xFFFFF000  }
0x2ea: {  	[spmem:s3] =	stream.indirect.scatter.add.f32 [tilespmem:s11], [sflag:$0x1], $0x10, s26, s13, $0xb8;
	[tilespmem:$0x7000] =	vst v63  }
0x2eb: {  	_ = 	snop  }
0x2ec: {  	[spmem:s3] =	stream.indirect.scatter.add.f32 [tilespmem:s11], [sflag:$0x2], $0x10, s28, s13, $0xb8;
	[tilespmem:$0x7000] =	vst v63  }
0x2ed: {  	_ = 	snop  }
0x2ee: {  	[spmem:s3] =	stream.indirect.scatter.add.f32 [tilespmem:s11], [sflag:$0x3], $0x10, s29, s13, $0xb8;
	[tilespmem:$0x7000] =	vst v63  }
0x2ef: {  	_ = 	snop  }
0x2f0: {  	[spmem:s3] =	stream.indirect.scatter.add.f32 [tilespmem:s11], [sflag:$0x4], $0x10, s30, s13, $0xb8;
	[tilespmem:$0x7000] =	vst v63  }
0x2f1: {  	_ =	swait.ge [sflag:s14], $0x1000  }
0x2f2: {  	[sflag:s14] =	ssyncset.done $0x0  }
0x2f3: {  	[sflag:s14] =	ssyncadd.s32 $0xFFFFF000  }
0x2f4: {  	_ =	swait.ge [sflag:s15], $0x1000  }
0x2f5: {  	[sflag:s15] =	ssyncset.done $0x0  }
0x2f6: {  	[sflag:s15] =	ssyncadd.s32 $0xFFFFF000  }
0x2f7: {  	_ =	swait.ge [sflag:s16], $0x1000  }
0x2f8: {  	[sflag:s16] =	ssyncset.done $0x0  }
0x2f9: {  	[sflag:s16] =	ssyncadd.s32 $0xFFFFF000  }
0x2fa: {  	_ =	swait.ge [sflag:s12], $0x1000  }
0x2fb: {  	[sflag:s12] =	ssyncset.done $0x0  }
0x2fc: {  	[sflag:s12] =	ssyncadd.s32 $0xFFFFF000  }
0x2fd: {  	[spmem:s3] =	stream.indirect.scatter.add.f32 [tilespmem:s11], [sflag:$0x1], $0x10, s22, s13, $0xb8;
	[tilespmem:$0x7000] =	vst v63  }
0x2fe: {  	_ = 	snop  }
0x2ff: {  	[spmem:s3] =	stream.indirect.scatter.add.f32 [tilespmem:s11], [sflag:$0x2], $0x10, s23, s13, $0xb8;
	[tilespmem:$0x7000] =	vst v63  }
0x300: {  	_ = 	snop  }
0x301: {  	[spmem:s3] =	stream.indirect.scatter.add.f32 [tilespmem:s11], [sflag:$0x3], $0x10, s24, s13, $0xb8;
	[tilespmem:$0x7000] =	vst v63  }
0x302: {  	_ = 	snop  }
0x303: {  	[spmem:s3] =	stream.indirect.scatter.add.f32 [tilespmem:s11], [sflag:$0x4], $0x10, s25, s13, $0xb8;
	[tilespmem:$0x7000] =	vst v63  }
0x304: {  	_ =	swait.ge [sflag:s14], $0x1000  }
0x305: {  	[sflag:s14] =	ssyncset.done $0x0  }
0x306: {  	[sflag:s14] =	ssyncadd.s32 $0xFFFFF000  }
0x307: {  	_ =	swait.ge [sflag:s15], $0x1000  }
0x308: {  	[sflag:s15] =	ssyncset.done $0x0  }
0x309: {  	[sflag:s15] =	ssyncadd.s32 $0xFFFFF000  }
0x30a: {  	_ =	swait.ge [sflag:s16], $0x1000  }
0x30b: {  	[sflag:s16] =	ssyncset.done $0x0  }
0x30c: {  	[sflag:s16] =	ssyncadd.s32 $0xFFFFF000  }
0x30d: {  	_ =	swait.ge [sflag:s12], $0x1000  }
0x30e: {  	[sflag:s12] =	ssyncset.done $0x0  }
0x30f: {  	[sflag:s12] =	ssyncadd.s32 $0xFFFFF000  }
0x310: {  	[spmem:s3] =	stream.indirect.scatter.add.f32 [tilespmem:s11], [sflag:$0x1], $0x10, s18, s13, $0xb8;
	[tilespmem:$0x7000] =	vst v63  }
0x311: {  	_ = 	snop  }
0x312: {  	[spmem:s3] =	stream.indirect.scatter.add.f32 [tilespmem:s11], [sflag:$0x2], $0x10, s19, s13, $0xb8;
	[tilespmem:$0x7000] =	vst v63  }
0x313: {  	_ = 	snop  }
0x314: {  	[spmem:s3] =	stream.indirect.scatter.add.f32 [tilespmem:s11], [sflag:$0x3], $0x10, s20, s13, $0xb8;
	[tilespmem:$0x7000] =	vst v63  }
0x315: {  	s25 =	simm.s32 $0x2700  }
0x316: {  	[spmem:s3] =	stream.indirect.scatter.add.f32 [tilespmem:s11], [sflag:$0x4], $0x10, s25, s13, $0xb8;
	[tilespmem:$0x7000] =	vst v63  }
0x317: {  	_ =	swait.ge [sflag:s14], $0x1000  }
0x318: {  	[sflag:s14] =	ssyncset.done $0x0  }
0x319: {  	[sflag:s14] =	ssyncadd.s32 $0xFFFFF000  }
0x31a: {  	_ =	swait.ge [sflag:s15], $0x1000  }
0x31b: {  	[sflag:s15] =	ssyncset.done $0x0  }
0x31c: {  	[sflag:s15] =	ssyncadd.s32 $0xFFFFF000  }
0x31d: {  	_ =	swait.ge [sflag:s16], $0x1000  }
0x31e: {  	[sflag:s16] =	ssyncset.done $0x0  }
0x31f: {  	[sflag:s16] =	ssyncadd.s32 $0xFFFFF000  }
0x320: {  	_ =	swait.ge [sflag:s12], $0x1000  }
0x321: {  	[sflag:s12] =	ssyncset.done $0x0  }
0x322: {  	[sflag:s12] =	ssyncadd.s32 $0xFFFFF000  }
0x323: {  	[bflag:$0x0] =	sbarrier.arrive $0xFFFF  }
0x324: {  	[tilespmem:s6], [sflag:$0x5] =	stream.linear.gather [spmem:s10], $0x800, $0x38;
	[tilespmem:$0x7000] =	vst v63  }
0x325: {  	_ =	swait.ge [sflag:s4], $0x800  }
0x326: {  	[sflag:s4] =	ssyncset.done $0x0  }
0x327: {  	s26 =	rddreg [dreg:$0x6];
	[sflag:s4] =	ssyncadd.s32 $0xFFFFF800  }
0x328: {  	[hbm4b:s26+s2] =	stream.linear.scatter [tilespmem:s6], [sflag:$0x5], $0x800, $0x38;
	[tilespmem:$0x7000] =	vst v63  }
0x329: {  	_ =	swait.ge [sflag:s4], $0x800  }
0x32a: {  	[sflag:s4] =	ssyncset.done $0x0  }
0x32b: {  	[sflag:s4] =	ssyncadd.s32 $0xFFFFF800  }
0x32c: {  	[tilespmem:s6], [sflag:$0x5] =	stream.linear.gather [spmem:s9], $0x800, $0x38;
	[tilespmem:$0x7000] =	vst v63  }
0x32d: {  	_ =	swait.ge [sflag:s4], $0x800  }
0x32e: {  	[sflag:s4] =	ssyncset.done $0x0  }
0x32f: {  	s28 =	rddreg [dreg:$0x7];
	[sflag:s4] =	ssyncadd.s32 $0xFFFFF800  }
0x330: {  	[hbm4b:s28+s2] =	stream.linear.scatter [tilespmem:s6], [sflag:$0x5], $0x800, $0x38;
	[tilespmem:$0x7000] =	vst v63  }
0x331: {  	_ =	swait.ge [sflag:s4], $0x800  }
0x332: {  	[sflag:s4] =	ssyncset.done $0x0  }
0x333: {  	[sflag:s4] =	ssyncadd.s32 $0xFFFFF800  }
0x334: {  	[tilespmem:s6], [sflag:$0x5] =	stream.linear.gather [spmem:s8], $0x800, $0x38;
	[tilespmem:$0x7000] =	vst v63  }
0x335: {  	_ =	swait.ge [sflag:s4], $0x800  }
0x336: {  	[sflag:s4] =	ssyncset.done $0x0  }
0x337: {  	s29 =	rddreg [dreg:$0x8];
	[sflag:s4] =	ssyncadd.s32 $0xFFFFF800  }
0x338: {  	[hbm4b:s29+s2] =	stream.linear.scatter [tilespmem:s6], [sflag:$0x5], $0x800, $0x38;
	[tilespmem:$0x7000] =	vst v63  }
0x339: {  	_ =	swait.ge [sflag:s4], $0x800  }
0x33a: {  	[sflag:s4] =	ssyncset.done $0x0  }
0x33b: {  	[sflag:s4] =	ssyncadd.s32 $0xFFFFF800  }
0x33c: {  	[tilespmem:s6], [sflag:$0x5] =	stream.linear.gather [spmem:s7], $0x800, $0x38;
	[tilespmem:$0x7000] =	vst v63  }
0x33d: {  	_ =	swait.ge [sflag:s4], $0x800  }
0x33e: {  	[sflag:s4] =	ssyncset.done $0x0  }
0x33f: {  	s30 =	rddreg [dreg:$0x9];
	[sflag:s4] =	ssyncadd.s32 $0xFFFFF800  }
0x340: {  	[hbm4b:s30+s2] =	stream.linear.scatter [tilespmem:s6], [sflag:$0x5], $0x800, $0x38;
	[tilespmem:$0x7000] =	vst v63  }
0x341: {  	_ =	swait.ge [sflag:s4], $0x800  }
0x342: {  	[sflag:s4] =	ssyncset.done $0x0  }
0x343: {  	[sflag:s4] =	ssyncadd.s32 $0xFFFFF800  }
0x344: {  	[tilespmem:s6], [sflag:$0x5] =	stream.linear.gather [spmem:s5], $0x800, $0x38;
	[tilespmem:$0x7000] =	vst v63  }
0x345: {  	_ =	swait.ge [sflag:s4], $0x800  }
0x346: {  	[sflag:s4] =	ssyncset.done $0x0  }
0x347: {  	s31 =	rddreg [dreg:$0xa];
	[sflag:s4] =	ssyncadd.s32 $0xFFFFF800  }
0x348: {  	[hbm4b:s31+s2] =	stream.linear.scatter [tilespmem:s6], [sflag:$0x5], $0x800, $0x38;
	[tilespmem:$0x7000] =	vst v63  }
0x349: {  	_ =	swait.ge [sflag:s4], $0x800  }
0x34a: {  	[sflag:s4] =	ssyncset.done $0x0  }
0x34b: {  	[sflag:s4] =	ssyncadd.s32 $0xFFFFF800  }
0x34c: {  	_ =	sfence.sel $0x180000  }
0x34d: {  	[bflag:$0x0] =	sbarrier.arrive $0xFFFF  }
0x34e: {  	_ =	strace $0x90000047  }
0x34f: {  	[bflag:$0x2] =	sbarrier.arrive $0xFFFF  }
0x350: {  	p0 =	sne.s32 s17, $0x0;
	s0 =	rddreg [dreg:$0x2]  }
0x351: {  	s0 =	sadd.s32 @!p0 $0x100000, s0  }
0x352: {  	[sflag:s0] =	ssyncadd.tile.s32 @!p0 $0x1;
	_ =	shalt  }
.LBB2_1:
.Ltmp3:
0x353: {  	s21 =	simm.s32 $0x1B00;
	(pc) =	sbr.rel .LBB2_6-.Ltmp3, $4  }
0x354: {  	s31 =	simm.s32 $0x1A00;
	s30 =	simm.s32 $0x1F00;
	s29 =	simm.s32 $0x1E00  }
0x355: {  	s28 =	simm.s32 $0x1D00;
	s26 =	simm.s32 $0x1C00;
	s25 =	simm.s32 $0x2300  }
0x356: {  	s24 =	simm.s32 $0x2200;
	s23 =	simm.s32 $0x2100;
	s22 =	simm.s32 $0x2000  }
0x357: {  	s20 =	simm.s32 $0x2600;
	s19 =	simm.s32 $0x2500;
	s18 =	simm.s32 $0x2400  }
.LBB2_3:
.Ltmp4:
0x358: {  	s21 =	simm.s32 $0x1B00;
	s31 =	simm.s32 $0x1A00;
	(pc) =	sbr.rel .LBB2_6-.Ltmp4, $4  }
0x359: {  	s30 =	simm.s32 $0x1F00;
	s29 =	simm.s32 $0x1E00;
	s28 =	simm.s32 $0x1D00  }
0x35a: {  	s26 =	simm.s32 $0x1C00;
	s25 =	simm.s32 $0x2300;
	s24 =	simm.s32 $0x2200  }
0x35b: {  	s23 =	simm.s32 $0x2100;
	s22 =	simm.s32 $0x2000;
	s20 =	simm.s32 $0x2600  }
0x35c: {  	s19 =	simm.s32 $0x2500;
	s18 =	simm.s32 $0x2400;
	s17 =	stileid.u32  }
.Lfunc_end2:
_tile_overlayer_lowered:
.L_overlay_start_2:
0x35d: {  	(tag) =	ssettag $0x2  }
0x35e: {  	s0 =	rddreg [dreg:$0x0];
	s2 =	stileid.u32  }
0x35f: {  	s1 =	rddreg [dreg:$0x1];
	p0 =	sne.s32 s2, $0x0  }
0x360: {  	s3 =	rddreg [dreg:$0x2];
	[bflag:$0x3] =	sbarrier.arrive $0xFFFF;
	s2 =	simm.s32 @!p0 $0x1C05  }
0x361: {  	[timem:s3], [sflag:s2] =	dma.local @!p0 [hbm:s0], s1  }
0x362: {  	s0 =	simm.s32 @!p0 $0x5  }
0x363: {  	_ =	swait.ge @!p0 [sflag:s0], s1  }
0x364: {  	s1 =	ssub.s32 @!p0 $0x0, s1;
	[sflag:s0] =	ssyncset.done @!p0 $0x0  }
0x365: {  	[sflag:s0] =	ssyncadd.s32 @!p0 s1  }
0x366: {  	[bflag:$0x3] =	sbarrier.arrive $0xFFFF  }
0x367: {  	_ =	shalt  }

</sc_bundles>
